<compile_context>
chip_gen: v7x
topology: tpu7x:2x2x1
jax: 0.10.2.dev20260603
libtpu: 0.0.44.dev20260713+nightly
codegen_flags: <defaults>
</compile_context>

<pallas_src>
import functools

import jax
import jax.numpy as jnp
from jax import lax
from jax.experimental import pallas as pl
from jax.experimental.pallas import tpu as pltpu
from jax.experimental.pallas import tpu_sc as plsc

N_NODES = 10000
N_EDGES = 320000
D = 128

NC = 2
NS = 16
NW = NC * NS

B = 128
NB = 80
EPT = NB * B
EPAD = EPT * NW

NPAD = 10240
RPT = NPAD // NS

_MESH = plsc.VectorSubcoreMesh(core_axis_name="c", subcore_axis_name="s")


def _deg_body(dst_hbm, ones_hbm, zeros_hbm, out_hbm, dstv, onesv, acc):
    c = lax.axis_index("c")
    s = lax.axis_index("s")
    wid = c * NS + s

    pltpu.sync_copy(ones_hbm, onesv)

    for r in range(RPT // B):
        pltpu.sync_copy(zeros_hbm, acc.at[pl.ds(s * RPT + r * B, B)])
    plsc.subcore_barrier()

    def body(jc, carry):
        base = pl.multiple_of(wid * NB + jc * 8, 8)
        pltpu.sync_copy(dst_hbm.at[pl.ds(base, 8)], dstv)
        for jj in range(8):
            pltpu.sync_copy(onesv, acc.at[dstv.at[jj]], add=True)
        return carry

    lax.fori_loop(0, NB // 8, body, 0)
    plsc.subcore_barrier()

    base = c * NPAD + s * RPT
    pltpu.sync_copy(acc.at[pl.ds(s * RPT, RPT)], out_hbm.at[pl.ds(base, RPT)])


@functools.partial(
    pl.kernel,
    mesh=_MESH,
    out_type=jax.ShapeDtypeStruct((NC * NPAD, D), jnp.float32),
    scratch_types=[
        pltpu.VMEM((8, B), jnp.int32),
        pltpu.VMEM((B, D), jnp.float32),
        pltpu.VMEM_SHARED((NPAD, D), jnp.float32),
    ],
)
def _deg_kernel(dst_hbm, ones_hbm, zeros_hbm, out_hbm, dstv, onesv, acc):
    _deg_body(dst_hbm, ones_hbm, zeros_hbm, out_hbm, dstv, onesv, acc)


_CH = 8
_NCHUNK = NB // _CH


def _scat_body(y_hbm, src_hbm, dst_hbm, zeros_hbm, out_hbm,
               srcv, dstv, rows0, rows1, gsem0, gsem1, ssem0, ssem1,
               acc):
    c = lax.axis_index("c")
    s = lax.axis_index("s")
    wid = c * NS + s

    for r in range(RPT // B):
        pltpu.sync_copy(zeros_hbm, acc.at[pl.ds(s * RPT + r * B, B)])
    plsc.subcore_barrier()

    rows = (rows0, rows1)
    gsems = (gsem0, gsem1)
    ssems = (ssem0, ssem1)

    def chunk(jc, carry):
        base = pl.multiple_of(wid * NB + jc * _CH, _CH)
        pltpu.sync_copy(src_hbm.at[pl.ds(base, _CH)], srcv)
        pltpu.sync_copy(dst_hbm.at[pl.ds(base, _CH)], dstv)
        g = [pltpu.async_copy(y_hbm.at[srcv.at[0]], rows[0], gsems[0]),
             pltpu.async_copy(y_hbm.at[srcv.at[1]], rows[1], gsems[1])]
        sc = [None, None]
        for jj in range(_CH):
            b = jj % 2
            g[b].wait()
            sc[b] = pltpu.async_copy(rows[b], acc.at[dstv.at[jj]], ssems[b],
                                     add=True)
            if jj + 2 < _CH:
                sc[b].wait()
                g[b] = pltpu.async_copy(y_hbm.at[srcv.at[jj + 2]], rows[b],
                                        gsems[b])
        sc[0].wait()
        sc[1].wait()
        return carry

    lax.fori_loop(0, _NCHUNK, chunk, 0)
    plsc.subcore_barrier()

    base = c * NPAD + s * RPT
    pltpu.sync_copy(acc.at[pl.ds(s * RPT, RPT)], out_hbm.at[pl.ds(base, RPT)])


@functools.partial(
    pl.kernel,
    mesh=_MESH,
    out_type=jax.ShapeDtypeStruct((NC * NPAD, D), jnp.float32),
    scratch_types=[
        pltpu.VMEM((_CH, B), jnp.int32),
        pltpu.VMEM((_CH, B), jnp.int32),
        pltpu.VMEM((B, D), jnp.float32),
        pltpu.VMEM((B, D), jnp.float32),
        pltpu.SemaphoreType.DMA,
        pltpu.SemaphoreType.DMA,
        pltpu.SemaphoreType.DMA,
        pltpu.SemaphoreType.DMA,
        pltpu.VMEM_SHARED((NPAD, D), jnp.float32),
    ],
)
def _scat_kernel(y_hbm, src_hbm, dst_hbm, zeros_hbm, out_hbm,
                 srcv, dstv, rows0, rows1, gsem0, gsem1, ssem0, ssem1,
                 acc):
    _scat_body(y_hbm, src_hbm, dst_hbm, zeros_hbm, out_hbm,
               srcv, dstv, rows0, rows1, gsem0, gsem1, ssem0, ssem1,
               acc)


_BLK = 512
_GRID = NPAD // _BLK


def _k1_body(x_ref, d0_ref, d1_ref, w_ref, y_ref, dbc_ref):
    deg = d0_ref[...] + d1_ref[...] + 1.0
    d = lax.rsqrt(deg)
    y_ref[...] = jnp.dot(x_ref[...], w_ref[...],
                         preferred_element_type=jnp.float32) * d
    dbc_ref[...] = d


def _tc_scale_matmul(x_pad, deg0, deg1, W1):
    return pl.pallas_call(
        _k1_body,
        grid=(_GRID,),
        in_specs=[
            pl.BlockSpec((_BLK, D), lambda i: (i, 0)),
            pl.BlockSpec((_BLK, D), lambda i: (i, 0)),
            pl.BlockSpec((_BLK, D), lambda i: (i, 0)),
            pl.BlockSpec((D, D), lambda i: (0, 0)),
        ],
        out_specs=[
            pl.BlockSpec((_BLK, D), lambda i: (i, 0)),
            pl.BlockSpec((_BLK, D), lambda i: (i, 0)),
        ],
        out_shape=[
            jax.ShapeDtypeStruct((NPAD, D), jnp.float32),
            jax.ShapeDtypeStruct((NPAD, D), jnp.float32),
        ],
    )(x_pad, deg0, deg1, W1)


def _k2_body(s0_ref, s1_ref, y_ref, dbc_ref, b_ref, w_ref, h_ref, y2_ref):
    dbc = dbc_ref[...]
    h = jnp.maximum(dbc * (s0_ref[...] + s1_ref[...] + y_ref[...])
                    + b_ref[...], 0.0)
    h_ref[...] = h
    y2_ref[...] = jnp.dot(h, w_ref[...],
                          preferred_element_type=jnp.float32) * dbc


def _tc_combine_matmul(s0, s1, y1, dbc, b1, W2):
    return pl.pallas_call(
        _k2_body,
        grid=(_GRID,),
        in_specs=[
            pl.BlockSpec((_BLK, D), lambda i: (i, 0)),
            pl.BlockSpec((_BLK, D), lambda i: (i, 0)),
            pl.BlockSpec((_BLK, D), lambda i: (i, 0)),
            pl.BlockSpec((_BLK, D), lambda i: (i, 0)),
            pl.BlockSpec((1, D), lambda i: (0, 0)),
            pl.BlockSpec((D, D), lambda i: (0, 0)),
        ],
        out_specs=[
            pl.BlockSpec((_BLK, D), lambda i: (i, 0)),
            pl.BlockSpec((_BLK, D), lambda i: (i, 0)),
        ],
        out_shape=[
            jax.ShapeDtypeStruct((NPAD, D), jnp.float32),
            jax.ShapeDtypeStruct((NPAD, D), jnp.float32),
        ],
    )(s0, s1, y1, dbc, b1, W2)


def _k3_body(s0_ref, s1_ref, y_ref, dbc_ref, b_ref, h_ref):
    h_ref[...] = jnp.maximum(
        dbc_ref[...] * (s0_ref[...] + s1_ref[...] + y_ref[...])
        + b_ref[...], 0.0)


def _tc_combine(s0, s1, y2, dbc, b2):
    return pl.pallas_call(
        _k3_body,
        grid=(_GRID,),
        in_specs=[
            pl.BlockSpec((_BLK, D), lambda i: (i, 0)),
            pl.BlockSpec((_BLK, D), lambda i: (i, 0)),
            pl.BlockSpec((_BLK, D), lambda i: (i, 0)),
            pl.BlockSpec((_BLK, D), lambda i: (i, 0)),
            pl.BlockSpec((1, D), lambda i: (0, 0)),
        ],
        out_specs=pl.BlockSpec((_BLK, D), lambda i: (i, 0)),
        out_shape=jax.ShapeDtypeStruct((NPAD, D), jnp.float32),
    )(s0, s1, y2, dbc, b2)


def kernel(x, edge_index, W1, b1, W2, b2):
    ei = edge_index.astype(jnp.int32)
    pad = EPAD - N_EDGES
    src = jnp.concatenate(
        [ei[0], jnp.full((pad,), N_NODES, jnp.int32)]).reshape(EPAD // B, B)
    dst = jnp.concatenate(
        [ei[1], jnp.full((pad,), N_NODES, jnp.int32)]).reshape(EPAD // B, B)

    x_pad = jnp.pad(x, ((0, NPAD - N_NODES), (0, 0)))
    ones128 = jnp.ones((B, D), jnp.float32)
    zeros128 = jnp.zeros((B, D), jnp.float32)
    b1r = b1.reshape(1, D)
    b2r = b2.reshape(1, D)

    degp = _deg_kernel(dst, ones128, zeros128)
    deg0 = degp[:NPAD]
    deg1 = degp[NPAD:]

    y1, dbc = _tc_scale_matmul(x_pad, deg0, deg1, W1)

    s1p = _scat_kernel(y1, src, dst, zeros128)
    h1, y2 = _tc_combine_matmul(s1p[:NPAD], s1p[NPAD:], y1, dbc, b1r, W2)

    s2p = _scat_kernel(y2, src, dst, zeros128)
    h2 = _tc_combine(s2p[:NPAD], s2p[NPAD:], y2, dbc, b2r)

    return jnp.concatenate([h1[:N_NODES], h2[:N_NODES]], axis=1)

# --- scband reference (transcript-rebuilt; emitter-appended) ---
"""Pipeline reference for scband-gcnencoder-42640435314985 (READ-ONLY COPY).

The authoritative reference and input builder live on the scoring server;
editing this copy changes nothing except your own understanding.
"""

import jax, jax.numpy as jnp
import numpy as np

N_NODES = 10000
N_EDGES = 320000
D_IN = 128
D_HID = 128


def setup_inputs(seed: int = 0) -> dict:
    key = jax.random.key(seed)
    k_x, k_ei, k_w1, k_b1, k_w2, k_b2 = jax.random.split(key, 6)
    x = jax.random.normal(k_x, (N_NODES, D_IN), dtype=jnp.float32)
    edge_index = jax.random.randint(k_ei, (2, N_EDGES), 0, N_NODES, dtype=jnp.int64)
    # Glorot-style init for GCN linear layers (weight [in, out]), zero bias like PyG default
    s1 = (6.0 / (D_IN + D_HID)) ** 0.5
    s2 = (6.0 / (D_HID + D_HID)) ** 0.5
    W1 = jax.random.uniform(k_w1, (D_IN, D_HID), dtype=jnp.float32, minval=-s1, maxval=s1)
    b1 = jnp.zeros((D_HID,), dtype=jnp.float32)
    W2 = jax.random.uniform(k_w2, (D_HID, D_HID), dtype=jnp.float32, minval=-s2, maxval=s2)
    b2 = jnp.zeros((D_HID,), dtype=jnp.float32)
    return {"x": x, "edge_index": edge_index, "W1": W1, "b1": b1, "W2": W2, "b2": b2}


def _gcn_conv(x, src, dst, W, b):
    # Faithful PyG GCNConv: add self loops, symmetric normalization, linear transform
    n = x.shape[0]
    loop = jnp.arange(n, dtype=src.dtype)
    src_f = jnp.concatenate([src, loop])
    dst_f = jnp.concatenate([dst, loop])
    ones = jnp.ones(src_f.shape[0], dtype=x.dtype)
    deg = jnp.zeros((n,), dtype=x.dtype).at[dst_f].add(ones)
    deg_inv_sqrt = jnp.where(deg > 0, deg ** -0.5, 0.0)
    norm = deg_inv_sqrt[src_f] * deg_inv_sqrt[dst_f]
    xw = x @ W
    msg = xw[src_f] * norm[:, None]
    out = jnp.zeros((n, W.shape[1]), dtype=x.dtype).at[dst_f].add(msg)
    return out + b


def reference(x, edge_index, W1, b1, W2, b2):
    src = edge_index[0]
    dst = edge_index[1]
    h1 = jax.nn.relu(_gcn_conv(x, src, dst, W1, b1))
    h2 = jax.nn.relu(_gcn_conv(h1, src, dst, W2, b2))
    return jnp.concatenate([h1, h2], axis=1)

if __name__ == "__main__":
    import jax
    _d = setup_inputs()
    print(jax.jit(kernel)(*tuple(_d.values())))

</pallas_src>

<mosaic_0001>
#map = affine_map<(d0, d1) -> (0, 0)>
module attributes {stable_mosaic.version = 14 : i64} {
  func.func @_deg_kernel(%arg0: i32, %arg1: i32, %arg2: memref<2560x128xi32, #tpu.memory_space<hbm>>, %arg3: memref<128x128xf32, #tpu.memory_space<hbm>>, %arg4: memref<128x128xf32, #tpu.memory_space<hbm>>, %arg5: memref<20480x128xf32, #tpu.memory_space<hbm>>, %arg6: memref<8x128xi32, #tpu.memory_space<vmem>>, %arg7: memref<128x128xf32, #tpu.memory_space<vmem>>, %arg8: memref<10240x128xf32, #tpu.memory_space<vmem_shared>>) attributes {dimension_semantics = [#tpu.dimension_semantics<core_parallel>, #tpu.dimension_semantics<subcore_parallel>], iteration_bounds = array<i64: 2, 16>, scalar_prefetch = 0 : i64, scratch_operands = 3 : i64, tpu.core_type = #tpu.core_type<sc_vector_subcore>, window_params = [{transform_indices = #map}, {transform_indices = #map}, {transform_indices = #map}, {transform_indices = #map}]} {
    %mul3A = arith.constant 16 : i32
    %mul3A_0 = arith.muli %arg0, %mul3A : i32
    %add3A = arith.addi %mul3A_0, %arg1 : i32
    "tpu.region"() ({
      %run_scoped3A = tpu.sem_alloc : memref<!tpu.dma_semaphore, #tpu.memory_space<semaphore_mem>>
      tpu.enqueue_dma source(%arg3 : memref<128x128xf32, #tpu.memory_space<hbm>>) target(%arg7 : memref<128x128xf32, #tpu.memory_space<vmem>>) target_semaphore(%run_scoped3A : memref<!tpu.dma_semaphore, #tpu.memory_space<semaphore_mem>>)
      tpu.wait_dma2 semaphore(%run_scoped3A : memref<!tpu.dma_semaphore, #tpu.memory_space<semaphore_mem>>) src(%arg3 : memref<128x128xf32, #tpu.memory_space<hbm>>) dst(%arg7 : memref<128x128xf32, #tpu.memory_space<vmem>>)
      tpu.yield
    }) : () -> ()
    %mul3A_1 = arith.constant 640 : i32
    %mul3A_2 = arith.muli %arg1, %mul3A_1 : i32
    %add3A_3 = arith.constant 0 : i32
    %add3A_4 = arith.addi %mul3A_2, %add3A_3 : i32
    "tpu.region"() ({
      %run_scoped3A = tpu.sem_alloc : memref<!tpu.dma_semaphore, #tpu.memory_space<semaphore_mem>>
      %dma_start3A = arith.constant 0 : i32
      %dma_start3A_34 = tpu.memref_slice %arg8[%add3A_4, %dma_start3A] : memref<10240x128xf32, #tpu.memory_space<vmem_shared>> -> memref<128x128xf32, #tpu.memory_space<vmem_shared>>
      tpu.enqueue_dma source(%arg4 : memref<128x128xf32, #tpu.memory_space<hbm>>) target(%dma_start3A_34 : memref<128x128xf32, #tpu.memory_space<vmem_shared>>) target_semaphore(%run_scoped3A : memref<!tpu.dma_semaphore, #tpu.memory_space<semaphore_mem>>)
      %dma_wait3A = arith.constant 0 : i32
      %dma_wait3A_35 = tpu.memref_slice %arg8[%add3A_4, %dma_wait3A] : memref<10240x128xf32, #tpu.memory_space<vmem_shared>> -> memref<128x128xf32, #tpu.memory_space<vmem_shared>>
      tpu.wait_dma2 semaphore(%run_scoped3A : memref<!tpu.dma_semaphore, #tpu.memory_space<semaphore_mem>>) src(%arg4 : memref<128x128xf32, #tpu.memory_space<hbm>>) dst(%dma_wait3A_35 : memref<128x128xf32, #tpu.memory_space<vmem_shared>>)
      tpu.yield
    }) : () -> ()
    %mul3A_5 = arith.constant 640 : i32
    %mul3A_6 = arith.muli %arg1, %mul3A_5 : i32
    %add3A_7 = arith.constant 128 : i32
    %add3A_8 = arith.addi %mul3A_6, %add3A_7 : i32
    "tpu.region"() ({
      %run_scoped3A = tpu.sem_alloc : memref<!tpu.dma_semaphore, #tpu.memory_space<semaphore_mem>>
      %dma_start3A = arith.constant 0 : i32
      %dma_start3A_34 = tpu.memref_slice %arg8[%add3A_8, %dma_start3A] : memref<10240x128xf32, #tpu.memory_space<vmem_shared>> -> memref<128x128xf32, #tpu.memory_space<vmem_shared>>
      tpu.enqueue_dma source(%arg4 : memref<128x128xf32, #tpu.memory_space<hbm>>) target(%dma_start3A_34 : memref<128x128xf32, #tpu.memory_space<vmem_shared>>) target_semaphore(%run_scoped3A : memref<!tpu.dma_semaphore, #tpu.memory_space<semaphore_mem>>)
      %dma_wait3A = arith.constant 0 : i32
      %dma_wait3A_35 = tpu.memref_slice %arg8[%add3A_8, %dma_wait3A] : memref<10240x128xf32, #tpu.memory_space<vmem_shared>> -> memref<128x128xf32, #tpu.memory_space<vmem_shared>>
      tpu.wait_dma2 semaphore(%run_scoped3A : memref<!tpu.dma_semaphore, #tpu.memory_space<semaphore_mem>>) src(%arg4 : memref<128x128xf32, #tpu.memory_space<hbm>>) dst(%dma_wait3A_35 : memref<128x128xf32, #tpu.memory_space<vmem_shared>>)
      tpu.yield
    }) : () -> ()
    %mul3A_9 = arith.constant 640 : i32
    %mul3A_10 = arith.muli %arg1, %mul3A_9 : i32
    %add3A_11 = arith.constant 256 : i32
    %add3A_12 = arith.addi %mul3A_10, %add3A_11 : i32
    "tpu.region"() ({
      %run_scoped3A = tpu.sem_alloc : memref<!tpu.dma_semaphore, #tpu.memory_space<semaphore_mem>>
      %dma_start3A = arith.constant 0 : i32
      %dma_start3A_34 = tpu.memref_slice %arg8[%add3A_12, %dma_start3A] : memref<10240x128xf32, #tpu.memory_space<vmem_shared>> -> memref<128x128xf32, #tpu.memory_space<vmem_shared>>
      tpu.enqueue_dma source(%arg4 : memref<128x128xf32, #tpu.memory_space<hbm>>) target(%dma_start3A_34 : memref<128x128xf32, #tpu.memory_space<vmem_shared>>) target_semaphore(%run_scoped3A : memref<!tpu.dma_semaphore, #tpu.memory_space<semaphore_mem>>)
      %dma_wait3A = arith.constant 0 : i32
      %dma_wait3A_35 = tpu.memref_slice %arg8[%add3A_12, %dma_wait3A] : memref<10240x128xf32, #tpu.memory_space<vmem_shared>> -> memref<128x128xf32, #tpu.memory_space<vmem_shared>>
      tpu.wait_dma2 semaphore(%run_scoped3A : memref<!tpu.dma_semaphore, #tpu.memory_space<semaphore_mem>>) src(%arg4 : memref<128x128xf32, #tpu.memory_space<hbm>>) dst(%dma_wait3A_35 : memref<128x128xf32, #tpu.memory_space<vmem_shared>>)
      tpu.yield
    }) : () -> ()
    %mul3A_13 = arith.constant 640 : i32
    %mul3A_14 = arith.muli %arg1, %mul3A_13 : i32
    %add3A_15 = arith.constant 384 : i32
    %add3A_16 = arith.addi %mul3A_14, %add3A_15 : i32
    "tpu.region"() ({
      %run_scoped3A = tpu.sem_alloc : memref<!tpu.dma_semaphore, #tpu.memory_space<semaphore_mem>>
      %dma_start3A = arith.constant 0 : i32
      %dma_start3A_34 = tpu.memref_slice %arg8[%add3A_16, %dma_start3A] : memref<10240x128xf32, #tpu.memory_space<vmem_shared>> -> memref<128x128xf32, #tpu.memory_space<vmem_shared>>
      tpu.enqueue_dma source(%arg4 : memref<128x128xf32, #tpu.memory_space<hbm>>) target(%dma_start3A_34 : memref<128x128xf32, #tpu.memory_space<vmem_shared>>) target_semaphore(%run_scoped3A : memref<!tpu.dma_semaphore, #tpu.memory_space<semaphore_mem>>)
      %dma_wait3A = arith.constant 0 : i32
      %dma_wait3A_35 = tpu.memref_slice %arg8[%add3A_16, %dma_wait3A] : memref<10240x128xf32, #tpu.memory_space<vmem_shared>> -> memref<128x128xf32, #tpu.memory_space<vmem_shared>>
      tpu.wait_dma2 semaphore(%run_scoped3A : memref<!tpu.dma_semaphore, #tpu.memory_space<semaphore_mem>>) src(%arg4 : memref<128x128xf32, #tpu.memory_space<hbm>>) dst(%dma_wait3A_35 : memref<128x128xf32, #tpu.memory_space<vmem_shared>>)
      tpu.yield
    }) : () -> ()
    %mul3A_17 = arith.constant 640 : i32
    %mul3A_18 = arith.muli %arg1, %mul3A_17 : i32
    %add3A_19 = arith.constant 512 : i32
    %add3A_20 = arith.addi %mul3A_18, %add3A_19 : i32
    "tpu.region"() ({
      %run_scoped3A = tpu.sem_alloc : memref<!tpu.dma_semaphore, #tpu.memory_space<semaphore_mem>>
      %dma_start3A = arith.constant 0 : i32
      %dma_start3A_34 = tpu.memref_slice %arg8[%add3A_20, %dma_start3A] : memref<10240x128xf32, #tpu.memory_space<vmem_shared>> -> memref<128x128xf32, #tpu.memory_space<vmem_shared>>
      tpu.enqueue_dma source(%arg4 : memref<128x128xf32, #tpu.memory_space<hbm>>) target(%dma_start3A_34 : memref<128x128xf32, #tpu.memory_space<vmem_shared>>) target_semaphore(%run_scoped3A : memref<!tpu.dma_semaphore, #tpu.memory_space<semaphore_mem>>)
      %dma_wait3A = arith.constant 0 : i32
      %dma_wait3A_35 = tpu.memref_slice %arg8[%add3A_20, %dma_wait3A] : memref<10240x128xf32, #tpu.memory_space<vmem_shared>> -> memref<128x128xf32, #tpu.memory_space<vmem_shared>>
      tpu.wait_dma2 semaphore(%run_scoped3A : memref<!tpu.dma_semaphore, #tpu.memory_space<semaphore_mem>>) src(%arg4 : memref<128x128xf32, #tpu.memory_space<hbm>>) dst(%dma_wait3A_35 : memref<128x128xf32, #tpu.memory_space<vmem_shared>>)
      tpu.yield
    }) : () -> ()
    %barrier3A = arith.constant 0 : index
    tpu.barrier barrier_id(%barrier3A)
    %scan3A = arith.constant 0 : i32
    %scan3A_21 = arith.constant 0 : i32
    %scan3A_22 = arith.constant 10 : i32
    %scan3A_23 = arith.addi %scan3A_21, %scan3A_22 : i32
    %scan3A_24 = arith.constant 1 : i32
    scf.for %scan3A_34 = %scan3A_21 to %scan3A_23 step %scan3A_24  : i32 {
      %mul3A_35 = arith.constant 80 : i32
      %mul3A_36 = arith.muli %add3A, %mul3A_35 : i32
      %mul3A_37 = arith.constant 8 : i32
      %mul3A_38 = arith.muli %scan3A_34, %mul3A_37 : i32
      %add3A_39 = arith.addi %mul3A_36, %mul3A_38 : i32
      %multiple_of3A = tpu.assume_multiple %add3A_39, 8 : i32
      "tpu.region"() ({
        %run_scoped3A_47 = tpu.sem_alloc : memref<!tpu.dma_semaphore, #tpu.memory_space<semaphore_mem>>
        %dma_start3A = arith.constant 0 : i32
        %dma_start3A_48 = tpu.memref_slice %arg2[%multiple_of3A, %dma_start3A] : memref<2560x128xi32, #tpu.memory_space<hbm>> -> memref<8x128xi32, #tpu.memory_space<hbm>>
        %dma_start3A_49 = arith.constant 0 : i32
        %dma_start3A_50 = tpu.memref_slice %arg2[%multiple_of3A, %dma_start3A_49] : memref<2560x128xi32, #tpu.memory_space<hbm>> -> memref<8x128xi32, #tpu.memory_space<hbm>>
        tpu.enqueue_dma source(%dma_start3A_50 : memref<8x128xi32, #tpu.memory_space<hbm>>) target(%arg6 : memref<8x128xi32, #tpu.memory_space<vmem>>) target_semaphore(%run_scoped3A_47 : memref<!tpu.dma_semaphore, #tpu.memory_space<semaphore_mem>>)
        %dma_wait3A = arith.constant 0 : i32
        %dma_wait3A_51 = tpu.memref_slice %arg2[%multiple_of3A, %dma_wait3A] : memref<2560x128xi32, #tpu.memory_space<hbm>> -> memref<8x128xi32, #tpu.memory_space<hbm>>
        %dma_wait3A_52 = arith.constant 0 : i32
        %dma_wait3A_53 = tpu.memref_slice %arg2[%multiple_of3A, %dma_wait3A_52] : memref<2560x128xi32, #tpu.memory_space<hbm>> -> memref<8x128xi32, #tpu.memory_space<hbm>>
        tpu.wait_dma2 semaphore(%run_scoped3A_47 : memref<!tpu.dma_semaphore, #tpu.memory_space<semaphore_mem>>) src(%dma_wait3A_53 : memref<8x128xi32, #tpu.memory_space<hbm>>) dst(%arg6 : memref<8x128xi32, #tpu.memory_space<vmem>>)
        tpu.yield
      }) : () -> ()
      %run_scoped3A = arith.constant 0 : i32
      "tpu.region"() ({
        %run_scoped3A_47 = tpu.sem_alloc : memref<!tpu.dma_semaphore, #tpu.memory_space<semaphore_mem>>
        %dma_start3A = arith.constant 0 : i32
        %dma_start3A_48 = tpu.memref_slice %arg6[%run_scoped3A, %dma_start3A] : memref<8x128xi32, #tpu.memory_space<vmem>> -> memref<1x128xi32, #tpu.memory_space<vmem>>
        %dma_start3A_49 = tpu.memref_squeeze %dma_start3A_48 : memref<1x128xi32, #tpu.memory_space<vmem>> -> memref<128xi32, #tpu.memory_space<vmem>>
        %dma_start3A_50 = arith.constant 0 : i32
        %dma_start3A_51 = arith.constant 0 : i32
        %dma_start3A_52 = tpu.memref_slice %arg8[%dma_start3A_50, %dma_start3A_51] : memref<10240x128xf32, #tpu.memory_space<vmem_shared>> -> memref<10240x128xf32, #tpu.memory_space<vmem_shared>>
        tpu.enqueue_indirect_dma source(%arg7 : memref<128x128xf32, #tpu.memory_space<vmem>>) target(%dma_start3A_52 : memref<10240x128xf32, #tpu.memory_space<vmem_shared>>) offsets(%dma_start3A_49 : memref<128xi32, #tpu.memory_space<vmem>>) semaphore(%run_scoped3A_47 : memref<!tpu.dma_semaphore, #tpu.memory_space<semaphore_mem>>) {add = true}
        %dma_wait3A = arith.constant 0 : i32
        %dma_wait3A_53 = tpu.memref_slice %arg6[%run_scoped3A, %dma_wait3A] : memref<8x128xi32, #tpu.memory_space<vmem>> -> memref<1x128xi32, #tpu.memory_space<vmem>>
        %dma_wait3A_54 = tpu.memref_squeeze %dma_wait3A_53 : memref<1x128xi32, #tpu.memory_space<vmem>> -> memref<128xi32, #tpu.memory_space<vmem>>
        %dma_wait3A_55 = arith.constant 0 : i32
        %dma_wait3A_56 = arith.constant 0 : i32
        %dma_wait3A_57 = tpu.memref_slice %arg8[%dma_wait3A_55, %dma_wait3A_56] : memref<10240x128xf32, #tpu.memory_space<vmem_shared>> -> memref<10240x128xf32, #tpu.memory_space<vmem_shared>>
        tpu.wait_indirect_dma semaphore(%run_scoped3A_47 : memref<!tpu.dma_semaphore, #tpu.memory_space<semaphore_mem>>) src(%arg7 : memref<128x128xf32, #tpu.memory_space<vmem>>) dst(%dma_wait3A_57 : memref<10240x128xf32, #tpu.memory_space<vmem_shared>>)
        tpu.yield
      }) : () -> ()
      %run_scoped3A_40 = arith.constant 1 : i32
      "tpu.region"() ({
        %run_scoped3A_47 = tpu.sem_alloc : memref<!tpu.dma_semaphore, #tpu.memory_space<semaphore_mem>>
        %dma_start3A = arith.constant 0 : i32
        %dma_start3A_48 = tpu.memref_slice %arg6[%run_scoped3A_40, %dma_start3A] : memref<8x128xi32, #tpu.memory_space<vmem>> -> memref<1x128xi32, #tpu.memory_space<vmem>>
        %dma_start3A_49 = tpu.memref_squeeze %dma_start3A_48 : memref<1x128xi32, #tpu.memory_space<vmem>> -> memref<128xi32, #tpu.memory_space<vmem>>
        %dma_start3A_50 = arith.constant 0 : i32
        %dma_start3A_51 = arith.constant 0 : i32
        %dma_start3A_52 = tpu.memref_slice %arg8[%dma_start3A_50, %dma_start3A_51] : memref<10240x128xf32, #tpu.memory_space<vmem_shared>> -> memref<10240x128xf32, #tpu.memory_space<vmem_shared>>
        tpu.enqueue_indirect_dma source(%arg7 : memref<128x128xf32, #tpu.memory_space<vmem>>) target(%dma_start3A_52 : memref<10240x128xf32, #tpu.memory_space<vmem_shared>>) offsets(%dma_start3A_49 : memref<128xi32, #tpu.memory_space<vmem>>) semaphore(%run_scoped3A_47 : memref<!tpu.dma_semaphore, #tpu.memory_space<semaphore_mem>>) {add = true}
        %dma_wait3A = arith.constant 0 : i32
        %dma_wait3A_53 = tpu.memref_slice %arg6[%run_scoped3A_40, %dma_wait3A] : memref<8x128xi32, #tpu.memory_space<vmem>> -> memref<1x128xi32, #tpu.memory_space<vmem>>
        %dma_wait3A_54 = tpu.memref_squeeze %dma_wait3A_53 : memref<1x128xi32, #tpu.memory_space<vmem>> -> memref<128xi32, #tpu.memory_space<vmem>>
        %dma_wait3A_55 = arith.constant 0 : i32
        %dma_wait3A_56 = arith.constant 0 : i32
        %dma_wait3A_57 = tpu.memref_slice %arg8[%dma_wait3A_55, %dma_wait3A_56] : memref<10240x128xf32, #tpu.memory_space<vmem_shared>> -> memref<10240x128xf32, #tpu.memory_space<vmem_shared>>
        tpu.wait_indirect_dma semaphore(%run_scoped3A_47 : memref<!tpu.dma_semaphore, #tpu.memory_space<semaphore_mem>>) src(%arg7 : memref<128x128xf32, #tpu.memory_space<vmem>>) dst(%dma_wait3A_57 : memref<10240x128xf32, #tpu.memory_space<vmem_shared>>)
        tpu.yield
      }) : () -> ()
      %run_scoped3A_41 = arith.constant 2 : i32
      "tpu.region"() ({
        %run_scoped3A_47 = tpu.sem_alloc : memref<!tpu.dma_semaphore, #tpu.memory_space<semaphore_mem>>
        %dma_start3A = arith.constant 0 : i32
        %dma_start3A_48 = tpu.memref_slice %arg6[%run_scoped3A_41, %dma_start3A] : memref<8x128xi32, #tpu.memory_space<vmem>> -> memref<1x128xi32, #tpu.memory_space<vmem>>
        %dma_start3A_49 = tpu.memref_squeeze %dma_start3A_48 : memref<1x128xi32, #tpu.memory_space<vmem>> -> memref<128xi32, #tpu.memory_space<vmem>>
        %dma_start3A_50 = arith.constant 0 : i32
        %dma_start3A_51 = arith.constant 0 : i32
        %dma_start3A_52 = tpu.memref_slice %arg8[%dma_start3A_50, %dma_start3A_51] : memref<10240x128xf32, #tpu.memory_space<vmem_shared>> -> memref<10240x128xf32, #tpu.memory_space<vmem_shared>>
        tpu.enqueue_indirect_dma source(%arg7 : memref<128x128xf32, #tpu.memory_space<vmem>>) target(%dma_start3A_52 : memref<10240x128xf32, #tpu.memory_space<vmem_shared>>) offsets(%dma_start3A_49 : memref<128xi32, #tpu.memory_space<vmem>>) semaphore(%run_scoped3A_47 : memref<!tpu.dma_semaphore, #tpu.memory_space<semaphore_mem>>) {add = true}
        %dma_wait3A = arith.constant 0 : i32
        %dma_wait3A_53 = tpu.memref_slice %arg6[%run_scoped3A_41, %dma_wait3A] : memref<8x128xi32, #tpu.memory_space<vmem>> -> memref<1x128xi32, #tpu.memory_space<vmem>>
        %dma_wait3A_54 = tpu.memref_squeeze %dma_wait3A_53 : memref<1x128xi32, #tpu.memory_space<vmem>> -> memref<128xi32, #tpu.memory_space<vmem>>
        %dma_wait3A_55 = arith.constant 0 : i32
        %dma_wait3A_56 = arith.constant 0 : i32
        %dma_wait3A_57 = tpu.memref_slice %arg8[%dma_wait3A_55, %dma_wait3A_56] : memref<10240x128xf32, #tpu.memory_space<vmem_shared>> -> memref<10240x128xf32, #tpu.memory_space<vmem_shared>>
        tpu.wait_indirect_dma semaphore(%run_scoped3A_47 : memref<!tpu.dma_semaphore, #tpu.memory_space<semaphore_mem>>) src(%arg7 : memref<128x128xf32, #tpu.memory_space<vmem>>) dst(%dma_wait3A_57 : memref<10240x128xf32, #tpu.memory_space<vmem_shared>>)
        tpu.yield
      }) : () -> ()
      %run_scoped3A_42 = arith.constant 3 : i32
      "tpu.region"() ({
        %run_scoped3A_47 = tpu.sem_alloc : memref<!tpu.dma_semaphore, #tpu.memory_space<semaphore_mem>>
        %dma_start3A = arith.constant 0 : i32
        %dma_start3A_48 = tpu.memref_slice %arg6[%run_scoped3A_42, %dma_start3A] : memref<8x128xi32, #tpu.memory_space<vmem>> -> memref<1x128xi32, #tpu.memory_space<vmem>>
        %dma_start3A_49 = tpu.memref_squeeze %dma_start3A_48 : memref<1x128xi32, #tpu.memory_space<vmem>> -> memref<128xi32, #tpu.memory_space<vmem>>
        %dma_start3A_50 = arith.constant 0 : i32
        %dma_start3A_51 = arith.constant 0 : i32
        %dma_start3A_52 = tpu.memref_slice %arg8[%dma_start3A_50, %dma_start3A_51] : memref<10240x128xf32, #tpu.memory_space<vmem_shared>> -> memref<10240x128xf32, #tpu.memory_space<vmem_shared>>
        tpu.enqueue_indirect_dma source(%arg7 : memref<128x128xf32, #tpu.memory_space<vmem>>) target(%dma_start3A_52 : memref<10240x128xf32, #tpu.memory_space<vmem_shared>>) offsets(%dma_start3A_49 : memref<128xi32, #tpu.memory_space<vmem>>) semaphore(%run_scoped3A_47 : memref<!tpu.dma_semaphore, #tpu.memory_space<semaphore_mem>>) {add = true}
        %dma_wait3A = arith.constant 0 : i32
        %dma_wait3A_53 = tpu.memref_slice %arg6[%run_scoped3A_42, %dma_wait3A] : memref<8x128xi32, #tpu.memory_space<vmem>> -> memref<1x128xi32, #tpu.memory_space<vmem>>
        %dma_wait3A_54 = tpu.memref_squeeze %dma_wait3A_53 : memref<1x128xi32, #tpu.memory_space<vmem>> -> memref<128xi32, #tpu.memory_space<vmem>>
        %dma_wait3A_55 = arith.constant 0 : i32
        %dma_wait3A_56 = arith.constant 0 : i32
        %dma_wait3A_57 = tpu.memref_slice %arg8[%dma_wait3A_55, %dma_wait3A_56] : memref<10240x128xf32, #tpu.memory_space<vmem_shared>> -> memref<10240x128xf32, #tpu.memory_space<vmem_shared>>
        tpu.wait_indirect_dma semaphore(%run_scoped3A_47 : memref<!tpu.dma_semaphore, #tpu.memory_space<semaphore_mem>>) src(%arg7 : memref<128x128xf32, #tpu.memory_space<vmem>>) dst(%dma_wait3A_57 : memref<10240x128xf32, #tpu.memory_space<vmem_shared>>)
        tpu.yield
      }) : () -> ()
      %run_scoped3A_43 = arith.constant 4 : i32
      "tpu.region"() ({
        %run_scoped3A_47 = tpu.sem_alloc : memref<!tpu.dma_semaphore, #tpu.memory_space<semaphore_mem>>
        %dma_start3A = arith.constant 0 : i32
        %dma_start3A_48 = tpu.memref_slice %arg6[%run_scoped3A_43, %dma_start3A] : memref<8x128xi32, #tpu.memory_space<vmem>> -> memref<1x128xi32, #tpu.memory_space<vmem>>
        %dma_start3A_49 = tpu.memref_squeeze %dma_start3A_48 : memref<1x128xi32, #tpu.memory_space<vmem>> -> memref<128xi32, #tpu.memory_space<vmem>>
        %dma_start3A_50 = arith.constant 0 : i32
        %dma_start3A_51 = arith.constant 0 : i32
        %dma_start3A_52 = tpu.memref_slice %arg8[%dma_start3A_50, %dma_start3A_51] : memref<10240x128xf32, #tpu.memory_space<vmem_shared>> -> memref<10240x128xf32, #tpu.memory_space<vmem_shared>>
        tpu.enqueue_indirect_dma source(%arg7 : memref<128x128xf32, #tpu.memory_space<vmem>>) target(%dma_start3A_52 : memref<10240x128xf32, #tpu.memory_space<vmem_shared>>) offsets(%dma_start3A_49 : memref<128xi32, #tpu.memory_space<vmem>>) semaphore(%run_scoped3A_47 : memref<!tpu.dma_semaphore, #tpu.memory_space<semaphore_mem>>) {add = true}
        %dma_wait3A = arith.constant 0 : i32
        %dma_wait3A_53 = tpu.memref_slice %arg6[%run_scoped3A_43, %dma_wait3A] : memref<8x128xi32, #tpu.memory_space<vmem>> -> memref<1x128xi32, #tpu.memory_space<vmem>>
        %dma_wait3A_54 = tpu.memref_squeeze %dma_wait3A_53 : memref<1x128xi32, #tpu.memory_space<vmem>> -> memref<128xi32, #tpu.memory_space<vmem>>
        %dma_wait3A_55 = arith.constant 0 : i32
        %dma_wait3A_56 = arith.constant 0 : i32
        %dma_wait3A_57 = tpu.memref_slice %arg8[%dma_wait3A_55, %dma_wait3A_56] : memref<10240x128xf32, #tpu.memory_space<vmem_shared>> -> memref<10240x128xf32, #tpu.memory_space<vmem_shared>>
        tpu.wait_indirect_dma semaphore(%run_scoped3A_47 : memref<!tpu.dma_semaphore, #tpu.memory_space<semaphore_mem>>) src(%arg7 : memref<128x128xf32, #tpu.memory_space<vmem>>) dst(%dma_wait3A_57 : memref<10240x128xf32, #tpu.memory_space<vmem_shared>>)
        tpu.yield
      }) : () -> ()
      %run_scoped3A_44 = arith.constant 5 : i32
      "tpu.region"() ({
        %run_scoped3A_47 = tpu.sem_alloc : memref<!tpu.dma_semaphore, #tpu.memory_space<semaphore_mem>>
        %dma_start3A = arith.constant 0 : i32
        %dma_start3A_48 = tpu.memref_slice %arg6[%run_scoped3A_44, %dma_start3A] : memref<8x128xi32, #tpu.memory_space<vmem>> -> memref<1x128xi32, #tpu.memory_space<vmem>>
        %dma_start3A_49 = tpu.memref_squeeze %dma_start3A_48 : memref<1x128xi32, #tpu.memory_space<vmem>> -> memref<128xi32, #tpu.memory_space<vmem>>
        %dma_start3A_50 = arith.constant 0 : i32
        %dma_start3A_51 = arith.constant 0 : i32
        %dma_start3A_52 = tpu.memref_slice %arg8[%dma_start3A_50, %dma_start3A_51] : memref<10240x128xf32, #tpu.memory_space<vmem_shared>> -> memref<10240x128xf32, #tpu.memory_space<vmem_shared>>
        tpu.enqueue_indirect_dma source(%arg7 : memref<128x128xf32, #tpu.memory_space<vmem>>) target(%dma_start3A_52 : memref<10240x128xf32, #tpu.memory_space<vmem_shared>>) offsets(%dma_start3A_49 : memref<128xi32, #tpu.memory_space<vmem>>) semaphore(%run_scoped3A_47 : memref<!tpu.dma_semaphore, #tpu.memory_space<semaphore_mem>>) {add = true}
        %dma_wait3A = arith.constant 0 : i32
        %dma_wait3A_53 = tpu.memref_slice %arg6[%run_scoped3A_44, %dma_wait3A] : memref<8x128xi32, #tpu.memory_space<vmem>> -> memref<1x128xi32, #tpu.memory_space<vmem>>
        %dma_wait3A_54 = tpu.memref_squeeze %dma_wait3A_53 : memref<1x128xi32, #tpu.memory_space<vmem>> -> memref<128xi32, #tpu.memory_space<vmem>>
        %dma_wait3A_55 = arith.constant 0 : i32
        %dma_wait3A_56 = arith.constant 0 : i32
        %dma_wait3A_57 = tpu.memref_slice %arg8[%dma_wait3A_55, %dma_wait3A_56] : memref<10240x128xf32, #tpu.memory_space<vmem_shared>> -> memref<10240x128xf32, #tpu.memory_space<vmem_shared>>
        tpu.wait_indirect_dma semaphore(%run_scoped3A_47 : memref<!tpu.dma_semaphore, #tpu.memory_space<semaphore_mem>>) src(%arg7 : memref<128x128xf32, #tpu.memory_space<vmem>>) dst(%dma_wait3A_57 : memref<10240x128xf32, #tpu.memory_space<vmem_shared>>)
        tpu.yield
      }) : () -> ()
      %run_scoped3A_45 = arith.constant 6 : i32
      "tpu.region"() ({
        %run_scoped3A_47 = tpu.sem_alloc : memref<!tpu.dma_semaphore, #tpu.memory_space<semaphore_mem>>
        %dma_start3A = arith.constant 0 : i32
        %dma_start3A_48 = tpu.memref_slice %arg6[%run_scoped3A_45, %dma_start3A] : memref<8x128xi32, #tpu.memory_space<vmem>> -> memref<1x128xi32, #tpu.memory_space<vmem>>
        %dma_start3A_49 = tpu.memref_squeeze %dma_start3A_48 : memref<1x128xi32, #tpu.memory_space<vmem>> -> memref<128xi32, #tpu.memory_space<vmem>>
        %dma_start3A_50 = arith.constant 0 : i32
        %dma_start3A_51 = arith.constant 0 : i32
        %dma_start3A_52 = tpu.memref_slice %arg8[%dma_start3A_50, %dma_start3A_51] : memref<10240x128xf32, #tpu.memory_space<vmem_shared>> -> memref<10240x128xf32, #tpu.memory_space<vmem_shared>>
        tpu.enqueue_indirect_dma source(%arg7 : memref<128x128xf32, #tpu.memory_space<vmem>>) target(%dma_start3A_52 : memref<10240x128xf32, #tpu.memory_space<vmem_shared>>) offsets(%dma_start3A_49 : memref<128xi32, #tpu.memory_space<vmem>>) semaphore(%run_scoped3A_47 : memref<!tpu.dma_semaphore, #tpu.memory_space<semaphore_mem>>) {add = true}
        %dma_wait3A = arith.constant 0 : i32
        %dma_wait3A_53 = tpu.memref_slice %arg6[%run_scoped3A_45, %dma_wait3A] : memref<8x128xi32, #tpu.memory_space<vmem>> -> memref<1x128xi32, #tpu.memory_space<vmem>>
        %dma_wait3A_54 = tpu.memref_squeeze %dma_wait3A_53 : memref<1x128xi32, #tpu.memory_space<vmem>> -> memref<128xi32, #tpu.memory_space<vmem>>
        %dma_wait3A_55 = arith.constant 0 : i32
        %dma_wait3A_56 = arith.constant 0 : i32
        %dma_wait3A_57 = tpu.memref_slice %arg8[%dma_wait3A_55, %dma_wait3A_56] : memref<10240x128xf32, #tpu.memory_space<vmem_shared>> -> memref<10240x128xf32, #tpu.memory_space<vmem_shared>>
        tpu.wait_indirect_dma semaphore(%run_scoped3A_47 : memref<!tpu.dma_semaphore, #tpu.memory_space<semaphore_mem>>) src(%arg7 : memref<128x128xf32, #tpu.memory_space<vmem>>) dst(%dma_wait3A_57 : memref<10240x128xf32, #tpu.memory_space<vmem_shared>>)
        tpu.yield
      }) : () -> ()
      %run_scoped3A_46 = arith.constant 7 : i32
      "tpu.region"() ({
        %run_scoped3A_47 = tpu.sem_alloc : memref<!tpu.dma_semaphore, #tpu.memory_space<semaphore_mem>>
        %dma_start3A = arith.constant 0 : i32
        %dma_start3A_48 = tpu.memref_slice %arg6[%run_scoped3A_46, %dma_start3A] : memref<8x128xi32, #tpu.memory_space<vmem>> -> memref<1x128xi32, #tpu.memory_space<vmem>>
        %dma_start3A_49 = tpu.memref_squeeze %dma_start3A_48 : memref<1x128xi32, #tpu.memory_space<vmem>> -> memref<128xi32, #tpu.memory_space<vmem>>
        %dma_start3A_50 = arith.constant 0 : i32
        %dma_start3A_51 = arith.constant 0 : i32
        %dma_start3A_52 = tpu.memref_slice %arg8[%dma_start3A_50, %dma_start3A_51] : memref<10240x128xf32, #tpu.memory_space<vmem_shared>> -> memref<10240x128xf32, #tpu.memory_space<vmem_shared>>
        tpu.enqueue_indirect_dma source(%arg7 : memref<128x128xf32, #tpu.memory_space<vmem>>) target(%dma_start3A_52 : memref<10240x128xf32, #tpu.memory_space<vmem_shared>>) offsets(%dma_start3A_49 : memref<128xi32, #tpu.memory_space<vmem>>) semaphore(%run_scoped3A_47 : memref<!tpu.dma_semaphore, #tpu.memory_space<semaphore_mem>>) {add = true}
        %dma_wait3A = arith.constant 0 : i32
        %dma_wait3A_53 = tpu.memref_slice %arg6[%run_scoped3A_46, %dma_wait3A] : memref<8x128xi32, #tpu.memory_space<vmem>> -> memref<1x128xi32, #tpu.memory_space<vmem>>
        %dma_wait3A_54 = tpu.memref_squeeze %dma_wait3A_53 : memref<1x128xi32, #tpu.memory_space<vmem>> -> memref<128xi32, #tpu.memory_space<vmem>>
        %dma_wait3A_55 = arith.constant 0 : i32
        %dma_wait3A_56 = arith.constant 0 : i32
        %dma_wait3A_57 = tpu.memref_slice %arg8[%dma_wait3A_55, %dma_wait3A_56] : memref<10240x128xf32, #tpu.memory_space<vmem_shared>> -> memref<10240x128xf32, #tpu.memory_space<vmem_shared>>
        tpu.wait_indirect_dma semaphore(%run_scoped3A_47 : memref<!tpu.dma_semaphore, #tpu.memory_space<semaphore_mem>>) src(%arg7 : memref<128x128xf32, #tpu.memory_space<vmem>>) dst(%dma_wait3A_57 : memref<10240x128xf32, #tpu.memory_space<vmem_shared>>)
        tpu.yield
      }) : () -> ()
    }
    %scan3A_25 = arith.constant 10 : i32
    %barrier3A_26 = arith.constant 0 : index
    tpu.barrier barrier_id(%barrier3A_26)
    %mul3A_27 = arith.constant 10240 : i32
    %mul3A_28 = arith.muli %arg0, %mul3A_27 : i32
    %mul3A_29 = arith.constant 640 : i32
    %mul3A_30 = arith.muli %arg1, %mul3A_29 : i32
    %add3A_31 = arith.addi %mul3A_28, %mul3A_30 : i32
    %mul3A_32 = arith.constant 640 : i32
    %mul3A_33 = arith.muli %arg1, %mul3A_32 : i32
    "tpu.region"() ({
      %run_scoped3A = tpu.sem_alloc : memref<!tpu.dma_semaphore, #tpu.memory_space<semaphore_mem>>
      %dma_start3A = arith.constant 0 : i32
      %dma_start3A_34 = tpu.memref_slice %arg5[%add3A_31, %dma_start3A] : memref<20480x128xf32, #tpu.memory_space<hbm>> -> memref<640x128xf32, #tpu.memory_space<hbm>>
      %dma_start3A_35 = arith.constant 0 : i32
      %dma_start3A_36 = tpu.memref_slice %arg8[%mul3A_33, %dma_start3A_35] : memref<10240x128xf32, #tpu.memory_space<vmem_shared>> -> memref<640x128xf32, #tpu.memory_space<vmem_shared>>
      tpu.enqueue_dma source(%dma_start3A_36 : memref<640x128xf32, #tpu.memory_space<vmem_shared>>) target(%dma_start3A_34 : memref<640x128xf32, #tpu.memory_space<hbm>>) target_semaphore(%run_scoped3A : memref<!tpu.dma_semaphore, #tpu.memory_space<semaphore_mem>>)
      %dma_wait3A = arith.constant 0 : i32
      %dma_wait3A_37 = tpu.memref_slice %arg5[%add3A_31, %dma_wait3A] : memref<20480x128xf32, #tpu.memory_space<hbm>> -> memref<640x128xf32, #tpu.memory_space<hbm>>
      %dma_wait3A_38 = arith.constant 0 : i32
      %dma_wait3A_39 = tpu.memref_slice %arg8[%mul3A_33, %dma_wait3A_38] : memref<10240x128xf32, #tpu.memory_space<vmem_shared>> -> memref<640x128xf32, #tpu.memory_space<vmem_shared>>
      tpu.wait_dma2 semaphore(%run_scoped3A : memref<!tpu.dma_semaphore, #tpu.memory_space<semaphore_mem>>) src(%dma_wait3A_39 : memref<640x128xf32, #tpu.memory_space<vmem_shared>>) dst(%dma_wait3A_37 : memref<640x128xf32, #tpu.memory_space<hbm>>)
      tpu.yield
    }) : () -> ()
    return
  }
}

#map = affine_map<(d0, d1) -> (0, 0)>
module attributes {stable_mosaic.version = 14 : i64} {
  func.func @_scat_kernel(%arg0: i32, %arg1: i32, %arg2: memref<10240x128xf32, #tpu.memory_space<hbm>>, %arg3: memref<2560x128xi32, #tpu.memory_space<hbm>>, %arg4: memref<2560x128xi32, #tpu.memory_space<hbm>>, %arg5: memref<128x128xf32, #tpu.memory_space<hbm>>, %arg6: memref<20480x128xf32, #tpu.memory_space<hbm>>, %arg7: memref<8x128xi32, #tpu.memory_space<vmem>>, %arg8: memref<8x128xi32, #tpu.memory_space<vmem>>, %arg9: memref<128x128xf32, #tpu.memory_space<vmem>>, %arg10: memref<128x128xf32, #tpu.memory_space<vmem>>, %arg11: memref<!tpu.dma_semaphore, #tpu.memory_space<semaphore_mem>>, %arg12: memref<!tpu.dma_semaphore, #tpu.memory_space<semaphore_mem>>, %arg13: memref<!tpu.dma_semaphore, #tpu.memory_space<semaphore_mem>>, %arg14: memref<!tpu.dma_semaphore, #tpu.memory_space<semaphore_mem>>, %arg15: memref<10240x128xf32, #tpu.memory_space<vmem_shared>>) attributes {dimension_semantics = [#tpu.dimension_semantics<core_parallel>, #tpu.dimension_semantics<subcore_parallel>], iteration_bounds = array<i64: 2, 16>, scalar_prefetch = 0 : i64, scratch_operands = 9 : i64, tpu.core_type = #tpu.core_type<sc_vector_subcore>, window_params = [{transform_indices = #map}, {transform_indices = #map}, {transform_indices = #map}, {transform_indices = #map}, {transform_indices = #map}]} {
    %mul3A = arith.constant 16 : i32
    %mul3A_0 = arith.muli %arg0, %mul3A : i32
    %add3A = arith.addi %mul3A_0, %arg1 : i32
    %mul3A_1 = arith.constant 640 : i32
    %mul3A_2 = arith.muli %arg1, %mul3A_1 : i32
    %add3A_3 = arith.constant 0 : i32
    %add3A_4 = arith.addi %mul3A_2, %add3A_3 : i32
    "tpu.region"() ({
      %run_scoped3A = tpu.sem_alloc : memref<!tpu.dma_semaphore, #tpu.memory_space<semaphore_mem>>
      %dma_start3A = arith.constant 0 : i32
      %dma_start3A_34 = tpu.memref_slice %arg15[%add3A_4, %dma_start3A] : memref<10240x128xf32, #tpu.memory_space<vmem_shared>> -> memref<128x128xf32, #tpu.memory_space<vmem_shared>>
      tpu.enqueue_dma source(%arg5 : memref<128x128xf32, #tpu.memory_space<hbm>>) target(%dma_start3A_34 : memref<128x128xf32, #tpu.memory_space<vmem_shared>>) target_semaphore(%run_scoped3A : memref<!tpu.dma_semaphore, #tpu.memory_space<semaphore_mem>>)
      %dma_wait3A = arith.constant 0 : i32
      %dma_wait3A_35 = tpu.memref_slice %arg15[%add3A_4, %dma_wait3A] : memref<10240x128xf32, #tpu.memory_space<vmem_shared>> -> memref<128x128xf32, #tpu.memory_space<vmem_shared>>
      tpu.wait_dma2 semaphore(%run_scoped3A : memref<!tpu.dma_semaphore, #tpu.memory_space<semaphore_mem>>) src(%arg5 : memref<128x128xf32, #tpu.memory_space<hbm>>) dst(%dma_wait3A_35 : memref<128x128xf32, #tpu.memory_space<vmem_shared>>)
      tpu.yield
    }) : () -> ()
    %mul3A_5 = arith.constant 640 : i32
    %mul3A_6 = arith.muli %arg1, %mul3A_5 : i32
    %add3A_7 = arith.constant 128 : i32
    %add3A_8 = arith.addi %mul3A_6, %add3A_7 : i32
    "tpu.region"() ({
      %run_scoped3A = tpu.sem_alloc : memref<!tpu.dma_semaphore, #tpu.memory_space<semaphore_mem>>
      %dma_start3A = arith.constant 0 : i32
      %dma_start3A_34 = tpu.memref_slice %arg15[%add3A_8, %dma_start3A] : memref<10240x128xf32, #tpu.memory_space<vmem_shared>> -> memref<128x128xf32, #tpu.memory_space<vmem_shared>>
      tpu.enqueue_dma source(%arg5 : memref<128x128xf32, #tpu.memory_space<hbm>>) target(%dma_start3A_34 : memref<128x128xf32, #tpu.memory_space<vmem_shared>>) target_semaphore(%run_scoped3A : memref<!tpu.dma_semaphore, #tpu.memory_space<semaphore_mem>>)
      %dma_wait3A = arith.constant 0 : i32
      %dma_wait3A_35 = tpu.memref_slice %arg15[%add3A_8, %dma_wait3A] : memref<10240x128xf32, #tpu.memory_space<vmem_shared>> -> memref<128x128xf32, #tpu.memory_space<vmem_shared>>
      tpu.wait_dma2 semaphore(%run_scoped3A : memref<!tpu.dma_semaphore, #tpu.memory_space<semaphore_mem>>) src(%arg5 : memref<128x128xf32, #tpu.memory_space<hbm>>) dst(%dma_wait3A_35 : memref<128x128xf32, #tpu.memory_space<vmem_shared>>)
      tpu.yield
    }) : () -> ()
    %mul3A_9 = arith.constant 640 : i32
    %mul3A_10 = arith.muli %arg1, %mul3A_9 : i32
    %add3A_11 = arith.constant 256 : i32
    %add3A_12 = arith.addi %mul3A_10, %add3A_11 : i32
    "tpu.region"() ({
      %run_scoped3A = tpu.sem_alloc : memref<!tpu.dma_semaphore, #tpu.memory_space<semaphore_mem>>
      %dma_start3A = arith.constant 0 : i32
      %dma_start3A_34 = tpu.memref_slice %arg15[%add3A_12, %dma_start3A] : memref<10240x128xf32, #tpu.memory_space<vmem_shared>> -> memref<128x128xf32, #tpu.memory_space<vmem_shared>>
      tpu.enqueue_dma source(%arg5 : memref<128x128xf32, #tpu.memory_space<hbm>>) target(%dma_start3A_34 : memref<128x128xf32, #tpu.memory_space<vmem_shared>>) target_semaphore(%run_scoped3A : memref<!tpu.dma_semaphore, #tpu.memory_space<semaphore_mem>>)
      %dma_wait3A = arith.constant 0 : i32
      %dma_wait3A_35 = tpu.memref_slice %arg15[%add3A_12, %dma_wait3A] : memref<10240x128xf32, #tpu.memory_space<vmem_shared>> -> memref<128x128xf32, #tpu.memory_space<vmem_shared>>
      tpu.wait_dma2 semaphore(%run_scoped3A : memref<!tpu.dma_semaphore, #tpu.memory_space<semaphore_mem>>) src(%arg5 : memref<128x128xf32, #tpu.memory_space<hbm>>) dst(%dma_wait3A_35 : memref<128x128xf32, #tpu.memory_space<vmem_shared>>)
      tpu.yield
    }) : () -> ()
    %mul3A_13 = arith.constant 640 : i32
    %mul3A_14 = arith.muli %arg1, %mul3A_13 : i32
    %add3A_15 = arith.constant 384 : i32
    %add3A_16 = arith.addi %mul3A_14, %add3A_15 : i32
    "tpu.region"() ({
      %run_scoped3A = tpu.sem_alloc : memref<!tpu.dma_semaphore, #tpu.memory_space<semaphore_mem>>
      %dma_start3A = arith.constant 0 : i32
      %dma_start3A_34 = tpu.memref_slice %arg15[%add3A_16, %dma_start3A] : memref<10240x128xf32, #tpu.memory_space<vmem_shared>> -> memref<128x128xf32, #tpu.memory_space<vmem_shared>>
      tpu.enqueue_dma source(%arg5 : memref<128x128xf32, #tpu.memory_space<hbm>>) target(%dma_start3A_34 : memref<128x128xf32, #tpu.memory_space<vmem_shared>>) target_semaphore(%run_scoped3A : memref<!tpu.dma_semaphore, #tpu.memory_space<semaphore_mem>>)
      %dma_wait3A = arith.constant 0 : i32
      %dma_wait3A_35 = tpu.memref_slice %arg15[%add3A_16, %dma_wait3A] : memref<10240x128xf32, #tpu.memory_space<vmem_shared>> -> memref<128x128xf32, #tpu.memory_space<vmem_shared>>
      tpu.wait_dma2 semaphore(%run_scoped3A : memref<!tpu.dma_semaphore, #tpu.memory_space<semaphore_mem>>) src(%arg5 : memref<128x128xf32, #tpu.memory_space<hbm>>) dst(%dma_wait3A_35 : memref<128x128xf32, #tpu.memory_space<vmem_shared>>)
      tpu.yield
    }) : () -> ()
    %mul3A_17 = arith.constant 640 : i32
    %mul3A_18 = arith.muli %arg1, %mul3A_17 : i32
    %add3A_19 = arith.constant 512 : i32
    %add3A_20 = arith.addi %mul3A_18, %add3A_19 : i32
    "tpu.region"() ({
      %run_scoped3A = tpu.sem_alloc : memref<!tpu.dma_semaphore, #tpu.memory_space<semaphore_mem>>
      %dma_start3A = arith.constant 0 : i32
      %dma_start3A_34 = tpu.memref_slice %arg15[%add3A_20, %dma_start3A] : memref<10240x128xf32, #tpu.memory_space<vmem_shared>> -> memref<128x128xf32, #tpu.memory_space<vmem_shared>>
      tpu.enqueue_dma source(%arg5 : memref<128x128xf32, #tpu.memory_space<hbm>>) target(%dma_start3A_34 : memref<128x128xf32, #tpu.memory_space<vmem_shared>>) target_semaphore(%run_scoped3A : memref<!tpu.dma_semaphore, #tpu.memory_space<semaphore_mem>>)
      %dma_wait3A = arith.constant 0 : i32
      %dma_wait3A_35 = tpu.memref_slice %arg15[%add3A_20, %dma_wait3A] : memref<10240x128xf32, #tpu.memory_space<vmem_shared>> -> memref<128x128xf32, #tpu.memory_space<vmem_shared>>
      tpu.wait_dma2 semaphore(%run_scoped3A : memref<!tpu.dma_semaphore, #tpu.memory_space<semaphore_mem>>) src(%arg5 : memref<128x128xf32, #tpu.memory_space<hbm>>) dst(%dma_wait3A_35 : memref<128x128xf32, #tpu.memory_space<vmem_shared>>)
      tpu.yield
    }) : () -> ()
    %barrier3A = arith.constant 0 : index
    tpu.barrier barrier_id(%barrier3A)
    %scan3A = arith.constant 0 : i32
    %scan3A_21 = arith.constant 0 : i32
    %scan3A_22 = arith.constant 10 : i32
    %scan3A_23 = arith.addi %scan3A_21, %scan3A_22 : i32
    %scan3A_24 = arith.constant 1 : i32
    scf.for %scan3A_34 = %scan3A_21 to %scan3A_23 step %scan3A_24  : i32 {
      %mul3A_35 = arith.constant 80 : i32
      %mul3A_36 = arith.muli %add3A, %mul3A_35 : i32
      %mul3A_37 = arith.constant 8 : i32
      %mul3A_38 = arith.muli %scan3A_34, %mul3A_37 : i32
      %add3A_39 = arith.addi %mul3A_36, %mul3A_38 : i32
      %multiple_of3A = tpu.assume_multiple %add3A_39, 8 : i32
      "tpu.region"() ({
        %run_scoped3A = tpu.sem_alloc : memref<!tpu.dma_semaphore, #tpu.memory_space<semaphore_mem>>
        %dma_start3A_262 = arith.constant 0 : i32
        %dma_start3A_263 = tpu.memref_slice %arg3[%multiple_of3A, %dma_start3A_262] : memref<2560x128xi32, #tpu.memory_space<hbm>> -> memref<8x128xi32, #tpu.memory_space<hbm>>
        %dma_start3A_264 = arith.constant 0 : i32
        %dma_start3A_265 = tpu.memref_slice %arg3[%multiple_of3A, %dma_start3A_264] : memref<2560x128xi32, #tpu.memory_space<hbm>> -> memref<8x128xi32, #tpu.memory_space<hbm>>
        tpu.enqueue_dma source(%dma_start3A_265 : memref<8x128xi32, #tpu.memory_space<hbm>>) target(%arg7 : memref<8x128xi32, #tpu.memory_space<vmem>>) target_semaphore(%run_scoped3A : memref<!tpu.dma_semaphore, #tpu.memory_space<semaphore_mem>>)
        %dma_wait3A_266 = arith.constant 0 : i32
        %dma_wait3A_267 = tpu.memref_slice %arg3[%multiple_of3A, %dma_wait3A_266] : memref<2560x128xi32, #tpu.memory_space<hbm>> -> memref<8x128xi32, #tpu.memory_space<hbm>>
        %dma_wait3A_268 = arith.constant 0 : i32
        %dma_wait3A_269 = tpu.memref_slice %arg3[%multiple_of3A, %dma_wait3A_268] : memref<2560x128xi32, #tpu.memory_space<hbm>> -> memref<8x128xi32, #tpu.memory_space<hbm>>
        tpu.wait_dma2 semaphore(%run_scoped3A : memref<!tpu.dma_semaphore, #tpu.memory_space<semaphore_mem>>) src(%dma_wait3A_269 : memref<8x128xi32, #tpu.memory_space<hbm>>) dst(%arg7 : memref<8x128xi32, #tpu.memory_space<vmem>>)
        tpu.yield
      }) : () -> ()
      "tpu.region"() ({
        %run_scoped3A = tpu.sem_alloc : memref<!tpu.dma_semaphore, #tpu.memory_space<semaphore_mem>>
        %dma_start3A_262 = arith.constant 0 : i32
        %dma_start3A_263 = tpu.memref_slice %arg4[%multiple_of3A, %dma_start3A_262] : memref<2560x128xi32, #tpu.memory_space<hbm>> -> memref<8x128xi32, #tpu.memory_space<hbm>>
        %dma_start3A_264 = arith.constant 0 : i32
        %dma_start3A_265 = tpu.memref_slice %arg4[%multiple_of3A, %dma_start3A_264] : memref<2560x128xi32, #tpu.memory_space<hbm>> -> memref<8x128xi32, #tpu.memory_space<hbm>>
        tpu.enqueue_dma source(%dma_start3A_265 : memref<8x128xi32, #tpu.memory_space<hbm>>) target(%arg8 : memref<8x128xi32, #tpu.memory_space<vmem>>) target_semaphore(%run_scoped3A : memref<!tpu.dma_semaphore, #tpu.memory_space<semaphore_mem>>)
        %dma_wait3A_266 = arith.constant 0 : i32
        %dma_wait3A_267 = tpu.memref_slice %arg4[%multiple_of3A, %dma_wait3A_266] : memref<2560x128xi32, #tpu.memory_space<hbm>> -> memref<8x128xi32, #tpu.memory_space<hbm>>
        %dma_wait3A_268 = arith.constant 0 : i32
        %dma_wait3A_269 = tpu.memref_slice %arg4[%multiple_of3A, %dma_wait3A_268] : memref<2560x128xi32, #tpu.memory_space<hbm>> -> memref<8x128xi32, #tpu.memory_space<hbm>>
        tpu.wait_dma2 semaphore(%run_scoped3A : memref<!tpu.dma_semaphore, #tpu.memory_space<semaphore_mem>>) src(%dma_wait3A_269 : memref<8x128xi32, #tpu.memory_space<hbm>>) dst(%arg8 : memref<8x128xi32, #tpu.memory_space<vmem>>)
        tpu.yield
      }) : () -> ()
      %dma_start3A = arith.constant 0 : i32
      %dma_start3A_40 = arith.constant 0 : i32
      %dma_start3A_41 = tpu.memref_slice %arg7[%dma_start3A, %dma_start3A_40] : memref<8x128xi32, #tpu.memory_space<vmem>> -> memref<1x128xi32, #tpu.memory_space<vmem>>
      %dma_start3A_42 = tpu.memref_squeeze %dma_start3A_41 : memref<1x128xi32, #tpu.memory_space<vmem>> -> memref<128xi32, #tpu.memory_space<vmem>>
      %dma_start3A_43 = arith.constant 0 : i32
      %dma_start3A_44 = arith.constant 0 : i32
      %dma_start3A_45 = tpu.memref_slice %arg2[%dma_start3A_43, %dma_start3A_44] : memref<10240x128xf32, #tpu.memory_space<hbm>> -> memref<10240x128xf32, #tpu.memory_space<hbm>>
      tpu.enqueue_indirect_dma source(%dma_start3A_45 : memref<10240x128xf32, #tpu.memory_space<hbm>>) target(%arg9 : memref<128x128xf32, #tpu.memory_space<vmem>>) offsets(%dma_start3A_42 : memref<128xi32, #tpu.memory_space<vmem>>) semaphore(%arg11 : memref<!tpu.dma_semaphore, #tpu.memory_space<semaphore_mem>>)
      %dma_start3A_46 = arith.constant 1 : i32
      %dma_start3A_47 = arith.constant 0 : i32
      %dma_start3A_48 = tpu.memref_slice %arg7[%dma_start3A_46, %dma_start3A_47] : memref<8x128xi32, #tpu.memory_space<vmem>> -> memref<1x128xi32, #tpu.memory_space<vmem>>
      %dma_start3A_49 = tpu.memref_squeeze %dma_start3A_48 : memref<1x128xi32, #tpu.memory_space<vmem>> -> memref<128xi32, #tpu.memory_space<vmem>>
      %dma_start3A_50 = arith.constant 0 : i32
      %dma_start3A_51 = arith.constant 0 : i32
      %dma_start3A_52 = tpu.memref_slice %arg2[%dma_start3A_50, %dma_start3A_51] : memref<10240x128xf32, #tpu.memory_space<hbm>> -> memref<10240x128xf32, #tpu.memory_space<hbm>>
      tpu.enqueue_indirect_dma source(%dma_start3A_52 : memref<10240x128xf32, #tpu.memory_space<hbm>>) target(%arg10 : memref<128x128xf32, #tpu.memory_space<vmem>>) offsets(%dma_start3A_49 : memref<128xi32, #tpu.memory_space<vmem>>) semaphore(%arg12 : memref<!tpu.dma_semaphore, #tpu.memory_space<semaphore_mem>>)
      %dma_wait3A = arith.constant 0 : i32
      %dma_wait3A_53 = arith.constant 0 : i32
      %dma_wait3A_54 = tpu.memref_slice %arg7[%dma_wait3A, %dma_wait3A_53] : memref<8x128xi32, #tpu.memory_space<vmem>> -> memref<1x128xi32, #tpu.memory_space<vmem>>
      %dma_wait3A_55 = tpu.memref_squeeze %dma_wait3A_54 : memref<1x128xi32, #tpu.memory_space<vmem>> -> memref<128xi32, #tpu.memory_space<vmem>>
      %dma_wait3A_56 = arith.constant 0 : i32
      %dma_wait3A_57 = arith.constant 0 : i32
      %dma_wait3A_58 = tpu.memref_slice %arg2[%dma_wait3A_56, %dma_wait3A_57] : memref<10240x128xf32, #tpu.memory_space<hbm>> -> memref<10240x128xf32, #tpu.memory_space<hbm>>
      tpu.wait_indirect_dma semaphore(%arg11 : memref<!tpu.dma_semaphore, #tpu.memory_space<semaphore_mem>>) src(%dma_wait3A_58 : memref<10240x128xf32, #tpu.memory_space<hbm>>) dst(%arg9 : memref<128x128xf32, #tpu.memory_space<vmem>>)
      %dma_start3A_59 = arith.constant 0 : i32
      %dma_start3A_60 = arith.constant 0 : i32
      %dma_start3A_61 = tpu.memref_slice %arg8[%dma_start3A_59, %dma_start3A_60] : memref<8x128xi32, #tpu.memory_space<vmem>> -> memref<1x128xi32, #tpu.memory_space<vmem>>
      %dma_start3A_62 = tpu.memref_squeeze %dma_start3A_61 : memref<1x128xi32, #tpu.memory_space<vmem>> -> memref<128xi32, #tpu.memory_space<vmem>>
      %dma_start3A_63 = arith.constant 0 : i32
      %dma_start3A_64 = arith.constant 0 : i32
      %dma_start3A_65 = tpu.memref_slice %arg15[%dma_start3A_63, %dma_start3A_64] : memref<10240x128xf32, #tpu.memory_space<vmem_shared>> -> memref<10240x128xf32, #tpu.memory_space<vmem_shared>>
      tpu.enqueue_indirect_dma source(%arg9 : memref<128x128xf32, #tpu.memory_space<vmem>>) target(%dma_start3A_65 : memref<10240x128xf32, #tpu.memory_space<vmem_shared>>) offsets(%dma_start3A_62 : memref<128xi32, #tpu.memory_space<vmem>>) semaphore(%arg13 : memref<!tpu.dma_semaphore, #tpu.memory_space<semaphore_mem>>) {add = true}
      %dma_wait3A_66 = arith.constant 0 : i32
      %dma_wait3A_67 = arith.constant 0 : i32
      %dma_wait3A_68 = tpu.memref_slice %arg8[%dma_wait3A_66, %dma_wait3A_67] : memref<8x128xi32, #tpu.memory_space<vmem>> -> memref<1x128xi32, #tpu.memory_space<vmem>>
      %dma_wait3A_69 = tpu.memref_squeeze %dma_wait3A_68 : memref<1x128xi32, #tpu.memory_space<vmem>> -> memref<128xi32, #tpu.memory_space<vmem>>
      %dma_wait3A_70 = arith.constant 0 : i32
      %dma_wait3A_71 = arith.constant 0 : i32
      %dma_wait3A_72 = tpu.memref_slice %arg15[%dma_wait3A_70, %dma_wait3A_71] : memref<10240x128xf32, #tpu.memory_space<vmem_shared>> -> memref<10240x128xf32, #tpu.memory_space<vmem_shared>>
      tpu.wait_indirect_dma semaphore(%arg13 : memref<!tpu.dma_semaphore, #tpu.memory_space<semaphore_mem>>) src(%arg9 : memref<128x128xf32, #tpu.memory_space<vmem>>) dst(%dma_wait3A_72 : memref<10240x128xf32, #tpu.memory_space<vmem_shared>>)
      %dma_start3A_73 = arith.constant 2 : i32
      %dma_start3A_74 = arith.constant 0 : i32
      %dma_start3A_75 = tpu.memref_slice %arg7[%dma_start3A_73, %dma_start3A_74] : memref<8x128xi32, #tpu.memory_space<vmem>> -> memref<1x128xi32, #tpu.memory_space<vmem>>
      %dma_start3A_76 = tpu.memref_squeeze %dma_start3A_75 : memref<1x128xi32, #tpu.memory_space<vmem>> -> memref<128xi32, #tpu.memory_space<vmem>>
      %dma_start3A_77 = arith.constant 0 : i32
      %dma_start3A_78 = arith.constant 0 : i32
      %dma_start3A_79 = tpu.memref_slice %arg2[%dma_start3A_77, %dma_start3A_78] : memref<10240x128xf32, #tpu.memory_space<hbm>> -> memref<10240x128xf32, #tpu.memory_space<hbm>>
      tpu.enqueue_indirect_dma source(%dma_start3A_79 : memref<10240x128xf32, #tpu.memory_space<hbm>>) target(%arg9 : memref<128x128xf32, #tpu.memory_space<vmem>>) offsets(%dma_start3A_76 : memref<128xi32, #tpu.memory_space<vmem>>) semaphore(%arg11 : memref<!tpu.dma_semaphore, #tpu.memory_space<semaphore_mem>>)
      %dma_wait3A_80 = arith.constant 1 : i32
      %dma_wait3A_81 = arith.constant 0 : i32
      %dma_wait3A_82 = tpu.memref_slice %arg7[%dma_wait3A_80, %dma_wait3A_81] : memref<8x128xi32, #tpu.memory_space<vmem>> -> memref<1x128xi32, #tpu.memory_space<vmem>>
      %dma_wait3A_83 = tpu.memref_squeeze %dma_wait3A_82 : memref<1x128xi32, #tpu.memory_space<vmem>> -> memref<128xi32, #tpu.memory_space<vmem>>
      %dma_wait3A_84 = arith.constant 0 : i32
      %dma_wait3A_85 = arith.constant 0 : i32
      %dma_wait3A_86 = tpu.memref_slice %arg2[%dma_wait3A_84, %dma_wait3A_85] : memref<10240x128xf32, #tpu.memory_space<hbm>> -> memref<10240x128xf32, #tpu.memory_space<hbm>>
      tpu.wait_indirect_dma semaphore(%arg12 : memref<!tpu.dma_semaphore, #tpu.memory_space<semaphore_mem>>) src(%dma_wait3A_86 : memref<10240x128xf32, #tpu.memory_space<hbm>>) dst(%arg10 : memref<128x128xf32, #tpu.memory_space<vmem>>)
      %dma_start3A_87 = arith.constant 1 : i32
      %dma_start3A_88 = arith.constant 0 : i32
      %dma_start3A_89 = tpu.memref_slice %arg8[%dma_start3A_87, %dma_start3A_88] : memref<8x128xi32, #tpu.memory_space<vmem>> -> memref<1x128xi32, #tpu.memory_space<vmem>>
      %dma_start3A_90 = tpu.memref_squeeze %dma_start3A_89 : memref<1x128xi32, #tpu.memory_space<vmem>> -> memref<128xi32, #tpu.memory_space<vmem>>
      %dma_start3A_91 = arith.constant 0 : i32
      %dma_start3A_92 = arith.constant 0 : i32
      %dma_start3A_93 = tpu.memref_slice %arg15[%dma_start3A_91, %dma_start3A_92] : memref<10240x128xf32, #tpu.memory_space<vmem_shared>> -> memref<10240x128xf32, #tpu.memory_space<vmem_shared>>
      tpu.enqueue_indirect_dma source(%arg10 : memref<128x128xf32, #tpu.memory_space<vmem>>) target(%dma_start3A_93 : memref<10240x128xf32, #tpu.memory_space<vmem_shared>>) offsets(%dma_start3A_90 : memref<128xi32, #tpu.memory_space<vmem>>) semaphore(%arg14 : memref<!tpu.dma_semaphore, #tpu.memory_space<semaphore_mem>>) {add = true}
      %dma_wait3A_94 = arith.constant 1 : i32
      %dma_wait3A_95 = arith.constant 0 : i32
      %dma_wait3A_96 = tpu.memref_slice %arg8[%dma_wait3A_94, %dma_wait3A_95] : memref<8x128xi32, #tpu.memory_space<vmem>> -> memref<1x128xi32, #tpu.memory_space<vmem>>
      %dma_wait3A_97 = tpu.memref_squeeze %dma_wait3A_96 : memref<1x128xi32, #tpu.memory_space<vmem>> -> memref<128xi32, #tpu.memory_space<vmem>>
      %dma_wait3A_98 = arith.constant 0 : i32
      %dma_wait3A_99 = arith.constant 0 : i32
      %dma_wait3A_100 = tpu.memref_slice %arg15[%dma_wait3A_98, %dma_wait3A_99] : memref<10240x128xf32, #tpu.memory_space<vmem_shared>> -> memref<10240x128xf32, #tpu.memory_space<vmem_shared>>
      tpu.wait_indirect_dma semaphore(%arg14 : memref<!tpu.dma_semaphore, #tpu.memory_space<semaphore_mem>>) src(%arg10 : memref<128x128xf32, #tpu.memory_space<vmem>>) dst(%dma_wait3A_100 : memref<10240x128xf32, #tpu.memory_space<vmem_shared>>)
      %dma_start3A_101 = arith.constant 3 : i32
      %dma_start3A_102 = arith.constant 0 : i32
      %dma_start3A_103 = tpu.memref_slice %arg7[%dma_start3A_101, %dma_start3A_102] : memref<8x128xi32, #tpu.memory_space<vmem>> -> memref<1x128xi32, #tpu.memory_space<vmem>>
      %dma_start3A_104 = tpu.memref_squeeze %dma_start3A_103 : memref<1x128xi32, #tpu.memory_space<vmem>> -> memref<128xi32, #tpu.memory_space<vmem>>
      %dma_start3A_105 = arith.constant 0 : i32
      %dma_start3A_106 = arith.constant 0 : i32
      %dma_start3A_107 = tpu.memref_slice %arg2[%dma_start3A_105, %dma_start3A_106] : memref<10240x128xf32, #tpu.memory_space<hbm>> -> memref<10240x128xf32, #tpu.memory_space<hbm>>
      tpu.enqueue_indirect_dma source(%dma_start3A_107 : memref<10240x128xf32, #tpu.memory_space<hbm>>) target(%arg10 : memref<128x128xf32, #tpu.memory_space<vmem>>) offsets(%dma_start3A_104 : memref<128xi32, #tpu.memory_space<vmem>>) semaphore(%arg12 : memref<!tpu.dma_semaphore, #tpu.memory_space<semaphore_mem>>)
      %dma_wait3A_108 = arith.constant 2 : i32
      %dma_wait3A_109 = arith.constant 0 : i32
      %dma_wait3A_110 = tpu.memref_slice %arg7[%dma_wait3A_108, %dma_wait3A_109] : memref<8x128xi32, #tpu.memory_space<vmem>> -> memref<1x128xi32, #tpu.memory_space<vmem>>
      %dma_wait3A_111 = tpu.memref_squeeze %dma_wait3A_110 : memref<1x128xi32, #tpu.memory_space<vmem>> -> memref<128xi32, #tpu.memory_space<vmem>>
      %dma_wait3A_112 = arith.constant 0 : i32
      %dma_wait3A_113 = arith.constant 0 : i32
      %dma_wait3A_114 = tpu.memref_slice %arg2[%dma_wait3A_112, %dma_wait3A_113] : memref<10240x128xf32, #tpu.memory_space<hbm>> -> memref<10240x128xf32, #tpu.memory_space<hbm>>
      tpu.wait_indirect_dma semaphore(%arg11 : memref<!tpu.dma_semaphore, #tpu.memory_space<semaphore_mem>>) src(%dma_wait3A_114 : memref<10240x128xf32, #tpu.memory_space<hbm>>) dst(%arg9 : memref<128x128xf32, #tpu.memory_space<vmem>>)
      %dma_start3A_115 = arith.constant 2 : i32
      %dma_start3A_116 = arith.constant 0 : i32
      %dma_start3A_117 = tpu.memref_slice %arg8[%dma_start3A_115, %dma_start3A_116] : memref<8x128xi32, #tpu.memory_space<vmem>> -> memref<1x128xi32, #tpu.memory_space<vmem>>
      %dma_start3A_118 = tpu.memref_squeeze %dma_start3A_117 : memref<1x128xi32, #tpu.memory_space<vmem>> -> memref<128xi32, #tpu.memory_space<vmem>>
      %dma_start3A_119 = arith.constant 0 : i32
      %dma_start3A_120 = arith.constant 0 : i32
      %dma_start3A_121 = tpu.memref_slice %arg15[%dma_start3A_119, %dma_start3A_120] : memref<10240x128xf32, #tpu.memory_space<vmem_shared>> -> memref<10240x128xf32, #tpu.memory_space<vmem_shared>>
      tpu.enqueue_indirect_dma source(%arg9 : memref<128x128xf32, #tpu.memory_space<vmem>>) target(%dma_start3A_121 : memref<10240x128xf32, #tpu.memory_space<vmem_shared>>) offsets(%dma_start3A_118 : memref<128xi32, #tpu.memory_space<vmem>>) semaphore(%arg13 : memref<!tpu.dma_semaphore, #tpu.memory_space<semaphore_mem>>) {add = true}
      %dma_wait3A_122 = arith.constant 2 : i32
      %dma_wait3A_123 = arith.constant 0 : i32
      %dma_wait3A_124 = tpu.memref_slice %arg8[%dma_wait3A_122, %dma_wait3A_123] : memref<8x128xi32, #tpu.memory_space<vmem>> -> memref<1x128xi32, #tpu.memory_space<vmem>>
      %dma_wait3A_125 = tpu.memref_squeeze %dma_wait3A_124 : memref<1x128xi32, #tpu.memory_space<vmem>> -> memref<128xi32, #tpu.memory_space<vmem>>
      %dma_wait3A_126 = arith.constant 0 : i32
      %dma_wait3A_127 = arith.constant 0 : i32
      %dma_wait3A_128 = tpu.memref_slice %arg15[%dma_wait3A_126, %dma_wait3A_127] : memref<10240x128xf32, #tpu.memory_space<vmem_shared>> -> memref<10240x128xf32, #tpu.memory_space<vmem_shared>>
      tpu.wait_indirect_dma semaphore(%arg13 : memref<!tpu.dma_semaphore, #tpu.memory_space<semaphore_mem>>) src(%arg9 : memref<128x128xf32, #tpu.memory_space<vmem>>) dst(%dma_wait3A_128 : memref<10240x128xf32, #tpu.memory_space<vmem_shared>>)
      %dma_start3A_129 = arith.constant 4 : i32
      %dma_start3A_130 = arith.constant 0 : i32
      %dma_start3A_131 = tpu.memref_slice %arg7[%dma_start3A_129, %dma_start3A_130] : memref<8x128xi32, #tpu.memory_space<vmem>> -> memref<1x128xi32, #tpu.memory_space<vmem>>
      %dma_start3A_132 = tpu.memref_squeeze %dma_start3A_131 : memref<1x128xi32, #tpu.memory_space<vmem>> -> memref<128xi32, #tpu.memory_space<vmem>>
      %dma_start3A_133 = arith.constant 0 : i32
      %dma_start3A_134 = arith.constant 0 : i32
      %dma_start3A_135 = tpu.memref_slice %arg2[%dma_start3A_133, %dma_start3A_134] : memref<10240x128xf32, #tpu.memory_space<hbm>> -> memref<10240x128xf32, #tpu.memory_space<hbm>>
      tpu.enqueue_indirect_dma source(%dma_start3A_135 : memref<10240x128xf32, #tpu.memory_space<hbm>>) target(%arg9 : memref<128x128xf32, #tpu.memory_space<vmem>>) offsets(%dma_start3A_132 : memref<128xi32, #tpu.memory_space<vmem>>) semaphore(%arg11 : memref<!tpu.dma_semaphore, #tpu.memory_space<semaphore_mem>>)
      %dma_wait3A_136 = arith.constant 3 : i32
      %dma_wait3A_137 = arith.constant 0 : i32
      %dma_wait3A_138 = tpu.memref_slice %arg7[%dma_wait3A_136, %dma_wait3A_137] : memref<8x128xi32, #tpu.memory_space<vmem>> -> memref<1x128xi32, #tpu.memory_space<vmem>>
      %dma_wait3A_139 = tpu.memref_squeeze %dma_wait3A_138 : memref<1x128xi32, #tpu.memory_space<vmem>> -> memref<128xi32, #tpu.memory_space<vmem>>
      %dma_wait3A_140 = arith.constant 0 : i32
      %dma_wait3A_141 = arith.constant 0 : i32
      %dma_wait3A_142 = tpu.memref_slice %arg2[%dma_wait3A_140, %dma_wait3A_141] : memref<10240x128xf32, #tpu.memory_space<hbm>> -> memref<10240x128xf32, #tpu.memory_space<hbm>>
      tpu.wait_indirect_dma semaphore(%arg12 : memref<!tpu.dma_semaphore, #tpu.memory_space<semaphore_mem>>) src(%dma_wait3A_142 : memref<10240x128xf32, #tpu.memory_space<hbm>>) dst(%arg10 : memref<128x128xf32, #tpu.memory_space<vmem>>)
      %dma_start3A_143 = arith.constant 3 : i32
      %dma_start3A_144 = arith.constant 0 : i32
      %dma_start3A_145 = tpu.memref_slice %arg8[%dma_start3A_143, %dma_start3A_144] : memref<8x128xi32, #tpu.memory_space<vmem>> -> memref<1x128xi32, #tpu.memory_space<vmem>>
      %dma_start3A_146 = tpu.memref_squeeze %dma_start3A_145 : memref<1x128xi32, #tpu.memory_space<vmem>> -> memref<128xi32, #tpu.memory_space<vmem>>
      %dma_start3A_147 = arith.constant 0 : i32
      %dma_start3A_148 = arith.constant 0 : i32
      %dma_start3A_149 = tpu.memref_slice %arg15[%dma_start3A_147, %dma_start3A_148] : memref<10240x128xf32, #tpu.memory_space<vmem_shared>> -> memref<10240x128xf32, #tpu.memory_space<vmem_shared>>
      tpu.enqueue_indirect_dma source(%arg10 : memref<128x128xf32, #tpu.memory_space<vmem>>) target(%dma_start3A_149 : memref<10240x128xf32, #tpu.memory_space<vmem_shared>>) offsets(%dma_start3A_146 : memref<128xi32, #tpu.memory_space<vmem>>) semaphore(%arg14 : memref<!tpu.dma_semaphore, #tpu.memory_space<semaphore_mem>>) {add = true}
      %dma_wait3A_150 = arith.constant 3 : i32
      %dma_wait3A_151 = arith.constant 0 : i32
      %dma_wait3A_152 = tpu.memref_slice %arg8[%dma_wait3A_150, %dma_wait3A_151] : memref<8x128xi32, #tpu.memory_space<vmem>> -> memref<1x128xi32, #tpu.memory_space<vmem>>
      %dma_wait3A_153 = tpu.memref_squeeze %dma_wait3A_152 : memref<1x128xi32, #tpu.memory_space<vmem>> -> memref<128xi32, #tpu.memory_space<vmem>>
      %dma_wait3A_154 = arith.constant 0 : i32
      %dma_wait3A_155 = arith.constant 0 : i32
      %dma_wait3A_156 = tpu.memref_slice %arg15[%dma_wait3A_154, %dma_wait3A_155] : memref<10240x128xf32, #tpu.memory_space<vmem_shared>> -> memref<10240x128xf32, #tpu.memory_space<vmem_shared>>
      tpu.wait_indirect_dma semaphore(%arg14 : memref<!tpu.dma_semaphore, #tpu.memory_space<semaphore_mem>>) src(%arg10 : memref<128x128xf32, #tpu.memory_space<vmem>>) dst(%dma_wait3A_156 : memref<10240x128xf32, #tpu.memory_space<vmem_shared>>)
      %dma_start3A_157 = arith.constant 5 : i32
      %dma_start3A_158 = arith.constant 0 : i32
      %dma_start3A_159 = tpu.memref_slice %arg7[%dma_start3A_157, %dma_start3A_158] : memref<8x128xi32, #tpu.memory_space<vmem>> -> memref<1x128xi32, #tpu.memory_space<vmem>>
      %dma_start3A_160 = tpu.memref_squeeze %dma_start3A_159 : memref<1x128xi32, #tpu.memory_space<vmem>> -> memref<128xi32, #tpu.memory_space<vmem>>
      %dma_start3A_161 = arith.constant 0 : i32
      %dma_start3A_162 = arith.constant 0 : i32
      %dma_start3A_163 = tpu.memref_slice %arg2[%dma_start3A_161, %dma_start3A_162] : memref<10240x128xf32, #tpu.memory_space<hbm>> -> memref<10240x128xf32, #tpu.memory_space<hbm>>
      tpu.enqueue_indirect_dma source(%dma_start3A_163 : memref<10240x128xf32, #tpu.memory_space<hbm>>) target(%arg10 : memref<128x128xf32, #tpu.memory_space<vmem>>) offsets(%dma_start3A_160 : memref<128xi32, #tpu.memory_space<vmem>>) semaphore(%arg12 : memref<!tpu.dma_semaphore, #tpu.memory_space<semaphore_mem>>)
      %dma_wait3A_164 = arith.constant 4 : i32
      %dma_wait3A_165 = arith.constant 0 : i32
      %dma_wait3A_166 = tpu.memref_slice %arg7[%dma_wait3A_164, %dma_wait3A_165] : memref<8x128xi32, #tpu.memory_space<vmem>> -> memref<1x128xi32, #tpu.memory_space<vmem>>
      %dma_wait3A_167 = tpu.memref_squeeze %dma_wait3A_166 : memref<1x128xi32, #tpu.memory_space<vmem>> -> memref<128xi32, #tpu.memory_space<vmem>>
      %dma_wait3A_168 = arith.constant 0 : i32
      %dma_wait3A_169 = arith.constant 0 : i32
      %dma_wait3A_170 = tpu.memref_slice %arg2[%dma_wait3A_168, %dma_wait3A_169] : memref<10240x128xf32, #tpu.memory_space<hbm>> -> memref<10240x128xf32, #tpu.memory_space<hbm>>
      tpu.wait_indirect_dma semaphore(%arg11 : memref<!tpu.dma_semaphore, #tpu.memory_space<semaphore_mem>>) src(%dma_wait3A_170 : memref<10240x128xf32, #tpu.memory_space<hbm>>) dst(%arg9 : memref<128x128xf32, #tpu.memory_space<vmem>>)
      %dma_start3A_171 = arith.constant 4 : i32
      %dma_start3A_172 = arith.constant 0 : i32
      %dma_start3A_173 = tpu.memref_slice %arg8[%dma_start3A_171, %dma_start3A_172] : memref<8x128xi32, #tpu.memory_space<vmem>> -> memref<1x128xi32, #tpu.memory_space<vmem>>
      %dma_start3A_174 = tpu.memref_squeeze %dma_start3A_173 : memref<1x128xi32, #tpu.memory_space<vmem>> -> memref<128xi32, #tpu.memory_space<vmem>>
      %dma_start3A_175 = arith.constant 0 : i32
      %dma_start3A_176 = arith.constant 0 : i32
      %dma_start3A_177 = tpu.memref_slice %arg15[%dma_start3A_175, %dma_start3A_176] : memref<10240x128xf32, #tpu.memory_space<vmem_shared>> -> memref<10240x128xf32, #tpu.memory_space<vmem_shared>>
      tpu.enqueue_indirect_dma source(%arg9 : memref<128x128xf32, #tpu.memory_space<vmem>>) target(%dma_start3A_177 : memref<10240x128xf32, #tpu.memory_space<vmem_shared>>) offsets(%dma_start3A_174 : memref<128xi32, #tpu.memory_space<vmem>>) semaphore(%arg13 : memref<!tpu.dma_semaphore, #tpu.memory_space<semaphore_mem>>) {add = true}
      %dma_wait3A_178 = arith.constant 4 : i32
      %dma_wait3A_179 = arith.constant 0 : i32
      %dma_wait3A_180 = tpu.memref_slice %arg8[%dma_wait3A_178, %dma_wait3A_179] : memref<8x128xi32, #tpu.memory_space<vmem>> -> memref<1x128xi32, #tpu.memory_space<vmem>>
      %dma_wait3A_181 = tpu.memref_squeeze %dma_wait3A_180 : memref<1x128xi32, #tpu.memory_space<vmem>> -> memref<128xi32, #tpu.memory_space<vmem>>
      %dma_wait3A_182 = arith.constant 0 : i32
      %dma_wait3A_183 = arith.constant 0 : i32
      %dma_wait3A_184 = tpu.memref_slice %arg15[%dma_wait3A_182, %dma_wait3A_183] : memref<10240x128xf32, #tpu.memory_space<vmem_shared>> -> memref<10240x128xf32, #tpu.memory_space<vmem_shared>>
      tpu.wait_indirect_dma semaphore(%arg13 : memref<!tpu.dma_semaphore, #tpu.memory_space<semaphore_mem>>) src(%arg9 : memref<128x128xf32, #tpu.memory_space<vmem>>) dst(%dma_wait3A_184 : memref<10240x128xf32, #tpu.memory_space<vmem_shared>>)
      %dma_start3A_185 = arith.constant 6 : i32
      %dma_start3A_186 = arith.constant 0 : i32
      %dma_start3A_187 = tpu.memref_slice %arg7[%dma_start3A_185, %dma_start3A_186] : memref<8x128xi32, #tpu.memory_space<vmem>> -> memref<1x128xi32, #tpu.memory_space<vmem>>
      %dma_start3A_188 = tpu.memref_squeeze %dma_start3A_187 : memref<1x128xi32, #tpu.memory_space<vmem>> -> memref<128xi32, #tpu.memory_space<vmem>>
      %dma_start3A_189 = arith.constant 0 : i32
      %dma_start3A_190 = arith.constant 0 : i32
      %dma_start3A_191 = tpu.memref_slice %arg2[%dma_start3A_189, %dma_start3A_190] : memref<10240x128xf32, #tpu.memory_space<hbm>> -> memref<10240x128xf32, #tpu.memory_space<hbm>>
      tpu.enqueue_indirect_dma source(%dma_start3A_191 : memref<10240x128xf32, #tpu.memory_space<hbm>>) target(%arg9 : memref<128x128xf32, #tpu.memory_space<vmem>>) offsets(%dma_start3A_188 : memref<128xi32, #tpu.memory_space<vmem>>) semaphore(%arg11 : memref<!tpu.dma_semaphore, #tpu.memory_space<semaphore_mem>>)
      %dma_wait3A_192 = arith.constant 5 : i32
      %dma_wait3A_193 = arith.constant 0 : i32
      %dma_wait3A_194 = tpu.memref_slice %arg7[%dma_wait3A_192, %dma_wait3A_193] : memref<8x128xi32, #tpu.memory_space<vmem>> -> memref<1x128xi32, #tpu.memory_space<vmem>>
      %dma_wait3A_195 = tpu.memref_squeeze %dma_wait3A_194 : memref<1x128xi32, #tpu.memory_space<vmem>> -> memref<128xi32, #tpu.memory_space<vmem>>
      %dma_wait3A_196 = arith.constant 0 : i32
      %dma_wait3A_197 = arith.constant 0 : i32
      %dma_wait3A_198 = tpu.memref_slice %arg2[%dma_wait3A_196, %dma_wait3A_197] : memref<10240x128xf32, #tpu.memory_space<hbm>> -> memref<10240x128xf32, #tpu.memory_space<hbm>>
      tpu.wait_indirect_dma semaphore(%arg12 : memref<!tpu.dma_semaphore, #tpu.memory_space<semaphore_mem>>) src(%dma_wait3A_198 : memref<10240x128xf32, #tpu.memory_space<hbm>>) dst(%arg10 : memref<128x128xf32, #tpu.memory_space<vmem>>)
      %dma_start3A_199 = arith.constant 5 : i32
      %dma_start3A_200 = arith.constant 0 : i32
      %dma_start3A_201 = tpu.memref_slice %arg8[%dma_start3A_199, %dma_start3A_200] : memref<8x128xi32, #tpu.memory_space<vmem>> -> memref<1x128xi32, #tpu.memory_space<vmem>>
      %dma_start3A_202 = tpu.memref_squeeze %dma_start3A_201 : memref<1x128xi32, #tpu.memory_space<vmem>> -> memref<128xi32, #tpu.memory_space<vmem>>
      %dma_start3A_203 = arith.constant 0 : i32
      %dma_start3A_204 = arith.constant 0 : i32
      %dma_start3A_205 = tpu.memref_slice %arg15[%dma_start3A_203, %dma_start3A_204] : memref<10240x128xf32, #tpu.memory_space<vmem_shared>> -> memref<10240x128xf32, #tpu.memory_space<vmem_shared>>
      tpu.enqueue_indirect_dma source(%arg10 : memref<128x128xf32, #tpu.memory_space<vmem>>) target(%dma_start3A_205 : memref<10240x128xf32, #tpu.memory_space<vmem_shared>>) offsets(%dma_start3A_202 : memref<128xi32, #tpu.memory_space<vmem>>) semaphore(%arg14 : memref<!tpu.dma_semaphore, #tpu.memory_space<semaphore_mem>>) {add = true}
      %dma_wait3A_206 = arith.constant 5 : i32
      %dma_wait3A_207 = arith.constant 0 : i32
      %dma_wait3A_208 = tpu.memref_slice %arg8[%dma_wait3A_206, %dma_wait3A_207] : memref<8x128xi32, #tpu.memory_space<vmem>> -> memref<1x128xi32, #tpu.memory_space<vmem>>
      %dma_wait3A_209 = tpu.memref_squeeze %dma_wait3A_208 : memref<1x128xi32, #tpu.memory_space<vmem>> -> memref<128xi32, #tpu.memory_space<vmem>>
      %dma_wait3A_210 = arith.constant 0 : i32
      %dma_wait3A_211 = arith.constant 0 : i32
      %dma_wait3A_212 = tpu.memref_slice %arg15[%dma_wait3A_210, %dma_wait3A_211] : memref<10240x128xf32, #tpu.memory_space<vmem_shared>> -> memref<10240x128xf32, #tpu.memory_space<vmem_shared>>
      tpu.wait_indirect_dma semaphore(%arg14 : memref<!tpu.dma_semaphore, #tpu.memory_space<semaphore_mem>>) src(%arg10 : memref<128x128xf32, #tpu.memory_space<vmem>>) dst(%dma_wait3A_212 : memref<10240x128xf32, #tpu.memory_space<vmem_shared>>)
      %dma_start3A_213 = arith.constant 7 : i32
      %dma_start3A_214 = arith.constant 0 : i32
      %dma_start3A_215 = tpu.memref_slice %arg7[%dma_start3A_213, %dma_start3A_214] : memref<8x128xi32, #tpu.memory_space<vmem>> -> memref<1x128xi32, #tpu.memory_space<vmem>>
      %dma_start3A_216 = tpu.memref_squeeze %dma_start3A_215 : memref<1x128xi32, #tpu.memory_space<vmem>> -> memref<128xi32, #tpu.memory_space<vmem>>
      %dma_start3A_217 = arith.constant 0 : i32
      %dma_start3A_218 = arith.constant 0 : i32
      %dma_start3A_219 = tpu.memref_slice %arg2[%dma_start3A_217, %dma_start3A_218] : memref<10240x128xf32, #tpu.memory_space<hbm>> -> memref<10240x128xf32, #tpu.memory_space<hbm>>
      tpu.enqueue_indirect_dma source(%dma_start3A_219 : memref<10240x128xf32, #tpu.memory_space<hbm>>) target(%arg10 : memref<128x128xf32, #tpu.memory_space<vmem>>) offsets(%dma_start3A_216 : memref<128xi32, #tpu.memory_space<vmem>>) semaphore(%arg12 : memref<!tpu.dma_semaphore, #tpu.memory_space<semaphore_mem>>)
      %dma_wait3A_220 = arith.constant 6 : i32
      %dma_wait3A_221 = arith.constant 0 : i32
      %dma_wait3A_222 = tpu.memref_slice %arg7[%dma_wait3A_220, %dma_wait3A_221] : memref<8x128xi32, #tpu.memory_space<vmem>> -> memref<1x128xi32, #tpu.memory_space<vmem>>
      %dma_wait3A_223 = tpu.memref_squeeze %dma_wait3A_222 : memref<1x128xi32, #tpu.memory_space<vmem>> -> memref<128xi32, #tpu.memory_space<vmem>>
      %dma_wait3A_224 = arith.constant 0 : i32
      %dma_wait3A_225 = arith.constant 0 : i32
      %dma_wait3A_226 = tpu.memref_slice %arg2[%dma_wait3A_224, %dma_wait3A_225] : memref<10240x128xf32, #tpu.memory_space<hbm>> -> memref<10240x128xf32, #tpu.memory_space<hbm>>
      tpu.wait_indirect_dma semaphore(%arg11 : memref<!tpu.dma_semaphore, #tpu.memory_space<semaphore_mem>>) src(%dma_wait3A_226 : memref<10240x128xf32, #tpu.memory_space<hbm>>) dst(%arg9 : memref<128x128xf32, #tpu.memory_space<vmem>>)
      %dma_start3A_227 = arith.constant 6 : i32
      %dma_start3A_228 = arith.constant 0 : i32
      %dma_start3A_229 = tpu.memref_slice %arg8[%dma_start3A_227, %dma_start3A_228] : memref<8x128xi32, #tpu.memory_space<vmem>> -> memref<1x128xi32, #tpu.memory_space<vmem>>
      %dma_start3A_230 = tpu.memref_squeeze %dma_start3A_229 : memref<1x128xi32, #tpu.memory_space<vmem>> -> memref<128xi32, #tpu.memory_space<vmem>>
      %dma_start3A_231 = arith.constant 0 : i32
      %dma_start3A_232 = arith.constant 0 : i32
      %dma_start3A_233 = tpu.memref_slice %arg15[%dma_start3A_231, %dma_start3A_232] : memref<10240x128xf32, #tpu.memory_space<vmem_shared>> -> memref<10240x128xf32, #tpu.memory_space<vmem_shared>>
      tpu.enqueue_indirect_dma source(%arg9 : memref<128x128xf32, #tpu.memory_space<vmem>>) target(%dma_start3A_233 : memref<10240x128xf32, #tpu.memory_space<vmem_shared>>) offsets(%dma_start3A_230 : memref<128xi32, #tpu.memory_space<vmem>>) semaphore(%arg13 : memref<!tpu.dma_semaphore, #tpu.memory_space<semaphore_mem>>) {add = true}
      %dma_wait3A_234 = arith.constant 7 : i32
      %dma_wait3A_235 = arith.constant 0 : i32
      %dma_wait3A_236 = tpu.memref_slice %arg7[%dma_wait3A_234, %dma_wait3A_235] : memref<8x128xi32, #tpu.memory_space<vmem>> -> memref<1x128xi32, #tpu.memory_space<vmem>>
      %dma_wait3A_237 = tpu.memref_squeeze %dma_wait3A_236 : memref<1x128xi32, #tpu.memory_space<vmem>> -> memref<128xi32, #tpu.memory_space<vmem>>
      %dma_wait3A_238 = arith.constant 0 : i32
      %dma_wait3A_239 = arith.constant 0 : i32
      %dma_wait3A_240 = tpu.memref_slice %arg2[%dma_wait3A_238, %dma_wait3A_239] : memref<10240x128xf32, #tpu.memory_space<hbm>> -> memref<10240x128xf32, #tpu.memory_space<hbm>>
      tpu.wait_indirect_dma semaphore(%arg12 : memref<!tpu.dma_semaphore, #tpu.memory_space<semaphore_mem>>) src(%dma_wait3A_240 : memref<10240x128xf32, #tpu.memory_space<hbm>>) dst(%arg10 : memref<128x128xf32, #tpu.memory_space<vmem>>)
      %dma_start3A_241 = arith.constant 7 : i32
      %dma_start3A_242 = arith.constant 0 : i32
      %dma_start3A_243 = tpu.memref_slice %arg8[%dma_start3A_241, %dma_start3A_242] : memref<8x128xi32, #tpu.memory_space<vmem>> -> memref<1x128xi32, #tpu.memory_space<vmem>>
      %dma_start3A_244 = tpu.memref_squeeze %dma_start3A_243 : memref<1x128xi32, #tpu.memory_space<vmem>> -> memref<128xi32, #tpu.memory_space<vmem>>
      %dma_start3A_245 = arith.constant 0 : i32
      %dma_start3A_246 = arith.constant 0 : i32
      %dma_start3A_247 = tpu.memref_slice %arg15[%dma_start3A_245, %dma_start3A_246] : memref<10240x128xf32, #tpu.memory_space<vmem_shared>> -> memref<10240x128xf32, #tpu.memory_space<vmem_shared>>
      tpu.enqueue_indirect_dma source(%arg10 : memref<128x128xf32, #tpu.memory_space<vmem>>) target(%dma_start3A_247 : memref<10240x128xf32, #tpu.memory_space<vmem_shared>>) offsets(%dma_start3A_244 : memref<128xi32, #tpu.memory_space<vmem>>) semaphore(%arg14 : memref<!tpu.dma_semaphore, #tpu.memory_space<semaphore_mem>>) {add = true}
      %dma_wait3A_248 = arith.constant 6 : i32
      %dma_wait3A_249 = arith.constant 0 : i32
      %dma_wait3A_250 = tpu.memref_slice %arg8[%dma_wait3A_248, %dma_wait3A_249] : memref<8x128xi32, #tpu.memory_space<vmem>> -> memref<1x128xi32, #tpu.memory_space<vmem>>
      %dma_wait3A_251 = tpu.memref_squeeze %dma_wait3A_250 : memref<1x128xi32, #tpu.memory_space<vmem>> -> memref<128xi32, #tpu.memory_space<vmem>>
      %dma_wait3A_252 = arith.constant 0 : i32
      %dma_wait3A_253 = arith.constant 0 : i32
      %dma_wait3A_254 = tpu.memref_slice %arg15[%dma_wait3A_252, %dma_wait3A_253] : memref<10240x128xf32, #tpu.memory_space<vmem_shared>> -> memref<10240x128xf32, #tpu.memory_space<vmem_shared>>
      tpu.wait_indirect_dma semaphore(%arg13 : memref<!tpu.dma_semaphore, #tpu.memory_space<semaphore_mem>>) src(%arg9 : memref<128x128xf32, #tpu.memory_space<vmem>>) dst(%dma_wait3A_254 : memref<10240x128xf32, #tpu.memory_space<vmem_shared>>)
      %dma_wait3A_255 = arith.constant 7 : i32
      %dma_wait3A_256 = arith.constant 0 : i32
      %dma_wait3A_257 = tpu.memref_slice %arg8[%dma_wait3A_255, %dma_wait3A_256] : memref<8x128xi32, #tpu.memory_space<vmem>> -> memref<1x128xi32, #tpu.memory_space<vmem>>
      %dma_wait3A_258 = tpu.memref_squeeze %dma_wait3A_257 : memref<1x128xi32, #tpu.memory_space<vmem>> -> memref<128xi32, #tpu.memory_space<vmem>>
      %dma_wait3A_259 = arith.constant 0 : i32
      %dma_wait3A_260 = arith.constant 0 : i32
      %dma_wait3A_261 = tpu.memref_slice %arg15[%dma_wait3A_259, %dma_wait3A_260] : memref<10240x128xf32, #tpu.memory_space<vmem_shared>> -> memref<10240x128xf32, #tpu.memory_space<vmem_shared>>
      tpu.wait_indirect_dma semaphore(%arg14 : memref<!tpu.dma_semaphore, #tpu.memory_space<semaphore_mem>>) src(%arg10 : memref<128x128xf32, #tpu.memory_space<vmem>>) dst(%dma_wait3A_261 : memref<10240x128xf32, #tpu.memory_space<vmem_shared>>)
    }
    %scan3A_25 = arith.constant 10 : i32
    %barrier3A_26 = arith.constant 0 : index
    tpu.barrier barrier_id(%barrier3A_26)
    %mul3A_27 = arith.constant 10240 : i32
    %mul3A_28 = arith.muli %arg0, %mul3A_27 : i32
    %mul3A_29 = arith.constant 640 : i32
    %mul3A_30 = arith.muli %arg1, %mul3A_29 : i32
    %add3A_31 = arith.addi %mul3A_28, %mul3A_30 : i32
    %mul3A_32 = arith.constant 640 : i32
    %mul3A_33 = arith.muli %arg1, %mul3A_32 : i32
    "tpu.region"() ({
      %run_scoped3A = tpu.sem_alloc : memref<!tpu.dma_semaphore, #tpu.memory_space<semaphore_mem>>
      %dma_start3A = arith.constant 0 : i32
      %dma_start3A_34 = tpu.memref_slice %arg6[%add3A_31, %dma_start3A] : memref<20480x128xf32, #tpu.memory_space<hbm>> -> memref<640x128xf32, #tpu.memory_space<hbm>>
      %dma_start3A_35 = arith.constant 0 : i32
      %dma_start3A_36 = tpu.memref_slice %arg15[%mul3A_33, %dma_start3A_35] : memref<10240x128xf32, #tpu.memory_space<vmem_shared>> -> memref<640x128xf32, #tpu.memory_space<vmem_shared>>
      tpu.enqueue_dma source(%dma_start3A_36 : memref<640x128xf32, #tpu.memory_space<vmem_shared>>) target(%dma_start3A_34 : memref<640x128xf32, #tpu.memory_space<hbm>>) target_semaphore(%run_scoped3A : memref<!tpu.dma_semaphore, #tpu.memory_space<semaphore_mem>>)
      %dma_wait3A = arith.constant 0 : i32
      %dma_wait3A_37 = tpu.memref_slice %arg6[%add3A_31, %dma_wait3A] : memref<20480x128xf32, #tpu.memory_space<hbm>> -> memref<640x128xf32, #tpu.memory_space<hbm>>
      %dma_wait3A_38 = arith.constant 0 : i32
      %dma_wait3A_39 = tpu.memref_slice %arg15[%mul3A_33, %dma_wait3A_38] : memref<10240x128xf32, #tpu.memory_space<vmem_shared>> -> memref<640x128xf32, #tpu.memory_space<vmem_shared>>
      tpu.wait_dma2 semaphore(%run_scoped3A : memref<!tpu.dma_semaphore, #tpu.memory_space<semaphore_mem>>) src(%dma_wait3A_39 : memref<640x128xf32, #tpu.memory_space<vmem_shared>>) dst(%dma_wait3A_37 : memref<640x128xf32, #tpu.memory_space<hbm>>)
      tpu.yield
    }) : () -> ()
    return
  }
}

#map = affine_map<(d0, d1) -> (0, 0)>
module attributes {stable_mosaic.version = 14 : i64} {
  func.func @_scat_kernel(%arg0: i32, %arg1: i32, %arg2: memref<10240x128xf32, #tpu.memory_space<hbm>>, %arg3: memref<2560x128xi32, #tpu.memory_space<hbm>>, %arg4: memref<2560x128xi32, #tpu.memory_space<hbm>>, %arg5: memref<128x128xf32, #tpu.memory_space<hbm>>, %arg6: memref<20480x128xf32, #tpu.memory_space<hbm>>, %arg7: memref<8x128xi32, #tpu.memory_space<vmem>>, %arg8: memref<8x128xi32, #tpu.memory_space<vmem>>, %arg9: memref<128x128xf32, #tpu.memory_space<vmem>>, %arg10: memref<128x128xf32, #tpu.memory_space<vmem>>, %arg11: memref<!tpu.dma_semaphore, #tpu.memory_space<semaphore_mem>>, %arg12: memref<!tpu.dma_semaphore, #tpu.memory_space<semaphore_mem>>, %arg13: memref<!tpu.dma_semaphore, #tpu.memory_space<semaphore_mem>>, %arg14: memref<!tpu.dma_semaphore, #tpu.memory_space<semaphore_mem>>, %arg15: memref<10240x128xf32, #tpu.memory_space<vmem_shared>>) attributes {dimension_semantics = [#tpu.dimension_semantics<core_parallel>, #tpu.dimension_semantics<subcore_parallel>], iteration_bounds = array<i64: 2, 16>, scalar_prefetch = 0 : i64, scratch_operands = 9 : i64, tpu.core_type = #tpu.core_type<sc_vector_subcore>, window_params = [{transform_indices = #map}, {transform_indices = #map}, {transform_indices = #map}, {transform_indices = #map}, {transform_indices = #map}]} {
    %mul3A = arith.constant 16 : i32
    %mul3A_0 = arith.muli %arg0, %mul3A : i32
    %add3A = arith.addi %mul3A_0, %arg1 : i32
    %mul3A_1 = arith.constant 640 : i32
    %mul3A_2 = arith.muli %arg1, %mul3A_1 : i32
    %add3A_3 = arith.constant 0 : i32
    %add3A_4 = arith.addi %mul3A_2, %add3A_3 : i32
    "tpu.region"() ({
      %run_scoped3A = tpu.sem_alloc : memref<!tpu.dma_semaphore, #tpu.memory_space<semaphore_mem>>
      %dma_start3A = arith.constant 0 : i32
      %dma_start3A_34 = tpu.memref_slice %arg15[%add3A_4, %dma_start3A] : memref<10240x128xf32, #tpu.memory_space<vmem_shared>> -> memref<128x128xf32, #tpu.memory_space<vmem_shared>>
      tpu.enqueue_dma source(%arg5 : memref<128x128xf32, #tpu.memory_space<hbm>>) target(%dma_start3A_34 : memref<128x128xf32, #tpu.memory_space<vmem_shared>>) target_semaphore(%run_scoped3A : memref<!tpu.dma_semaphore, #tpu.memory_space<semaphore_mem>>)
      %dma_wait3A = arith.constant 0 : i32
      %dma_wait3A_35 = tpu.memref_slice %arg15[%add3A_4, %dma_wait3A] : memref<10240x128xf32, #tpu.memory_space<vmem_shared>> -> memref<128x128xf32, #tpu.memory_space<vmem_shared>>
      tpu.wait_dma2 semaphore(%run_scoped3A : memref<!tpu.dma_semaphore, #tpu.memory_space<semaphore_mem>>) src(%arg5 : memref<128x128xf32, #tpu.memory_space<hbm>>) dst(%dma_wait3A_35 : memref<128x128xf32, #tpu.memory_space<vmem_shared>>)
      tpu.yield
    }) : () -> ()
    %mul3A_5 = arith.constant 640 : i32
    %mul3A_6 = arith.muli %arg1, %mul3A_5 : i32
    %add3A_7 = arith.constant 128 : i32
    %add3A_8 = arith.addi %mul3A_6, %add3A_7 : i32
    "tpu.region"() ({
      %run_scoped3A = tpu.sem_alloc : memref<!tpu.dma_semaphore, #tpu.memory_space<semaphore_mem>>
      %dma_start3A = arith.constant 0 : i32
      %dma_start3A_34 = tpu.memref_slice %arg15[%add3A_8, %dma_start3A] : memref<10240x128xf32, #tpu.memory_space<vmem_shared>> -> memref<128x128xf32, #tpu.memory_space<vmem_shared>>
      tpu.enqueue_dma source(%arg5 : memref<128x128xf32, #tpu.memory_space<hbm>>) target(%dma_start3A_34 : memref<128x128xf32, #tpu.memory_space<vmem_shared>>) target_semaphore(%run_scoped3A : memref<!tpu.dma_semaphore, #tpu.memory_space<semaphore_mem>>)
      %dma_wait3A = arith.constant 0 : i32
      %dma_wait3A_35 = tpu.memref_slice %arg15[%add3A_8, %dma_wait3A] : memref<10240x128xf32, #tpu.memory_space<vmem_shared>> -> memref<128x128xf32, #tpu.memory_space<vmem_shared>>
      tpu.wait_dma2 semaphore(%run_scoped3A : memref<!tpu.dma_semaphore, #tpu.memory_space<semaphore_mem>>) src(%arg5 : memref<128x128xf32, #tpu.memory_space<hbm>>) dst(%dma_wait3A_35 : memref<128x128xf32, #tpu.memory_space<vmem_shared>>)
      tpu.yield
    }) : () -> ()
    %mul3A_9 = arith.constant 640 : i32
    %mul3A_10 = arith.muli %arg1, %mul3A_9 : i32
    %add3A_11 = arith.constant 256 : i32
    %add3A_12 = arith.addi %mul3A_10, %add3A_11 : i32
    "tpu.region"() ({
      %run_scoped3A = tpu.sem_alloc : memref<!tpu.dma_semaphore, #tpu.memory_space<semaphore_mem>>
      %dma_start3A = arith.constant 0 : i32
      %dma_start3A_34 = tpu.memref_slice %arg15[%add3A_12, %dma_start3A] : memref<10240x128xf32, #tpu.memory_space<vmem_shared>> -> memref<128x128xf32, #tpu.memory_space<vmem_shared>>
      tpu.enqueue_dma source(%arg5 : memref<128x128xf32, #tpu.memory_space<hbm>>) target(%dma_start3A_34 : memref<128x128xf32, #tpu.memory_space<vmem_shared>>) target_semaphore(%run_scoped3A : memref<!tpu.dma_semaphore, #tpu.memory_space<semaphore_mem>>)
      %dma_wait3A = arith.constant 0 : i32
      %dma_wait3A_35 = tpu.memref_slice %arg15[%add3A_12, %dma_wait3A] : memref<10240x128xf32, #tpu.memory_space<vmem_shared>> -> memref<128x128xf32, #tpu.memory_space<vmem_shared>>
      tpu.wait_dma2 semaphore(%run_scoped3A : memref<!tpu.dma_semaphore, #tpu.memory_space<semaphore_mem>>) src(%arg5 : memref<128x128xf32, #tpu.memory_space<hbm>>) dst(%dma_wait3A_35 : memref<128x128xf32, #tpu.memory_space<vmem_shared>>)
      tpu.yield
    }) : () -> ()
    %mul3A_13 = arith.constant 640 : i32
    %mul3A_14 = arith.muli %arg1, %mul3A_13 : i32
    %add3A_15 = arith.constant 384 : i32
    %add3A_16 = arith.addi %mul3A_14, %add3A_15 : i32
    "tpu.region"() ({
      %run_scoped3A = tpu.sem_alloc : memref<!tpu.dma_semaphore, #tpu.memory_space<semaphore_mem>>
      %dma_start3A = arith.constant 0 : i32
      %dma_start3A_34 = tpu.memref_slice %arg15[%add3A_16, %dma_start3A] : memref<10240x128xf32, #tpu.memory_space<vmem_shared>> -> memref<128x128xf32, #tpu.memory_space<vmem_shared>>
      tpu.enqueue_dma source(%arg5 : memref<128x128xf32, #tpu.memory_space<hbm>>) target(%dma_start3A_34 : memref<128x128xf32, #tpu.memory_space<vmem_shared>>) target_semaphore(%run_scoped3A : memref<!tpu.dma_semaphore, #tpu.memory_space<semaphore_mem>>)
      %dma_wait3A = arith.constant 0 : i32
      %dma_wait3A_35 = tpu.memref_slice %arg15[%add3A_16, %dma_wait3A] : memref<10240x128xf32, #tpu.memory_space<vmem_shared>> -> memref<128x128xf32, #tpu.memory_space<vmem_shared>>
      tpu.wait_dma2 semaphore(%run_scoped3A : memref<!tpu.dma_semaphore, #tpu.memory_space<semaphore_mem>>) src(%arg5 : memref<128x128xf32, #tpu.memory_space<hbm>>) dst(%dma_wait3A_35 : memref<128x128xf32, #tpu.memory_space<vmem_shared>>)
      tpu.yield
    }) : () -> ()
    %mul3A_17 = arith.constant 640 : i32
    %mul3A_18 = arith.muli %arg1, %mul3A_17 : i32
    %add3A_19 = arith.constant 512 : i32
    %add3A_20 = arith.addi %mul3A_18, %add3A_19 : i32
    "tpu.region"() ({
      %run_scoped3A = tpu.sem_alloc : memref<!tpu.dma_semaphore, #tpu.memory_space<semaphore_mem>>
      %dma_start3A = arith.constant 0 : i32
      %dma_start3A_34 = tpu.memref_slice %arg15[%add3A_20, %dma_start3A] : memref<10240x128xf32, #tpu.memory_space<vmem_shared>> -> memref<128x128xf32, #tpu.memory_space<vmem_shared>>
      tpu.enqueue_dma source(%arg5 : memref<128x128xf32, #tpu.memory_space<hbm>>) target(%dma_start3A_34 : memref<128x128xf32, #tpu.memory_space<vmem_shared>>) target_semaphore(%run_scoped3A : memref<!tpu.dma_semaphore, #tpu.memory_space<semaphore_mem>>)
      %dma_wait3A = arith.constant 0 : i32
      %dma_wait3A_35 = tpu.memref_slice %arg15[%add3A_20, %dma_wait3A] : memref<10240x128xf32, #tpu.memory_space<vmem_shared>> -> memref<128x128xf32, #tpu.memory_space<vmem_shared>>
      tpu.wait_dma2 semaphore(%run_scoped3A : memref<!tpu.dma_semaphore, #tpu.memory_space<semaphore_mem>>) src(%arg5 : memref<128x128xf32, #tpu.memory_space<hbm>>) dst(%dma_wait3A_35 : memref<128x128xf32, #tpu.memory_space<vmem_shared>>)
      tpu.yield
    }) : () -> ()
    %barrier3A = arith.constant 0 : index
    tpu.barrier barrier_id(%barrier3A)
    %scan3A = arith.constant 0 : i32
    %scan3A_21 = arith.constant 0 : i32
    %scan3A_22 = arith.constant 10 : i32
    %scan3A_23 = arith.addi %scan3A_21, %scan3A_22 : i32
    %scan3A_24 = arith.constant 1 : i32
    scf.for %scan3A_34 = %scan3A_21 to %scan3A_23 step %scan3A_24  : i32 {
      %mul3A_35 = arith.constant 80 : i32
      %mul3A_36 = arith.muli %add3A, %mul3A_35 : i32
      %mul3A_37 = arith.constant 8 : i32
      %mul3A_38 = arith.muli %scan3A_34, %mul3A_37 : i32
      %add3A_39 = arith.addi %mul3A_36, %mul3A_38 : i32
      %multiple_of3A = tpu.assume_multiple %add3A_39, 8 : i32
      "tpu.region"() ({
        %run_scoped3A = tpu.sem_alloc : memref<!tpu.dma_semaphore, #tpu.memory_space<semaphore_mem>>
        %dma_start3A_262 = arith.constant 0 : i32
        %dma_start3A_263 = tpu.memref_slice %arg3[%multiple_of3A, %dma_start3A_262] : memref<2560x128xi32, #tpu.memory_space<hbm>> -> memref<8x128xi32, #tpu.memory_space<hbm>>
        %dma_start3A_264 = arith.constant 0 : i32
        %dma_start3A_265 = tpu.memref_slice %arg3[%multiple_of3A, %dma_start3A_264] : memref<2560x128xi32, #tpu.memory_space<hbm>> -> memref<8x128xi32, #tpu.memory_space<hbm>>
        tpu.enqueue_dma source(%dma_start3A_265 : memref<8x128xi32, #tpu.memory_space<hbm>>) target(%arg7 : memref<8x128xi32, #tpu.memory_space<vmem>>) target_semaphore(%run_scoped3A : memref<!tpu.dma_semaphore, #tpu.memory_space<semaphore_mem>>)
        %dma_wait3A_266 = arith.constant 0 : i32
        %dma_wait3A_267 = tpu.memref_slice %arg3[%multiple_of3A, %dma_wait3A_266] : memref<2560x128xi32, #tpu.memory_space<hbm>> -> memref<8x128xi32, #tpu.memory_space<hbm>>
        %dma_wait3A_268 = arith.constant 0 : i32
        %dma_wait3A_269 = tpu.memref_slice %arg3[%multiple_of3A, %dma_wait3A_268] : memref<2560x128xi32, #tpu.memory_space<hbm>> -> memref<8x128xi32, #tpu.memory_space<hbm>>
        tpu.wait_dma2 semaphore(%run_scoped3A : memref<!tpu.dma_semaphore, #tpu.memory_space<semaphore_mem>>) src(%dma_wait3A_269 : memref<8x128xi32, #tpu.memory_space<hbm>>) dst(%arg7 : memref<8x128xi32, #tpu.memory_space<vmem>>)
        tpu.yield
      }) : () -> ()
      "tpu.region"() ({
        %run_scoped3A = tpu.sem_alloc : memref<!tpu.dma_semaphore, #tpu.memory_space<semaphore_mem>>
        %dma_start3A_262 = arith.constant 0 : i32
        %dma_start3A_263 = tpu.memref_slice %arg4[%multiple_of3A, %dma_start3A_262] : memref<2560x128xi32, #tpu.memory_space<hbm>> -> memref<8x128xi32, #tpu.memory_space<hbm>>
        %dma_start3A_264 = arith.constant 0 : i32
        %dma_start3A_265 = tpu.memref_slice %arg4[%multiple_of3A, %dma_start3A_264] : memref<2560x128xi32, #tpu.memory_space<hbm>> -> memref<8x128xi32, #tpu.memory_space<hbm>>
        tpu.enqueue_dma source(%dma_start3A_265 : memref<8x128xi32, #tpu.memory_space<hbm>>) target(%arg8 : memref<8x128xi32, #tpu.memory_space<vmem>>) target_semaphore(%run_scoped3A : memref<!tpu.dma_semaphore, #tpu.memory_space<semaphore_mem>>)
        %dma_wait3A_266 = arith.constant 0 : i32
        %dma_wait3A_267 = tpu.memref_slice %arg4[%multiple_of3A, %dma_wait3A_266] : memref<2560x128xi32, #tpu.memory_space<hbm>> -> memref<8x128xi32, #tpu.memory_space<hbm>>
        %dma_wait3A_268 = arith.constant 0 : i32
        %dma_wait3A_269 = tpu.memref_slice %arg4[%multiple_of3A, %dma_wait3A_268] : memref<2560x128xi32, #tpu.memory_space<hbm>> -> memref<8x128xi32, #tpu.memory_space<hbm>>
        tpu.wait_dma2 semaphore(%run_scoped3A : memref<!tpu.dma_semaphore, #tpu.memory_space<semaphore_mem>>) src(%dma_wait3A_269 : memref<8x128xi32, #tpu.memory_space<hbm>>) dst(%arg8 : memref<8x128xi32, #tpu.memory_space<vmem>>)
        tpu.yield
      }) : () -> ()
      %dma_start3A = arith.constant 0 : i32
      %dma_start3A_40 = arith.constant 0 : i32
      %dma_start3A_41 = tpu.memref_slice %arg7[%dma_start3A, %dma_start3A_40] : memref<8x128xi32, #tpu.memory_space<vmem>> -> memref<1x128xi32, #tpu.memory_space<vmem>>
      %dma_start3A_42 = tpu.memref_squeeze %dma_start3A_41 : memref<1x128xi32, #tpu.memory_space<vmem>> -> memref<128xi32, #tpu.memory_space<vmem>>
      %dma_start3A_43 = arith.constant 0 : i32
      %dma_start3A_44 = arith.constant 0 : i32
      %dma_start3A_45 = tpu.memref_slice %arg2[%dma_start3A_43, %dma_start3A_44] : memref<10240x128xf32, #tpu.memory_space<hbm>> -> memref<10240x128xf32, #tpu.memory_space<hbm>>
      tpu.enqueue_indirect_dma source(%dma_start3A_45 : memref<10240x128xf32, #tpu.memory_space<hbm>>) target(%arg9 : memref<128x128xf32, #tpu.memory_space<vmem>>) offsets(%dma_start3A_42 : memref<128xi32, #tpu.memory_space<vmem>>) semaphore(%arg11 : memref<!tpu.dma_semaphore, #tpu.memory_space<semaphore_mem>>)
      %dma_start3A_46 = arith.constant 1 : i32
      %dma_start3A_47 = arith.constant 0 : i32
      %dma_start3A_48 = tpu.memref_slice %arg7[%dma_start3A_46, %dma_start3A_47] : memref<8x128xi32, #tpu.memory_space<vmem>> -> memref<1x128xi32, #tpu.memory_space<vmem>>
      %dma_start3A_49 = tpu.memref_squeeze %dma_start3A_48 : memref<1x128xi32, #tpu.memory_space<vmem>> -> memref<128xi32, #tpu.memory_space<vmem>>
      %dma_start3A_50 = arith.constant 0 : i32
      %dma_start3A_51 = arith.constant 0 : i32
      %dma_start3A_52 = tpu.memref_slice %arg2[%dma_start3A_50, %dma_start3A_51] : memref<10240x128xf32, #tpu.memory_space<hbm>> -> memref<10240x128xf32, #tpu.memory_space<hbm>>
      tpu.enqueue_indirect_dma source(%dma_start3A_52 : memref<10240x128xf32, #tpu.memory_space<hbm>>) target(%arg10 : memref<128x128xf32, #tpu.memory_space<vmem>>) offsets(%dma_start3A_49 : memref<128xi32, #tpu.memory_space<vmem>>) semaphore(%arg12 : memref<!tpu.dma_semaphore, #tpu.memory_space<semaphore_mem>>)
      %dma_wait3A = arith.constant 0 : i32
      %dma_wait3A_53 = arith.constant 0 : i32
      %dma_wait3A_54 = tpu.memref_slice %arg7[%dma_wait3A, %dma_wait3A_53] : memref<8x128xi32, #tpu.memory_space<vmem>> -> memref<1x128xi32, #tpu.memory_space<vmem>>
      %dma_wait3A_55 = tpu.memref_squeeze %dma_wait3A_54 : memref<1x128xi32, #tpu.memory_space<vmem>> -> memref<128xi32, #tpu.memory_space<vmem>>
      %dma_wait3A_56 = arith.constant 0 : i32
      %dma_wait3A_57 = arith.constant 0 : i32
      %dma_wait3A_58 = tpu.memref_slice %arg2[%dma_wait3A_56, %dma_wait3A_57] : memref<10240x128xf32, #tpu.memory_space<hbm>> -> memref<10240x128xf32, #tpu.memory_space<hbm>>
      tpu.wait_indirect_dma semaphore(%arg11 : memref<!tpu.dma_semaphore, #tpu.memory_space<semaphore_mem>>) src(%dma_wait3A_58 : memref<10240x128xf32, #tpu.memory_space<hbm>>) dst(%arg9 : memref<128x128xf32, #tpu.memory_space<vmem>>)
      %dma_start3A_59 = arith.constant 0 : i32
      %dma_start3A_60 = arith.constant 0 : i32
      %dma_start3A_61 = tpu.memref_slice %arg8[%dma_start3A_59, %dma_start3A_60] : memref<8x128xi32, #tpu.memory_space<vmem>> -> memref<1x128xi32, #tpu.memory_space<vmem>>
      %dma_start3A_62 = tpu.memref_squeeze %dma_start3A_61 : memref<1x128xi32, #tpu.memory_space<vmem>> -> memref<128xi32, #tpu.memory_space<vmem>>
      %dma_start3A_63 = arith.constant 0 : i32
      %dma_start3A_64 = arith.constant 0 : i32
      %dma_start3A_65 = tpu.memref_slice %arg15[%dma_start3A_63, %dma_start3A_64] : memref<10240x128xf32, #tpu.memory_space<vmem_shared>> -> memref<10240x128xf32, #tpu.memory_space<vmem_shared>>
      tpu.enqueue_indirect_dma source(%arg9 : memref<128x128xf32, #tpu.memory_space<vmem>>) target(%dma_start3A_65 : memref<10240x128xf32, #tpu.memory_space<vmem_shared>>) offsets(%dma_start3A_62 : memref<128xi32, #tpu.memory_space<vmem>>) semaphore(%arg13 : memref<!tpu.dma_semaphore, #tpu.memory_space<semaphore_mem>>) {add = true}
      %dma_wait3A_66 = arith.constant 0 : i32
      %dma_wait3A_67 = arith.constant 0 : i32
      %dma_wait3A_68 = tpu.memref_slice %arg8[%dma_wait3A_66, %dma_wait3A_67] : memref<8x128xi32, #tpu.memory_space<vmem>> -> memref<1x128xi32, #tpu.memory_space<vmem>>
      %dma_wait3A_69 = tpu.memref_squeeze %dma_wait3A_68 : memref<1x128xi32, #tpu.memory_space<vmem>> -> memref<128xi32, #tpu.memory_space<vmem>>
      %dma_wait3A_70 = arith.constant 0 : i32
      %dma_wait3A_71 = arith.constant 0 : i32
      %dma_wait3A_72 = tpu.memref_slice %arg15[%dma_wait3A_70, %dma_wait3A_71] : memref<10240x128xf32, #tpu.memory_space<vmem_shared>> -> memref<10240x128xf32, #tpu.memory_space<vmem_shared>>
      tpu.wait_indirect_dma semaphore(%arg13 : memref<!tpu.dma_semaphore, #tpu.memory_space<semaphore_mem>>) src(%arg9 : memref<128x128xf32, #tpu.memory_space<vmem>>) dst(%dma_wait3A_72 : memref<10240x128xf32, #tpu.memory_space<vmem_shared>>)
      %dma_start3A_73 = arith.constant 2 : i32
      %dma_start3A_74 = arith.constant 0 : i32
      %dma_start3A_75 = tpu.memref_slice %arg7[%dma_start3A_73, %dma_start3A_74] : memref<8x128xi32, #tpu.memory_space<vmem>> -> memref<1x128xi32, #tpu.memory_space<vmem>>
      %dma_start3A_76 = tpu.memref_squeeze %dma_start3A_75 : memref<1x128xi32, #tpu.memory_space<vmem>> -> memref<128xi32, #tpu.memory_space<vmem>>
      %dma_start3A_77 = arith.constant 0 : i32
      %dma_start3A_78 = arith.constant 0 : i32
      %dma_start3A_79 = tpu.memref_slice %arg2[%dma_start3A_77, %dma_start3A_78] : memref<10240x128xf32, #tpu.memory_space<hbm>> -> memref<10240x128xf32, #tpu.memory_space<hbm>>
      tpu.enqueue_indirect_dma source(%dma_start3A_79 : memref<10240x128xf32, #tpu.memory_space<hbm>>) target(%arg9 : memref<128x128xf32, #tpu.memory_space<vmem>>) offsets(%dma_start3A_76 : memref<128xi32, #tpu.memory_space<vmem>>) semaphore(%arg11 : memref<!tpu.dma_semaphore, #tpu.memory_space<semaphore_mem>>)
      %dma_wait3A_80 = arith.constant 1 : i32
      %dma_wait3A_81 = arith.constant 0 : i32
      %dma_wait3A_82 = tpu.memref_slice %arg7[%dma_wait3A_80, %dma_wait3A_81] : memref<8x128xi32, #tpu.memory_space<vmem>> -> memref<1x128xi32, #tpu.memory_space<vmem>>
      %dma_wait3A_83 = tpu.memref_squeeze %dma_wait3A_82 : memref<1x128xi32, #tpu.memory_space<vmem>> -> memref<128xi32, #tpu.memory_space<vmem>>
      %dma_wait3A_84 = arith.constant 0 : i32
      %dma_wait3A_85 = arith.constant 0 : i32
      %dma_wait3A_86 = tpu.memref_slice %arg2[%dma_wait3A_84, %dma_wait3A_85] : memref<10240x128xf32, #tpu.memory_space<hbm>> -> memref<10240x128xf32, #tpu.memory_space<hbm>>
      tpu.wait_indirect_dma semaphore(%arg12 : memref<!tpu.dma_semaphore, #tpu.memory_space<semaphore_mem>>) src(%dma_wait3A_86 : memref<10240x128xf32, #tpu.memory_space<hbm>>) dst(%arg10 : memref<128x128xf32, #tpu.memory_space<vmem>>)
      %dma_start3A_87 = arith.constant 1 : i32
      %dma_start3A_88 = arith.constant 0 : i32
      %dma_start3A_89 = tpu.memref_slice %arg8[%dma_start3A_87, %dma_start3A_88] : memref<8x128xi32, #tpu.memory_space<vmem>> -> memref<1x128xi32, #tpu.memory_space<vmem>>
      %dma_start3A_90 = tpu.memref_squeeze %dma_start3A_89 : memref<1x128xi32, #tpu.memory_space<vmem>> -> memref<128xi32, #tpu.memory_space<vmem>>
      %dma_start3A_91 = arith.constant 0 : i32
      %dma_start3A_92 = arith.constant 0 : i32
      %dma_start3A_93 = tpu.memref_slice %arg15[%dma_start3A_91, %dma_start3A_92] : memref<10240x128xf32, #tpu.memory_space<vmem_shared>> -> memref<10240x128xf32, #tpu.memory_space<vmem_shared>>
      tpu.enqueue_indirect_dma source(%arg10 : memref<128x128xf32, #tpu.memory_space<vmem>>) target(%dma_start3A_93 : memref<10240x128xf32, #tpu.memory_space<vmem_shared>>) offsets(%dma_start3A_90 : memref<128xi32, #tpu.memory_space<vmem>>) semaphore(%arg14 : memref<!tpu.dma_semaphore, #tpu.memory_space<semaphore_mem>>) {add = true}
      %dma_wait3A_94 = arith.constant 1 : i32
      %dma_wait3A_95 = arith.constant 0 : i32
      %dma_wait3A_96 = tpu.memref_slice %arg8[%dma_wait3A_94, %dma_wait3A_95] : memref<8x128xi32, #tpu.memory_space<vmem>> -> memref<1x128xi32, #tpu.memory_space<vmem>>
      %dma_wait3A_97 = tpu.memref_squeeze %dma_wait3A_96 : memref<1x128xi32, #tpu.memory_space<vmem>> -> memref<128xi32, #tpu.memory_space<vmem>>
      %dma_wait3A_98 = arith.constant 0 : i32
      %dma_wait3A_99 = arith.constant 0 : i32
      %dma_wait3A_100 = tpu.memref_slice %arg15[%dma_wait3A_98, %dma_wait3A_99] : memref<10240x128xf32, #tpu.memory_space<vmem_shared>> -> memref<10240x128xf32, #tpu.memory_space<vmem_shared>>
      tpu.wait_indirect_dma semaphore(%arg14 : memref<!tpu.dma_semaphore, #tpu.memory_space<semaphore_mem>>) src(%arg10 : memref<128x128xf32, #tpu.memory_space<vmem>>) dst(%dma_wait3A_100 : memref<10240x128xf32, #tpu.memory_space<vmem_shared>>)
      %dma_start3A_101 = arith.constant 3 : i32
      %dma_start3A_102 = arith.constant 0 : i32
      %dma_start3A_103 = tpu.memref_slice %arg7[%dma_start3A_101, %dma_start3A_102] : memref<8x128xi32, #tpu.memory_space<vmem>> -> memref<1x128xi32, #tpu.memory_space<vmem>>
      %dma_start3A_104 = tpu.memref_squeeze %dma_start3A_103 : memref<1x128xi32, #tpu.memory_space<vmem>> -> memref<128xi32, #tpu.memory_space<vmem>>
      %dma_start3A_105 = arith.constant 0 : i32
      %dma_start3A_106 = arith.constant 0 : i32
      %dma_start3A_107 = tpu.memref_slice %arg2[%dma_start3A_105, %dma_start3A_106] : memref<10240x128xf32, #tpu.memory_space<hbm>> -> memref<10240x128xf32, #tpu.memory_space<hbm>>
      tpu.enqueue_indirect_dma source(%dma_start3A_107 : memref<10240x128xf32, #tpu.memory_space<hbm>>) target(%arg10 : memref<128x128xf32, #tpu.memory_space<vmem>>) offsets(%dma_start3A_104 : memref<128xi32, #tpu.memory_space<vmem>>) semaphore(%arg12 : memref<!tpu.dma_semaphore, #tpu.memory_space<semaphore_mem>>)
      %dma_wait3A_108 = arith.constant 2 : i32
      %dma_wait3A_109 = arith.constant 0 : i32
      %dma_wait3A_110 = tpu.memref_slice %arg7[%dma_wait3A_108, %dma_wait3A_109] : memref<8x128xi32, #tpu.memory_space<vmem>> -> memref<1x128xi32, #tpu.memory_space<vmem>>
      %dma_wait3A_111 = tpu.memref_squeeze %dma_wait3A_110 : memref<1x128xi32, #tpu.memory_space<vmem>> -> memref<128xi32, #tpu.memory_space<vmem>>
      %dma_wait3A_112 = arith.constant 0 : i32
      %dma_wait3A_113 = arith.constant 0 : i32
      %dma_wait3A_114 = tpu.memref_slice %arg2[%dma_wait3A_112, %dma_wait3A_113] : memref<10240x128xf32, #tpu.memory_space<hbm>> -> memref<10240x128xf32, #tpu.memory_space<hbm>>
      tpu.wait_indirect_dma semaphore(%arg11 : memref<!tpu.dma_semaphore, #tpu.memory_space<semaphore_mem>>) src(%dma_wait3A_114 : memref<10240x128xf32, #tpu.memory_space<hbm>>) dst(%arg9 : memref<128x128xf32, #tpu.memory_space<vmem>>)
      %dma_start3A_115 = arith.constant 2 : i32
      %dma_start3A_116 = arith.constant 0 : i32
      %dma_start3A_117 = tpu.memref_slice %arg8[%dma_start3A_115, %dma_start3A_116] : memref<8x128xi32, #tpu.memory_space<vmem>> -> memref<1x128xi32, #tpu.memory_space<vmem>>
      %dma_start3A_118 = tpu.memref_squeeze %dma_start3A_117 : memref<1x128xi32, #tpu.memory_space<vmem>> -> memref<128xi32, #tpu.memory_space<vmem>>
      %dma_start3A_119 = arith.constant 0 : i32
      %dma_start3A_120 = arith.constant 0 : i32
      %dma_start3A_121 = tpu.memref_slice %arg15[%dma_start3A_119, %dma_start3A_120] : memref<10240x128xf32, #tpu.memory_space<vmem_shared>> -> memref<10240x128xf32, #tpu.memory_space<vmem_shared>>
      tpu.enqueue_indirect_dma source(%arg9 : memref<128x128xf32, #tpu.memory_space<vmem>>) target(%dma_start3A_121 : memref<10240x128xf32, #tpu.memory_space<vmem_shared>>) offsets(%dma_start3A_118 : memref<128xi32, #tpu.memory_space<vmem>>) semaphore(%arg13 : memref<!tpu.dma_semaphore, #tpu.memory_space<semaphore_mem>>) {add = true}
      %dma_wait3A_122 = arith.constant 2 : i32
      %dma_wait3A_123 = arith.constant 0 : i32
      %dma_wait3A_124 = tpu.memref_slice %arg8[%dma_wait3A_122, %dma_wait3A_123] : memref<8x128xi32, #tpu.memory_space<vmem>> -> memref<1x128xi32, #tpu.memory_space<vmem>>
      %dma_wait3A_125 = tpu.memref_squeeze %dma_wait3A_124 : memref<1x128xi32, #tpu.memory_space<vmem>> -> memref<128xi32, #tpu.memory_space<vmem>>
      %dma_wait3A_126 = arith.constant 0 : i32
      %dma_wait3A_127 = arith.constant 0 : i32
      %dma_wait3A_128 = tpu.memref_slice %arg15[%dma_wait3A_126, %dma_wait3A_127] : memref<10240x128xf32, #tpu.memory_space<vmem_shared>> -> memref<10240x128xf32, #tpu.memory_space<vmem_shared>>
      tpu.wait_indirect_dma semaphore(%arg13 : memref<!tpu.dma_semaphore, #tpu.memory_space<semaphore_mem>>) src(%arg9 : memref<128x128xf32, #tpu.memory_space<vmem>>) dst(%dma_wait3A_128 : memref<10240x128xf32, #tpu.memory_space<vmem_shared>>)
      %dma_start3A_129 = arith.constant 4 : i32
      %dma_start3A_130 = arith.constant 0 : i32
      %dma_start3A_131 = tpu.memref_slice %arg7[%dma_start3A_129, %dma_start3A_130] : memref<8x128xi32, #tpu.memory_space<vmem>> -> memref<1x128xi32, #tpu.memory_space<vmem>>
      %dma_start3A_132 = tpu.memref_squeeze %dma_start3A_131 : memref<1x128xi32, #tpu.memory_space<vmem>> -> memref<128xi32, #tpu.memory_space<vmem>>
      %dma_start3A_133 = arith.constant 0 : i32
      %dma_start3A_134 = arith.constant 0 : i32
      %dma_start3A_135 = tpu.memref_slice %arg2[%dma_start3A_133, %dma_start3A_134] : memref<10240x128xf32, #tpu.memory_space<hbm>> -> memref<10240x128xf32, #tpu.memory_space<hbm>>
      tpu.enqueue_indirect_dma source(%dma_start3A_135 : memref<10240x128xf32, #tpu.memory_space<hbm>>) target(%arg9 : memref<128x128xf32, #tpu.memory_space<vmem>>) offsets(%dma_start3A_132 : memref<128xi32, #tpu.memory_space<vmem>>) semaphore(%arg11 : memref<!tpu.dma_semaphore, #tpu.memory_space<semaphore_mem>>)
      %dma_wait3A_136 = arith.constant 3 : i32
      %dma_wait3A_137 = arith.constant 0 : i32
      %dma_wait3A_138 = tpu.memref_slice %arg7[%dma_wait3A_136, %dma_wait3A_137] : memref<8x128xi32, #tpu.memory_space<vmem>> -> memref<1x128xi32, #tpu.memory_space<vmem>>
      %dma_wait3A_139 = tpu.memref_squeeze %dma_wait3A_138 : memref<1x128xi32, #tpu.memory_space<vmem>> -> memref<128xi32, #tpu.memory_space<vmem>>
      %dma_wait3A_140 = arith.constant 0 : i32
      %dma_wait3A_141 = arith.constant 0 : i32
      %dma_wait3A_142 = tpu.memref_slice %arg2[%dma_wait3A_140, %dma_wait3A_141] : memref<10240x128xf32, #tpu.memory_space<hbm>> -> memref<10240x128xf32, #tpu.memory_space<hbm>>
      tpu.wait_indirect_dma semaphore(%arg12 : memref<!tpu.dma_semaphore, #tpu.memory_space<semaphore_mem>>) src(%dma_wait3A_142 : memref<10240x128xf32, #tpu.memory_space<hbm>>) dst(%arg10 : memref<128x128xf32, #tpu.memory_space<vmem>>)
      %dma_start3A_143 = arith.constant 3 : i32
      %dma_start3A_144 = arith.constant 0 : i32
      %dma_start3A_145 = tpu.memref_slice %arg8[%dma_start3A_143, %dma_start3A_144] : memref<8x128xi32, #tpu.memory_space<vmem>> -> memref<1x128xi32, #tpu.memory_space<vmem>>
      %dma_start3A_146 = tpu.memref_squeeze %dma_start3A_145 : memref<1x128xi32, #tpu.memory_space<vmem>> -> memref<128xi32, #tpu.memory_space<vmem>>
      %dma_start3A_147 = arith.constant 0 : i32
      %dma_start3A_148 = arith.constant 0 : i32
      %dma_start3A_149 = tpu.memref_slice %arg15[%dma_start3A_147, %dma_start3A_148] : memref<10240x128xf32, #tpu.memory_space<vmem_shared>> -> memref<10240x128xf32, #tpu.memory_space<vmem_shared>>
      tpu.enqueue_indirect_dma source(%arg10 : memref<128x128xf32, #tpu.memory_space<vmem>>) target(%dma_start3A_149 : memref<10240x128xf32, #tpu.memory_space<vmem_shared>>) offsets(%dma_start3A_146 : memref<128xi32, #tpu.memory_space<vmem>>) semaphore(%arg14 : memref<!tpu.dma_semaphore, #tpu.memory_space<semaphore_mem>>) {add = true}
      %dma_wait3A_150 = arith.constant 3 : i32
      %dma_wait3A_151 = arith.constant 0 : i32
      %dma_wait3A_152 = tpu.memref_slice %arg8[%dma_wait3A_150, %dma_wait3A_151] : memref<8x128xi32, #tpu.memory_space<vmem>> -> memref<1x128xi32, #tpu.memory_space<vmem>>
      %dma_wait3A_153 = tpu.memref_squeeze %dma_wait3A_152 : memref<1x128xi32, #tpu.memory_space<vmem>> -> memref<128xi32, #tpu.memory_space<vmem>>
      %dma_wait3A_154 = arith.constant 0 : i32
      %dma_wait3A_155 = arith.constant 0 : i32
      %dma_wait3A_156 = tpu.memref_slice %arg15[%dma_wait3A_154, %dma_wait3A_155] : memref<10240x128xf32, #tpu.memory_space<vmem_shared>> -> memref<10240x128xf32, #tpu.memory_space<vmem_shared>>
      tpu.wait_indirect_dma semaphore(%arg14 : memref<!tpu.dma_semaphore, #tpu.memory_space<semaphore_mem>>) src(%arg10 : memref<128x128xf32, #tpu.memory_space<vmem>>) dst(%dma_wait3A_156 : memref<10240x128xf32, #tpu.memory_space<vmem_shared>>)
      %dma_start3A_157 = arith.constant 5 : i32
      %dma_start3A_158 = arith.constant 0 : i32
      %dma_start3A_159 = tpu.memref_slice %arg7[%dma_start3A_157, %dma_start3A_158] : memref<8x128xi32, #tpu.memory_space<vmem>> -> memref<1x128xi32, #tpu.memory_space<vmem>>
      %dma_start3A_160 = tpu.memref_squeeze %dma_start3A_159 : memref<1x128xi32, #tpu.memory_space<vmem>> -> memref<128xi32, #tpu.memory_space<vmem>>
      %dma_start3A_161 = arith.constant 0 : i32
      %dma_start3A_162 = arith.constant 0 : i32
      %dma_start3A_163 = tpu.memref_slice %arg2[%dma_start3A_161, %dma_start3A_162] : memref<10240x128xf32, #tpu.memory_space<hbm>> -> memref<10240x128xf32, #tpu.memory_space<hbm>>
      tpu.enqueue_indirect_dma source(%dma_start3A_163 : memref<10240x128xf32, #tpu.memory_space<hbm>>) target(%arg10 : memref<128x128xf32, #tpu.memory_space<vmem>>) offsets(%dma_start3A_160 : memref<128xi32, #tpu.memory_space<vmem>>) semaphore(%arg12 : memref<!tpu.dma_semaphore, #tpu.memory_space<semaphore_mem>>)
      %dma_wait3A_164 = arith.constant 4 : i32
      %dma_wait3A_165 = arith.constant 0 : i32
      %dma_wait3A_166 = tpu.memref_slice %arg7[%dma_wait3A_164, %dma_wait3A_165] : memref<8x128xi32, #tpu.memory_space<vmem>> -> memref<1x128xi32, #tpu.memory_space<vmem>>
      %dma_wait3A_167 = tpu.memref_squeeze %dma_wait3A_166 : memref<1x128xi32, #tpu.memory_space<vmem>> -> memref<128xi32, #tpu.memory_space<vmem>>
      %dma_wait3A_168 = arith.constant 0 : i32
      %dma_wait3A_169 = arith.constant 0 : i32
      %dma_wait3A_170 = tpu.memref_slice %arg2[%dma_wait3A_168, %dma_wait3A_169] : memref<10240x128xf32, #tpu.memory_space<hbm>> -> memref<10240x128xf32, #tpu.memory_space<hbm>>
      tpu.wait_indirect_dma semaphore(%arg11 : memref<!tpu.dma_semaphore, #tpu.memory_space<semaphore_mem>>) src(%dma_wait3A_170 : memref<10240x128xf32, #tpu.memory_space<hbm>>) dst(%arg9 : memref<128x128xf32, #tpu.memory_space<vmem>>)
      %dma_start3A_171 = arith.constant 4 : i32
      %dma_start3A_172 = arith.constant 0 : i32
      %dma_start3A_173 = tpu.memref_slice %arg8[%dma_start3A_171, %dma_start3A_172] : memref<8x128xi32, #tpu.memory_space<vmem>> -> memref<1x128xi32, #tpu.memory_space<vmem>>
      %dma_start3A_174 = tpu.memref_squeeze %dma_start3A_173 : memref<1x128xi32, #tpu.memory_space<vmem>> -> memref<128xi32, #tpu.memory_space<vmem>>
      %dma_start3A_175 = arith.constant 0 : i32
      %dma_start3A_176 = arith.constant 0 : i32
      %dma_start3A_177 = tpu.memref_slice %arg15[%dma_start3A_175, %dma_start3A_176] : memref<10240x128xf32, #tpu.memory_space<vmem_shared>> -> memref<10240x128xf32, #tpu.memory_space<vmem_shared>>
      tpu.enqueue_indirect_dma source(%arg9 : memref<128x128xf32, #tpu.memory_space<vmem>>) target(%dma_start3A_177 : memref<10240x128xf32, #tpu.memory_space<vmem_shared>>) offsets(%dma_start3A_174 : memref<128xi32, #tpu.memory_space<vmem>>) semaphore(%arg13 : memref<!tpu.dma_semaphore, #tpu.memory_space<semaphore_mem>>) {add = true}
      %dma_wait3A_178 = arith.constant 4 : i32
      %dma_wait3A_179 = arith.constant 0 : i32
      %dma_wait3A_180 = tpu.memref_slice %arg8[%dma_wait3A_178, %dma_wait3A_179] : memref<8x128xi32, #tpu.memory_space<vmem>> -> memref<1x128xi32, #tpu.memory_space<vmem>>
      %dma_wait3A_181 = tpu.memref_squeeze %dma_wait3A_180 : memref<1x128xi32, #tpu.memory_space<vmem>> -> memref<128xi32, #tpu.memory_space<vmem>>
      %dma_wait3A_182 = arith.constant 0 : i32
      %dma_wait3A_183 = arith.constant 0 : i32
      %dma_wait3A_184 = tpu.memref_slice %arg15[%dma_wait3A_182, %dma_wait3A_183] : memref<10240x128xf32, #tpu.memory_space<vmem_shared>> -> memref<10240x128xf32, #tpu.memory_space<vmem_shared>>
      tpu.wait_indirect_dma semaphore(%arg13 : memref<!tpu.dma_semaphore, #tpu.memory_space<semaphore_mem>>) src(%arg9 : memref<128x128xf32, #tpu.memory_space<vmem>>) dst(%dma_wait3A_184 : memref<10240x128xf32, #tpu.memory_space<vmem_shared>>)
      %dma_start3A_185 = arith.constant 6 : i32
      %dma_start3A_186 = arith.constant 0 : i32
      %dma_start3A_187 = tpu.memref_slice %arg7[%dma_start3A_185, %dma_start3A_186] : memref<8x128xi32, #tpu.memory_space<vmem>> -> memref<1x128xi32, #tpu.memory_space<vmem>>
      %dma_start3A_188 = tpu.memref_squeeze %dma_start3A_187 : memref<1x128xi32, #tpu.memory_space<vmem>> -> memref<128xi32, #tpu.memory_space<vmem>>
      %dma_start3A_189 = arith.constant 0 : i32
      %dma_start3A_190 = arith.constant 0 : i32
      %dma_start3A_191 = tpu.memref_slice %arg2[%dma_start3A_189, %dma_start3A_190] : memref<10240x128xf32, #tpu.memory_space<hbm>> -> memref<10240x128xf32, #tpu.memory_space<hbm>>
      tpu.enqueue_indirect_dma source(%dma_start3A_191 : memref<10240x128xf32, #tpu.memory_space<hbm>>) target(%arg9 : memref<128x128xf32, #tpu.memory_space<vmem>>) offsets(%dma_start3A_188 : memref<128xi32, #tpu.memory_space<vmem>>) semaphore(%arg11 : memref<!tpu.dma_semaphore, #tpu.memory_space<semaphore_mem>>)
      %dma_wait3A_192 = arith.constant 5 : i32
      %dma_wait3A_193 = arith.constant 0 : i32
      %dma_wait3A_194 = tpu.memref_slice %arg7[%dma_wait3A_192, %dma_wait3A_193] : memref<8x128xi32, #tpu.memory_space<vmem>> -> memref<1x128xi32, #tpu.memory_space<vmem>>
      %dma_wait3A_195 = tpu.memref_squeeze %dma_wait3A_194 : memref<1x128xi32, #tpu.memory_space<vmem>> -> memref<128xi32, #tpu.memory_space<vmem>>
      %dma_wait3A_196 = arith.constant 0 : i32
      %dma_wait3A_197 = arith.constant 0 : i32
      %dma_wait3A_198 = tpu.memref_slice %arg2[%dma_wait3A_196, %dma_wait3A_197] : memref<10240x128xf32, #tpu.memory_space<hbm>> -> memref<10240x128xf32, #tpu.memory_space<hbm>>
      tpu.wait_indirect_dma semaphore(%arg12 : memref<!tpu.dma_semaphore, #tpu.memory_space<semaphore_mem>>) src(%dma_wait3A_198 : memref<10240x128xf32, #tpu.memory_space<hbm>>) dst(%arg10 : memref<128x128xf32, #tpu.memory_space<vmem>>)
      %dma_start3A_199 = arith.constant 5 : i32
      %dma_start3A_200 = arith.constant 0 : i32
      %dma_start3A_201 = tpu.memref_slice %arg8[%dma_start3A_199, %dma_start3A_200] : memref<8x128xi32, #tpu.memory_space<vmem>> -> memref<1x128xi32, #tpu.memory_space<vmem>>
      %dma_start3A_202 = tpu.memref_squeeze %dma_start3A_201 : memref<1x128xi32, #tpu.memory_space<vmem>> -> memref<128xi32, #tpu.memory_space<vmem>>
      %dma_start3A_203 = arith.constant 0 : i32
      %dma_start3A_204 = arith.constant 0 : i32
      %dma_start3A_205 = tpu.memref_slice %arg15[%dma_start3A_203, %dma_start3A_204] : memref<10240x128xf32, #tpu.memory_space<vmem_shared>> -> memref<10240x128xf32, #tpu.memory_space<vmem_shared>>
      tpu.enqueue_indirect_dma source(%arg10 : memref<128x128xf32, #tpu.memory_space<vmem>>) target(%dma_start3A_205 : memref<10240x128xf32, #tpu.memory_space<vmem_shared>>) offsets(%dma_start3A_202 : memref<128xi32, #tpu.memory_space<vmem>>) semaphore(%arg14 : memref<!tpu.dma_semaphore, #tpu.memory_space<semaphore_mem>>) {add = true}
      %dma_wait3A_206 = arith.constant 5 : i32
      %dma_wait3A_207 = arith.constant 0 : i32
      %dma_wait3A_208 = tpu.memref_slice %arg8[%dma_wait3A_206, %dma_wait3A_207] : memref<8x128xi32, #tpu.memory_space<vmem>> -> memref<1x128xi32, #tpu.memory_space<vmem>>
      %dma_wait3A_209 = tpu.memref_squeeze %dma_wait3A_208 : memref<1x128xi32, #tpu.memory_space<vmem>> -> memref<128xi32, #tpu.memory_space<vmem>>
      %dma_wait3A_210 = arith.constant 0 : i32
      %dma_wait3A_211 = arith.constant 0 : i32
      %dma_wait3A_212 = tpu.memref_slice %arg15[%dma_wait3A_210, %dma_wait3A_211] : memref<10240x128xf32, #tpu.memory_space<vmem_shared>> -> memref<10240x128xf32, #tpu.memory_space<vmem_shared>>
      tpu.wait_indirect_dma semaphore(%arg14 : memref<!tpu.dma_semaphore, #tpu.memory_space<semaphore_mem>>) src(%arg10 : memref<128x128xf32, #tpu.memory_space<vmem>>) dst(%dma_wait3A_212 : memref<10240x128xf32, #tpu.memory_space<vmem_shared>>)
      %dma_start3A_213 = arith.constant 7 : i32
      %dma_start3A_214 = arith.constant 0 : i32
      %dma_start3A_215 = tpu.memref_slice %arg7[%dma_start3A_213, %dma_start3A_214] : memref<8x128xi32, #tpu.memory_space<vmem>> -> memref<1x128xi32, #tpu.memory_space<vmem>>
      %dma_start3A_216 = tpu.memref_squeeze %dma_start3A_215 : memref<1x128xi32, #tpu.memory_space<vmem>> -> memref<128xi32, #tpu.memory_space<vmem>>
      %dma_start3A_217 = arith.constant 0 : i32
      %dma_start3A_218 = arith.constant 0 : i32
      %dma_start3A_219 = tpu.memref_slice %arg2[%dma_start3A_217, %dma_start3A_218] : memref<10240x128xf32, #tpu.memory_space<hbm>> -> memref<10240x128xf32, #tpu.memory_space<hbm>>
      tpu.enqueue_indirect_dma source(%dma_start3A_219 : memref<10240x128xf32, #tpu.memory_space<hbm>>) target(%arg10 : memref<128x128xf32, #tpu.memory_space<vmem>>) offsets(%dma_start3A_216 : memref<128xi32, #tpu.memory_space<vmem>>) semaphore(%arg12 : memref<!tpu.dma_semaphore, #tpu.memory_space<semaphore_mem>>)
      %dma_wait3A_220 = arith.constant 6 : i32
      %dma_wait3A_221 = arith.constant 0 : i32
      %dma_wait3A_222 = tpu.memref_slice %arg7[%dma_wait3A_220, %dma_wait3A_221] : memref<8x128xi32, #tpu.memory_space<vmem>> -> memref<1x128xi32, #tpu.memory_space<vmem>>
      %dma_wait3A_223 = tpu.memref_squeeze %dma_wait3A_222 : memref<1x128xi32, #tpu.memory_space<vmem>> -> memref<128xi32, #tpu.memory_space<vmem>>
      %dma_wait3A_224 = arith.constant 0 : i32
      %dma_wait3A_225 = arith.constant 0 : i32
      %dma_wait3A_226 = tpu.memref_slice %arg2[%dma_wait3A_224, %dma_wait3A_225] : memref<10240x128xf32, #tpu.memory_space<hbm>> -> memref<10240x128xf32, #tpu.memory_space<hbm>>
      tpu.wait_indirect_dma semaphore(%arg11 : memref<!tpu.dma_semaphore, #tpu.memory_space<semaphore_mem>>) src(%dma_wait3A_226 : memref<10240x128xf32, #tpu.memory_space<hbm>>) dst(%arg9 : memref<128x128xf32, #tpu.memory_space<vmem>>)
      %dma_start3A_227 = arith.constant 6 : i32
      %dma_start3A_228 = arith.constant 0 : i32
      %dma_start3A_229 = tpu.memref_slice %arg8[%dma_start3A_227, %dma_start3A_228] : memref<8x128xi32, #tpu.memory_space<vmem>> -> memref<1x128xi32, #tpu.memory_space<vmem>>
      %dma_start3A_230 = tpu.memref_squeeze %dma_start3A_229 : memref<1x128xi32, #tpu.memory_space<vmem>> -> memref<128xi32, #tpu.memory_space<vmem>>
      %dma_start3A_231 = arith.constant 0 : i32
      %dma_start3A_232 = arith.constant 0 : i32
      %dma_start3A_233 = tpu.memref_slice %arg15[%dma_start3A_231, %dma_start3A_232] : memref<10240x128xf32, #tpu.memory_space<vmem_shared>> -> memref<10240x128xf32, #tpu.memory_space<vmem_shared>>
      tpu.enqueue_indirect_dma source(%arg9 : memref<128x128xf32, #tpu.memory_space<vmem>>) target(%dma_start3A_233 : memref<10240x128xf32, #tpu.memory_space<vmem_shared>>) offsets(%dma_start3A_230 : memref<128xi32, #tpu.memory_space<vmem>>) semaphore(%arg13 : memref<!tpu.dma_semaphore, #tpu.memory_space<semaphore_mem>>) {add = true}
      %dma_wait3A_234 = arith.constant 7 : i32
      %dma_wait3A_235 = arith.constant 0 : i32
      %dma_wait3A_236 = tpu.memref_slice %arg7[%dma_wait3A_234, %dma_wait3A_235] : memref<8x128xi32, #tpu.memory_space<vmem>> -> memref<1x128xi32, #tpu.memory_space<vmem>>
      %dma_wait3A_237 = tpu.memref_squeeze %dma_wait3A_236 : memref<1x128xi32, #tpu.memory_space<vmem>> -> memref<128xi32, #tpu.memory_space<vmem>>
      %dma_wait3A_238 = arith.constant 0 : i32
      %dma_wait3A_239 = arith.constant 0 : i32
      %dma_wait3A_240 = tpu.memref_slice %arg2[%dma_wait3A_238, %dma_wait3A_239] : memref<10240x128xf32, #tpu.memory_space<hbm>> -> memref<10240x128xf32, #tpu.memory_space<hbm>>
      tpu.wait_indirect_dma semaphore(%arg12 : memref<!tpu.dma_semaphore, #tpu.memory_space<semaphore_mem>>) src(%dma_wait3A_240 : memref<10240x128xf32, #tpu.memory_space<hbm>>) dst(%arg10 : memref<128x128xf32, #tpu.memory_space<vmem>>)
      %dma_start3A_241 = arith.constant 7 : i32
      %dma_start3A_242 = arith.constant 0 : i32
      %dma_start3A_243 = tpu.memref_slice %arg8[%dma_start3A_241, %dma_start3A_242] : memref<8x128xi32, #tpu.memory_space<vmem>> -> memref<1x128xi32, #tpu.memory_space<vmem>>
      %dma_start3A_244 = tpu.memref_squeeze %dma_start3A_243 : memref<1x128xi32, #tpu.memory_space<vmem>> -> memref<128xi32, #tpu.memory_space<vmem>>
      %dma_start3A_245 = arith.constant 0 : i32
      %dma_start3A_246 = arith.constant 0 : i32
      %dma_start3A_247 = tpu.memref_slice %arg15[%dma_start3A_245, %dma_start3A_246] : memref<10240x128xf32, #tpu.memory_space<vmem_shared>> -> memref<10240x128xf32, #tpu.memory_space<vmem_shared>>
      tpu.enqueue_indirect_dma source(%arg10 : memref<128x128xf32, #tpu.memory_space<vmem>>) target(%dma_start3A_247 : memref<10240x128xf32, #tpu.memory_space<vmem_shared>>) offsets(%dma_start3A_244 : memref<128xi32, #tpu.memory_space<vmem>>) semaphore(%arg14 : memref<!tpu.dma_semaphore, #tpu.memory_space<semaphore_mem>>) {add = true}
      %dma_wait3A_248 = arith.constant 6 : i32
      %dma_wait3A_249 = arith.constant 0 : i32
      %dma_wait3A_250 = tpu.memref_slice %arg8[%dma_wait3A_248, %dma_wait3A_249] : memref<8x128xi32, #tpu.memory_space<vmem>> -> memref<1x128xi32, #tpu.memory_space<vmem>>
      %dma_wait3A_251 = tpu.memref_squeeze %dma_wait3A_250 : memref<1x128xi32, #tpu.memory_space<vmem>> -> memref<128xi32, #tpu.memory_space<vmem>>
      %dma_wait3A_252 = arith.constant 0 : i32
      %dma_wait3A_253 = arith.constant 0 : i32
      %dma_wait3A_254 = tpu.memref_slice %arg15[%dma_wait3A_252, %dma_wait3A_253] : memref<10240x128xf32, #tpu.memory_space<vmem_shared>> -> memref<10240x128xf32, #tpu.memory_space<vmem_shared>>
      tpu.wait_indirect_dma semaphore(%arg13 : memref<!tpu.dma_semaphore, #tpu.memory_space<semaphore_mem>>) src(%arg9 : memref<128x128xf32, #tpu.memory_space<vmem>>) dst(%dma_wait3A_254 : memref<10240x128xf32, #tpu.memory_space<vmem_shared>>)
      %dma_wait3A_255 = arith.constant 7 : i32
      %dma_wait3A_256 = arith.constant 0 : i32
      %dma_wait3A_257 = tpu.memref_slice %arg8[%dma_wait3A_255, %dma_wait3A_256] : memref<8x128xi32, #tpu.memory_space<vmem>> -> memref<1x128xi32, #tpu.memory_space<vmem>>
      %dma_wait3A_258 = tpu.memref_squeeze %dma_wait3A_257 : memref<1x128xi32, #tpu.memory_space<vmem>> -> memref<128xi32, #tpu.memory_space<vmem>>
      %dma_wait3A_259 = arith.constant 0 : i32
      %dma_wait3A_260 = arith.constant 0 : i32
      %dma_wait3A_261 = tpu.memref_slice %arg15[%dma_wait3A_259, %dma_wait3A_260] : memref<10240x128xf32, #tpu.memory_space<vmem_shared>> -> memref<10240x128xf32, #tpu.memory_space<vmem_shared>>
      tpu.wait_indirect_dma semaphore(%arg14 : memref<!tpu.dma_semaphore, #tpu.memory_space<semaphore_mem>>) src(%arg10 : memref<128x128xf32, #tpu.memory_space<vmem>>) dst(%dma_wait3A_261 : memref<10240x128xf32, #tpu.memory_space<vmem_shared>>)
    }
    %scan3A_25 = arith.constant 10 : i32
    %barrier3A_26 = arith.constant 0 : index
    tpu.barrier barrier_id(%barrier3A_26)
    %mul3A_27 = arith.constant 10240 : i32
    %mul3A_28 = arith.muli %arg0, %mul3A_27 : i32
    %mul3A_29 = arith.constant 640 : i32
    %mul3A_30 = arith.muli %arg1, %mul3A_29 : i32
    %add3A_31 = arith.addi %mul3A_28, %mul3A_30 : i32
    %mul3A_32 = arith.constant 640 : i32
    %mul3A_33 = arith.muli %arg1, %mul3A_32 : i32
    "tpu.region"() ({
      %run_scoped3A = tpu.sem_alloc : memref<!tpu.dma_semaphore, #tpu.memory_space<semaphore_mem>>
      %dma_start3A = arith.constant 0 : i32
      %dma_start3A_34 = tpu.memref_slice %arg6[%add3A_31, %dma_start3A] : memref<20480x128xf32, #tpu.memory_space<hbm>> -> memref<640x128xf32, #tpu.memory_space<hbm>>
      %dma_start3A_35 = arith.constant 0 : i32
      %dma_start3A_36 = tpu.memref_slice %arg15[%mul3A_33, %dma_start3A_35] : memref<10240x128xf32, #tpu.memory_space<vmem_shared>> -> memref<640x128xf32, #tpu.memory_space<vmem_shared>>
      tpu.enqueue_dma source(%dma_start3A_36 : memref<640x128xf32, #tpu.memory_space<vmem_shared>>) target(%dma_start3A_34 : memref<640x128xf32, #tpu.memory_space<hbm>>) target_semaphore(%run_scoped3A : memref<!tpu.dma_semaphore, #tpu.memory_space<semaphore_mem>>)
      %dma_wait3A = arith.constant 0 : i32
      %dma_wait3A_37 = tpu.memref_slice %arg6[%add3A_31, %dma_wait3A] : memref<20480x128xf32, #tpu.memory_space<hbm>> -> memref<640x128xf32, #tpu.memory_space<hbm>>
      %dma_wait3A_38 = arith.constant 0 : i32
      %dma_wait3A_39 = tpu.memref_slice %arg15[%mul3A_33, %dma_wait3A_38] : memref<10240x128xf32, #tpu.memory_space<vmem_shared>> -> memref<640x128xf32, #tpu.memory_space<vmem_shared>>
      tpu.wait_dma2 semaphore(%run_scoped3A : memref<!tpu.dma_semaphore, #tpu.memory_space<semaphore_mem>>) src(%dma_wait3A_39 : memref<640x128xf32, #tpu.memory_space<vmem_shared>>) dst(%dma_wait3A_37 : memref<640x128xf32, #tpu.memory_space<hbm>>)
      tpu.yield
    }) : () -> ()
    return
  }
}

module attributes {stable_mosaic.version = 14 : i64} {
  func.func @_k1_body(%arg0: i32, %arg1: memref<512x128xf32, #tpu.memory_space<vmem>>, %arg2: memref<512x128xf32, #tpu.memory_space<vmem>>, %arg3: memref<512x128xf32, #tpu.memory_space<vmem>>, %arg4: memref<128x128xf32, #tpu.memory_space<vmem>>, %arg5: memref<512x128xf32, #tpu.memory_space<vmem>>, %arg6: memref<512x128xf32, #tpu.memory_space<vmem>>) attributes {dimension_semantics = [#tpu.dimension_semantics<arbitrary>], iteration_bounds = array<i64: 20>, scalar_prefetch = 0 : i64, scratch_operands = 0 : i64, tpu.core_type = #tpu.core_type<tc>, window_params = [{transform_indices = @transform_0, window_bounds = array<i64: 512, 128>}, {transform_indices = @transform_1, window_bounds = array<i64: 512, 128>}, {transform_indices = @transform_2, window_bounds = array<i64: 512, 128>}, {pipeline_mode = #tpu.pipeline_mode<synchronous>, transform_indices = @transform_3, window_bounds = array<i64: 128, 128>}, {transform_indices = @transform_4, window_bounds = array<i64: 512, 128>}, {transform_indices = @transform_5, window_bounds = array<i64: 512, 128>}]} {
    %get3A = arith.constant 0 : index
    %get3A_0 = arith.constant 0 : index
    %get3A_1 = vector.load %arg2[%get3A, %get3A_0] : memref<512x128xf32, #tpu.memory_space<vmem>>, vector<512x128xf32>
    %get3A_2 = arith.constant 0 : index
    %get3A_3 = arith.constant 0 : index
    %get3A_4 = vector.load %arg3[%get3A_2, %get3A_3] : memref<512x128xf32, #tpu.memory_space<vmem>>, vector<512x128xf32>
    %add3A = arith.addf %get3A_1, %get3A_4 : vector<512x128xf32>
    %add3A_5 = arith.constant 1.000000e+00 : f32
    %add3A_6 = vector.broadcast %add3A_5 : f32 to vector<512x128xf32>
    %add3A_7 = arith.addf %add3A, %add3A_6 : vector<512x128xf32>
    %rsqrt3A = math.rsqrt %add3A_7 : vector<512x128xf32>
    %get3A_8 = arith.constant 0 : index
    %get3A_9 = arith.constant 0 : index
    %get3A_10 = vector.load %arg1[%get3A_8, %get3A_9] : memref<512x128xf32, #tpu.memory_space<vmem>>, vector<512x128xf32>
    %get3A_11 = arith.constant 0 : index
    %get3A_12 = arith.constant 0 : index
    %get3A_13 = vector.load %arg4[%get3A_11, %get3A_12] : memref<128x128xf32, #tpu.memory_space<vmem>>, vector<128x128xf32>
    %dot_general3A = arith.constant dense<0.000000e+00> : vector<512x128xf32>
    %dot_general3A_14 = tpu.matmul %get3A_10, %get3A_13, %dot_general3A {dimension_numbers = #tpu.dot_dimension_numbers<[1], [0], [0], [1], [0, 0, 1, 1], [], []>, transpose_lhs_hint = false} : vector<512x128xf32>, vector<128x128xf32>, vector<512x128xf32> -> vector<512x128xf32>
    %mul3A = arith.mulf %dot_general3A_14, %rsqrt3A : vector<512x128xf32>
    %swap3A = arith.constant 0 : index
    %swap3A_15 = arith.constant 0 : index
    %swap3A_16 = vector.load %arg5[%swap3A, %swap3A_15] : memref<512x128xf32, #tpu.memory_space<vmem>>, vector<512x128xf32>
    tpu.vector_store %arg5[%swap3A, %swap3A_15], %mul3A {strides = array<i32>} : memref<512x128xf32, #tpu.memory_space<vmem>>, vector<512x128xf32>,
    %swap3A_17 = arith.constant 0 : index
    %swap3A_18 = arith.constant 0 : index
    %swap3A_19 = vector.load %arg6[%swap3A_17, %swap3A_18] : memref<512x128xf32, #tpu.memory_space<vmem>>, vector<512x128xf32>
    tpu.vector_store %arg6[%swap3A_17, %swap3A_18], %rsqrt3A {strides = array<i32>} : memref<512x128xf32, #tpu.memory_space<vmem>>, vector<512x128xf32>,
    return
  }
  func.func @transform_0(%arg0: i32) -> (i32, i32) {
    %c0_i32 = arith.constant 0 : i32
    %c0_i32_0 = arith.constant 0 : i32
    return %arg0, %c0_i32 : i32, i32
  }
  func.func @transform_1(%arg0: i32) -> (i32, i32) {
    %c0_i32 = arith.constant 0 : i32
    %c0_i32_0 = arith.constant 0 : i32
    return %arg0, %c0_i32 : i32, i32
  }
  func.func @transform_2(%arg0: i32) -> (i32, i32) {
    %c0_i32 = arith.constant 0 : i32
    %c0_i32_0 = arith.constant 0 : i32
    return %arg0, %c0_i32 : i32, i32
  }
  func.func @transform_3(%arg0: i32) -> (i32, i32) {
    %c0_i32 = arith.constant 0 : i32
    %c0_i32_0 = arith.constant 0 : i32
    %c0_i32_1 = arith.constant 0 : i32
    return %c0_i32, %c0_i32_0 : i32, i32
  }
  func.func @transform_4(%arg0: i32) -> (i32, i32) {
    %c0_i32 = arith.constant 0 : i32
    %c0_i32_0 = arith.constant 0 : i32
    return %arg0, %c0_i32 : i32, i32
  }
  func.func @transform_5(%arg0: i32) -> (i32, i32) {
    %c0_i32 = arith.constant 0 : i32
    %c0_i32_0 = arith.constant 0 : i32
    return %arg0, %c0_i32 : i32, i32
  }
}

module attributes {stable_mosaic.version = 14 : i64} {
  func.func @_k2_body(%arg0: i32, %arg1: memref<512x128xf32, #tpu.memory_space<vmem>>, %arg2: memref<512x128xf32, #tpu.memory_space<vmem>>, %arg3: memref<512x128xf32, #tpu.memory_space<vmem>>, %arg4: memref<512x128xf32, #tpu.memory_space<vmem>>, %arg5: memref<1x128xf32, #tpu.memory_space<vmem>>, %arg6: memref<128x128xf32, #tpu.memory_space<vmem>>, %arg7: memref<512x128xf32, #tpu.memory_space<vmem>>, %arg8: memref<512x128xf32, #tpu.memory_space<vmem>>) attributes {dimension_semantics = [#tpu.dimension_semantics<arbitrary>], iteration_bounds = array<i64: 20>, scalar_prefetch = 0 : i64, scratch_operands = 0 : i64, tpu.core_type = #tpu.core_type<tc>, window_params = [{transform_indices = @transform_0, window_bounds = array<i64: 512, 128>}, {transform_indices = @transform_1, window_bounds = array<i64: 512, 128>}, {transform_indices = @transform_2, window_bounds = array<i64: 512, 128>}, {transform_indices = @transform_3, window_bounds = array<i64: 512, 128>}, {pipeline_mode = #tpu.pipeline_mode<synchronous>, transform_indices = @transform_4, window_bounds = array<i64: 1, 128>}, {pipeline_mode = #tpu.pipeline_mode<synchronous>, transform_indices = @transform_5, window_bounds = array<i64: 128, 128>}, {transform_indices = @transform_6, window_bounds = array<i64: 512, 128>}, {transform_indices = @transform_7, window_bounds = array<i64: 512, 128>}]} {
    %get3A = arith.constant 0 : index
    %get3A_0 = arith.constant 0 : index
    %get3A_1 = vector.load %arg4[%get3A, %get3A_0] : memref<512x128xf32, #tpu.memory_space<vmem>>, vector<512x128xf32>
    %get3A_2 = arith.constant 0 : index
    %get3A_3 = arith.constant 0 : index
    %get3A_4 = vector.load %arg1[%get3A_2, %get3A_3] : memref<512x128xf32, #tpu.memory_space<vmem>>, vector<512x128xf32>
    %get3A_5 = arith.constant 0 : index
    %get3A_6 = arith.constant 0 : index
    %get3A_7 = vector.load %arg2[%get3A_5, %get3A_6] : memref<512x128xf32, #tpu.memory_space<vmem>>, vector<512x128xf32>
    %add3A = arith.addf %get3A_4, %get3A_7 : vector<512x128xf32>
    %get3A_8 = arith.constant 0 : index
    %get3A_9 = arith.constant 0 : index
    %get3A_10 = vector.load %arg3[%get3A_8, %get3A_9] : memref<512x128xf32, #tpu.memory_space<vmem>>, vector<512x128xf32>
    %add3A_11 = arith.addf %add3A, %get3A_10 : vector<512x128xf32>
    %mul3A = arith.mulf %get3A_1, %add3A_11 : vector<512x128xf32>
    %get3A_12 = arith.constant 0 : index
    %get3A_13 = arith.constant 0 : index
    %get3A_14 = vector.load %arg5[%get3A_12, %get3A_13] : memref<1x128xf32, #tpu.memory_space<vmem>>, vector<1x128xf32>
    %add3A_15 = vector.broadcast %get3A_14 : vector<1x128xf32> to vector<512x128xf32>
    %add3A_16 = arith.addf %mul3A, %add3A_15 : vector<512x128xf32>
    %max3A = arith.constant 0.000000e+00 : f32
    %max3A_17 = vector.broadcast %max3A : f32 to vector<512x128xf32>
    %max3A_18 = arith.maximumf %add3A_16, %max3A_17 : vector<512x128xf32>
    %swap3A = arith.constant 0 : index
    %swap3A_19 = arith.constant 0 : index
    %swap3A_20 = vector.load %arg7[%swap3A, %swap3A_19] : memref<512x128xf32, #tpu.memory_space<vmem>>, vector<512x128xf32>
    tpu.vector_store %arg7[%swap3A, %swap3A_19], %max3A_18 {strides = array<i32>} : memref<512x128xf32, #tpu.memory_space<vmem>>, vector<512x128xf32>,
    %get3A_21 = arith.constant 0 : index
    %get3A_22 = arith.constant 0 : index
    %get3A_23 = vector.load %arg6[%get3A_21, %get3A_22] : memref<128x128xf32, #tpu.memory_space<vmem>>, vector<128x128xf32>
    %dot_general3A = arith.constant dense<0.000000e+00> : vector<512x128xf32>
    %dot_general3A_24 = tpu.matmul %max3A_18, %get3A_23, %dot_general3A {dimension_numbers = #tpu.dot_dimension_numbers<[1], [0], [0], [1], [0, 0, 1, 1], [], []>, transpose_lhs_hint = false} : vector<512x128xf32>, vector<128x128xf32>, vector<512x128xf32> -> vector<512x128xf32>
    %mul3A_25 = arith.mulf %dot_general3A_24, %get3A_1 : vector<512x128xf32>
    %swap3A_26 = arith.constant 0 : index
    %swap3A_27 = arith.constant 0 : index
    %swap3A_28 = vector.load %arg8[%swap3A_26, %swap3A_27] : memref<512x128xf32, #tpu.memory_space<vmem>>, vector<512x128xf32>
    tpu.vector_store %arg8[%swap3A_26, %swap3A_27], %mul3A_25 {strides = array<i32>} : memref<512x128xf32, #tpu.memory_space<vmem>>, vector<512x128xf32>,
    return
  }
  func.func @transform_0(%arg0: i32) -> (i32, i32) {
    %c0_i32 = arith.constant 0 : i32
    %c0_i32_0 = arith.constant 0 : i32
    return %arg0, %c0_i32 : i32, i32
  }
  func.func @transform_1(%arg0: i32) -> (i32, i32) {
    %c0_i32 = arith.constant 0 : i32
    %c0_i32_0 = arith.constant 0 : i32
    return %arg0, %c0_i32 : i32, i32
  }
  func.func @transform_2(%arg0: i32) -> (i32, i32) {
    %c0_i32 = arith.constant 0 : i32
    %c0_i32_0 = arith.constant 0 : i32
    return %arg0, %c0_i32 : i32, i32
  }
  func.func @transform_3(%arg0: i32) -> (i32, i32) {
    %c0_i32 = arith.constant 0 : i32
    %c0_i32_0 = arith.constant 0 : i32
    return %arg0, %c0_i32 : i32, i32
  }
  func.func @transform_4(%arg0: i32) -> (i32, i32) {
    %c0_i32 = arith.constant 0 : i32
    %c0_i32_0 = arith.constant 0 : i32
    %c0_i32_1 = arith.constant 0 : i32
    return %c0_i32, %c0_i32_0 : i32, i32
  }
  func.func @transform_5(%arg0: i32) -> (i32, i32) {
    %c0_i32 = arith.constant 0 : i32
    %c0_i32_0 = arith.constant 0 : i32
    %c0_i32_1 = arith.constant 0 : i32
    return %c0_i32, %c0_i32_0 : i32, i32
  }
  func.func @transform_6(%arg0: i32) -> (i32, i32) {
    %c0_i32 = arith.constant 0 : i32
    %c0_i32_0 = arith.constant 0 : i32
    return %arg0, %c0_i32 : i32, i32
  }
  func.func @transform_7(%arg0: i32) -> (i32, i32) {
    %c0_i32 = arith.constant 0 : i32
    %c0_i32_0 = arith.constant 0 : i32
    return %arg0, %c0_i32 : i32, i32
  }
}

module attributes {stable_mosaic.version = 14 : i64} {
  func.func @_k3_body(%arg0: i32, %arg1: memref<512x128xf32, #tpu.memory_space<vmem>>, %arg2: memref<512x128xf32, #tpu.memory_space<vmem>>, %arg3: memref<512x128xf32, #tpu.memory_space<vmem>>, %arg4: memref<512x128xf32, #tpu.memory_space<vmem>>, %arg5: memref<1x128xf32, #tpu.memory_space<vmem>>, %arg6: memref<512x128xf32, #tpu.memory_space<vmem>>) attributes {dimension_semantics = [#tpu.dimension_semantics<arbitrary>], iteration_bounds = array<i64: 20>, scalar_prefetch = 0 : i64, scratch_operands = 0 : i64, tpu.core_type = #tpu.core_type<tc>, window_params = [{transform_indices = @transform_0, window_bounds = array<i64: 512, 128>}, {transform_indices = @transform_1, window_bounds = array<i64: 512, 128>}, {transform_indices = @transform_2, window_bounds = array<i64: 512, 128>}, {transform_indices = @transform_3, window_bounds = array<i64: 512, 128>}, {pipeline_mode = #tpu.pipeline_mode<synchronous>, transform_indices = @transform_4, window_bounds = array<i64: 1, 128>}, {transform_indices = @transform_5, window_bounds = array<i64: 512, 128>}]} {
    %get3A = arith.constant 0 : index
    %get3A_0 = arith.constant 0 : index
    %get3A_1 = vector.load %arg4[%get3A, %get3A_0] : memref<512x128xf32, #tpu.memory_space<vmem>>, vector<512x128xf32>
    %get3A_2 = arith.constant 0 : index
    %get3A_3 = arith.constant 0 : index
    %get3A_4 = vector.load %arg1[%get3A_2, %get3A_3] : memref<512x128xf32, #tpu.memory_space<vmem>>, vector<512x128xf32>
    %get3A_5 = arith.constant 0 : index
    %get3A_6 = arith.constant 0 : index
    %get3A_7 = vector.load %arg2[%get3A_5, %get3A_6] : memref<512x128xf32, #tpu.memory_space<vmem>>, vector<512x128xf32>
    %add3A = arith.addf %get3A_4, %get3A_7 : vector<512x128xf32>
    %get3A_8 = arith.constant 0 : index
    %get3A_9 = arith.constant 0 : index
    %get3A_10 = vector.load %arg3[%get3A_8, %get3A_9] : memref<512x128xf32, #tpu.memory_space<vmem>>, vector<512x128xf32>
    %add3A_11 = arith.addf %add3A, %get3A_10 : vector<512x128xf32>
    %mul3A = arith.mulf %get3A_1, %add3A_11 : vector<512x128xf32>
    %get3A_12 = arith.constant 0 : index
    %get3A_13 = arith.constant 0 : index
    %get3A_14 = vector.load %arg5[%get3A_12, %get3A_13] : memref<1x128xf32, #tpu.memory_space<vmem>>, vector<1x128xf32>
    %add3A_15 = vector.broadcast %get3A_14 : vector<1x128xf32> to vector<512x128xf32>
    %add3A_16 = arith.addf %mul3A, %add3A_15 : vector<512x128xf32>
    %max3A = arith.constant 0.000000e+00 : f32
    %max3A_17 = vector.broadcast %max3A : f32 to vector<512x128xf32>
    %max3A_18 = arith.maximumf %add3A_16, %max3A_17 : vector<512x128xf32>
    %swap3A = arith.constant 0 : index
    %swap3A_19 = arith.constant 0 : index
    %swap3A_20 = vector.load %arg6[%swap3A, %swap3A_19] : memref<512x128xf32, #tpu.memory_space<vmem>>, vector<512x128xf32>
    tpu.vector_store %arg6[%swap3A, %swap3A_19], %max3A_18 {strides = array<i32>} : memref<512x128xf32, #tpu.memory_space<vmem>>, vector<512x128xf32>,
    return
  }
  func.func @transform_0(%arg0: i32) -> (i32, i32) {
    %c0_i32 = arith.constant 0 : i32
    %c0_i32_0 = arith.constant 0 : i32
    return %arg0, %c0_i32 : i32, i32
  }
  func.func @transform_1(%arg0: i32) -> (i32, i32) {
    %c0_i32 = arith.constant 0 : i32
    %c0_i32_0 = arith.constant 0 : i32
    return %arg0, %c0_i32 : i32, i32
  }
  func.func @transform_2(%arg0: i32) -> (i32, i32) {
    %c0_i32 = arith.constant 0 : i32
    %c0_i32_0 = arith.constant 0 : i32
    return %arg0, %c0_i32 : i32, i32
  }
  func.func @transform_3(%arg0: i32) -> (i32, i32) {
    %c0_i32 = arith.constant 0 : i32
    %c0_i32_0 = arith.constant 0 : i32
    return %arg0, %c0_i32 : i32, i32
  }
  func.func @transform_4(%arg0: i32) -> (i32, i32) {
    %c0_i32 = arith.constant 0 : i32
    %c0_i32_0 = arith.constant 0 : i32
    %c0_i32_1 = arith.constant 0 : i32
    return %c0_i32, %c0_i32_0 : i32, i32
  }
  func.func @transform_5(%arg0: i32) -> (i32, i32) {
    %c0_i32 = arith.constant 0 : i32
    %c0_i32_0 = arith.constant 0 : i32
    return %arg0, %c0_i32 : i32, i32
  }
}

</mosaic_0001>

<sc_bundles>
// kernel: kernel.11.cloned.1.call-start
scs
__scs_entry_jumppad:
0x0: {  	(pc) =	sbr.rel $0x88, $3  }
0x1: {  	(tag) =	ssettag $0x0;
	lr =	simm.s32 $0x1  }
0x2: {  	[smem:$0x3F9B] =	sst lr;
	_ =	strace $0xD0000000  }
0x3: {  	_ = 	snop  }
0x4: {  	_ = 	snop  }
0x5: {  	_ = 	snop  }
0x6: {  	_ = 	snop  }
0x7: {  	_ = 	snop  }
__scs_overlays_trampoline_lowered:
0x8: {  	[smem:$0x3FAA] =	sst s0  }
0x9: {  	[smem:$0x3FAB] =	sst s1  }
0xa: {  	[smem:$0x3FAC] =	sst s2  }
0xb: {  	[smem:$0x3FAD] =	sst s3  }
0xc: {  	[smem:$0x3FAE] =	sst s4  }
0xd: {  	[smem:$0x3FAF] =	sst s5  }
0xe: {  	[smem:$0x3FB0] =	sst s6  }
0xf: {  	[smem:$0x3FB1] =	sst s7  }
0x10: {  	[smem:$0x3FB2] =	sst s8  }
0x11: {  	[smem:$0x3FB3] =	sst s9;
	s0 =	simm.s32 @!p0 $0x0  }
0x12: {  	s1 =	sld [smem:$0x3F99];
	s0 =	simm.s32 @p0 $0x1  }
0x13: {  	[smem:$0x3FB4] =	sst s0;
	s0 =	simm.s32 @!p1 $0x0  }
0x14: {  	s2 =	sld [smem:$0x3F98];
	s0 =	simm.s32 @p1 $0x1  }
0x15: {  	[smem:$0x3FB5] =	sst s0;
	s0 =	simm.s32 @!p2 $0x0  }
0x16: {  	s3 =	sld [smem:$0x3FDB];
	s0 =	simm.s32 @p2 $0x1  }
0x17: {  	s4 =	simm.s32 $0x1BF5;
	[smem:$0x3FB7] =	sst s0  }
0x18: {  	s0 =	sld [smem:$0x3F9A];
	_ =	swait.ge [sflag:s4], $0x0  }
0x19: {  	s7 =	sld [smem:$0x3F9B]  }
0x1a: {  	s8 =	sadd.s32 $0xFFFFE003, lr  }
0x1b: {  	s9 =	sadd.s32 $0xFFFFFEF7, lr;
	s5 =	simm.s32 $0xFFFFFFFF;
	p2 =	slt.u32 s8, $0xFFFFF086  }
0x1c: {  	p1 =	slt.u32 s9, $0xF7A;
	s5 =	simm.s32 @!p2 $0x0  }
0x1d: {  	s5 =	simm.s32 @p1 $0x1;
	p0 =	seq.s32 s7, s2  }
0x1e: {  	s7 =	smul.u32 @!p0 $0xF7A, s2;
	p2 =	seq.s32 @!p0 s5, $0x0  }
0x1f: {  	s9 =	smul.u32 $0xF7A, s1;
	s8 =	simm.s32 @!p0 $0x1BF5;
	p2 =	por !p2, p0  }
0x20: {  	[sflag:s8] =	ssyncset.s32 @!p0 $0xFFFFF086;
	s6 =	sadd.s32 @!p0 s3, s7;
	s7 =	simm.s32 @!p0 $0x108  }
0x21: {  	s3 =	sadd.s32 s3, s9;
	s6 =	sadd.s32 @!p0 $0x88, s6;
	s7 =	simm.s32 @p2 $0x1082  }
0x22: {  	[simem:s7], [sflag:s8] =	dma.local @!p0 [hbm:s6], $0xF7A  }
0x23: {  	s9 =	sor.u32 $0xD0000000, s2;
	s6 =	simm.s32 $0x108;
	_ =	swait.ge @!p0 [sflag:s8], $0x0  }
0x24: {  	s3 =	sadd.s32 $0x88, s3;
	s6 =	simm.s32 @!p1 $0x1082;
	[sflag:s4] =	ssyncset.s32 $0xFFFFF086  }
0x25: {  	[simem:s6], [sflag:s4] =	dma.local [hbm:s3], $0xF7A  }
0x26: {  	[smem:$0x3F9B] =	sst s1;
	(tag) =	ssettag s2;
	_ =	strace s9  }
0x27: {  	s1 =	sld [smem:$0x3FAB]  }
0x28: {  	s2 =	sld [smem:$0x3FAC]  }
0x29: {  	s4 =	sld [smem:$0x3FAE]  }
0x2a: {  	p0 =	seq.s32 s5, $0x0;
	s5 =	sld [smem:$0x3FAF]  }
0x2b: {  	s6 =	sld [smem:$0x3FB0]  }
0x2c: {  	s7 =	sld [smem:$0x3FB1]  }
0x2d: {  	s3 =	simm.s32 $0x108;
	s8 =	sld [smem:$0x3FB2]  }
0x2e: {  	s3 =	simm.s32 @!p0 $0x1082;
	s9 =	sld [smem:$0x3FB3]  }
0x2f: {  	lr =	sadd.s32 s0, s3;
	s0 =	sld [smem:$0x3FAA]  }
0x30: {  	s3 =	sld [smem:$0x3FAD]  }
0x31: {  	[smem:$0x3FB6] =	sst s10  }
0x32: {  	s10 =	sld [smem:$0x3FB4];
	_ =	sdelay $0x3  }
0x33: {  	p0 =	seq.s32 s10, $0x1;
	s10 =	sld [smem:$0x3FB6];
	_ =	sdelay $0x3  }
0x34: {  	[smem:$0x3FB6] =	sst s10  }
0x35: {  	s10 =	sld [smem:$0x3FB5];
	_ =	sdelay $0x3  }
0x36: {  	p1 =	seq.s32 s10, $0x1;
	s10 =	sld [smem:$0x3FB6];
	_ =	sdelay $0x3  }
0x37: {  	[smem:$0x3FB6] =	sst s10  }
0x38: {  	s10 =	sld [smem:$0x3FB7]  }
0x39: {  	_ = 	snop;
	(pc) =	sbr.ind lr, $3  }
0x3a: {  	_ = 	snop  }
0x3b: {  	_ = 	snop  }
0x3c: {  	p2 =	seq.s32 s10, $0x1;
	s10 =	sld [smem:$0x3FB6]  }
0x3d: {  	_ =	shalt  }
0x3e: {  	_ =	shalt  }
0x3f: {  	_ =	shalt  }
0x40: {  	_ =	shalt  }
0x41: {  	_ =	shalt  }
0x42: {  	_ =	shalt  }
0x43: {  	_ =	shalt  }
0x44: {  	_ =	shalt  }
0x45: {  	_ =	shalt  }
0x46: {  	_ =	shalt  }
0x47: {  	_ =	shalt  }
0x48: {  	_ =	shalt  }
0x49: {  	_ =	shalt  }
0x4a: {  	_ =	shalt  }
0x4b: {  	_ =	shalt  }
0x4c: {  	_ =	shalt  }
0x4d: {  	_ =	shalt  }
0x4e: {  	_ =	shalt  }
0x4f: {  	_ =	shalt  }
0x50: {  	_ =	shalt  }
0x51: {  	_ =	shalt  }
0x52: {  	_ =	shalt  }
0x53: {  	_ =	shalt  }
0x54: {  	_ =	shalt  }
0x55: {  	_ =	shalt  }
0x56: {  	_ =	shalt  }
0x57: {  	_ =	shalt  }
0x58: {  	_ =	shalt  }
0x59: {  	_ =	shalt  }
0x5a: {  	_ =	shalt  }
0x5b: {  	_ =	shalt  }
0x5c: {  	_ =	shalt  }
0x5d: {  	_ =	shalt  }
0x5e: {  	_ =	shalt  }
0x5f: {  	_ =	shalt  }
0x60: {  	_ =	shalt  }
0x61: {  	_ =	shalt  }
0x62: {  	_ =	shalt  }
0x63: {  	_ =	shalt  }
0x64: {  	_ =	shalt  }
0x65: {  	_ =	shalt  }
0x66: {  	_ =	shalt  }
0x67: {  	_ =	shalt  }
0x68: {  	_ =	shalt  }
0x69: {  	_ =	shalt  }
0x6a: {  	_ =	shalt  }
0x6b: {  	_ =	shalt  }
0x6c: {  	_ =	shalt  }
0x6d: {  	_ =	shalt  }
0x6e: {  	_ =	shalt  }
0x6f: {  	_ =	shalt  }
0x70: {  	_ =	shalt  }
0x71: {  	_ =	shalt  }
0x72: {  	_ =	shalt  }
0x73: {  	_ =	shalt  }
0x74: {  	_ =	shalt  }
0x75: {  	_ =	shalt  }
0x76: {  	_ =	shalt  }
0x77: {  	_ =	shalt  }
0x78: {  	_ =	shalt  }
0x79: {  	_ =	shalt  }
0x7a: {  	_ =	shalt  }
0x7b: {  	_ =	shalt  }
0x7c: {  	_ =	shalt  }
0x7d: {  	_ =	shalt  }
0x7e: {  	_ =	shalt  }
0x7f: {  	_ =	shalt  }
0x80: {  	_ =	shalt  }
0x81: {  	_ =	shalt  }
0x82: {  	_ =	shalt  }
0x83: {  	_ =	shalt  }
0x84: {  	_ =	shalt  }
0x85: {  	_ =	shalt  }
0x86: {  	_ =	shalt  }
0x87: {  	_ =	shalt  }
.Lfunc_end0:
.L_simem_size_0:
called_computation.1_lowered:
.L_overlay_start_0:
0x88: {  	s2 =	sld [smem:$0x3FD9]  }
0x89: {  	s3 =	sld [smem:$0x3FFE];
	_ =	sdelay $0x1  }
0x8a: {  	s1 =	srdreg.scid  }
0x8b: {  	s0 =	sand.u32 $0x1, s1  }
0x8c: {  	s17 =	sshll.u32 s0, $0xA;
	s2 =	sadd.s32 s3, s2  }
0x8d: {  	s2 =	sadd.s32 s2, s17  }
0x8e: {  	[smem:$0x3FC2] =	sst s2  }
0x8f: {  	_ = 	snop  }
0x90: {  	s2 =	sld [smem:$0x3FD0];
	(tm) =	ssettm $0x1  }
0x91: {  	s18 =	sld [smem:$0x3FFB];
	_ =	sdelay $0x3  }
0x92: {  	_ =	strace s18  }
0x93: {  	s3 =	sld [smem:$0x3FFC];
	_ =	sdelay $0x3  }
0x94: {  	_ =	strace s3  }
0x95: {  	s3 =	sld [smem:$0x3FFD];
	_ =	sdelay $0x3  }
0x96: {  	_ =	strace s3  }
0x97: {  	_ =	strace $0x8FFFFFFF  }
0x98: {  	s19 =	sld [smem:$0x3FDB];
	_ =	sdelay $0x1  }
0x99: {  	s4 =	simm.s32 $_scs_section_size  }
0x9a: {  	s5 =	simm.s32 $_size__tile_overlayer_lowered;
	s6 =	simm.s32 $_tile_overlayer_lowered  }
0x9b: {  	s22 =	simm.s32 $0x1BFF;
	s21 =	sshll.u32 s6, $0x1;
	s3 =	sadd.s32 s4, s19  }
0x9c: {  	s7 =	simm.s32 $0x0;
	s20 =	sshll.u32 s5, $0x1;
	s5 =	sadd.s32 s21, s3  }
0x9d: {  	[timem:s7], [sflag:s22] =	dma.local [hbm:s5], s20  }
0x9e: {  	_ =	swait.ge [sflag:s22], s20  }
0x9f: {  	s4 =	ssub.s32 $0x0, s20;
	[sflag:s22] =	ssyncset.done $0x0  }
0xa0: {  	[sflag:s22] =	ssyncadd.s32 s4;
	_ =	sdelay $0x1  }
0xa1: {  	s23 =	simm.s32 $0x1B8B  }
0xa2: {  	_ =	swait.ge [sflag:s23], $0x1  }
0xa3: {  	[sflag:s23] =	ssyncset.done $0x0  }
0xa4: {  	s25 =	simm.s32 $0x1B8E;
	s24 =	sld [smem:$0x3FFE];
	[sflag:s23] =	ssyncadd.s32 $0xFFFFFFFF  }
0xa5: {  	s26 =	simm.s32 $execute0_lowered;
	[smem:$0x3FD2] =	sst s25  }
0xa6: {  	s5 =	sshll.u32 s26, $0x1;
	_ =	strace $0x80000049;
	[dreg:$0x1] =	wrdreg $0xFFFFFFFF  }
0xa7: {  	s28 =	simm.s32 $_size_execute0_lowered;
	s3 =	sadd.s32 s3, s5;
	[dreg:$0x0] =	wrdreg $0x0  }
0xa8: {  	s5 =	sshll.u32 s28, $0x1;
	[dreg:$0x2] =	wrdreg s3  }
0xa9: {  	[dreg:$0x3] =	wrdreg s5  }
0xaa: {  	[dreg:$0x4] =	wrdreg $0xC0  }
0xab: {  	_ =	task [dreg:s7], $0x5FFFF  }
0xac: {  	[dreg:$0x1] =	wrdreg $0xFFFFFFFF  }
0xad: {  	[dreg:$0x0] =	wrdreg $0x60  }
0xae: {  	[dreg:$0x2] =	wrdreg s2  }
0xaf: {  	[dreg:$0x3] =	wrdreg s24  }
0xb0: {  	[dreg:$0x4] =	wrdreg $0x88000  }
0xb1: {  	[dreg:$0x5] =	wrdreg $0x9  }
0xb2: {  	_ =	task.clear_ibuf [dreg:s7], $0x6FFFF;
	_ =	strace $0x90000049  }
0xb3: {  	s29 =	simm.s32 $0x9;
	_ =	strace $0x8000004B  }
0xb4: {  	_ =	swait.ge [sflag:s29], $0x1  }
0xb5: {  	[sflag:s29] =	ssyncadd.s32 $0xFFFFFFFF  }
0xb6: {  	_ =	strace $0x9000004B  }
0xb7: {  	_ =	sfence  }
0xb8: {  	s30 =	sld [smem:$0x0];
	_ =	sdelay $0x2  }
0xb9: {  	s31 =	sshll.u32 s1, $0xD;
	s1 =	sshrl.u32 s1, $0x2  }
0xba: {  	s3 =	sand.u32 $0x4000, s31;
	s1 =	sadd.s32 s1, s30  }
0xbb: {  	s0 =	sor.u32 s3, s0;
	s1 =	sshll.u32 s1, $0x11  }
0xbc: {  	s0 =	sor.u32 s1, s0  }
0xbd: {  	s0 =	sadd.s32 $0x8F2B, s0  }
0xbe: {  	[sflag:s0] =	ssyncadd.remote.s32 $0x1  }
0xbf: {  	_ =	sfence.sel $0xFFFF  }
0xc0: {  	[dreg:$0x0] =	wrdreg $0xFFFFFFFF;
	(pc) =	sbr.abs _section_cstart, $3  }
0xc1: {  	[dreg:$0x1] =	wrdreg $0xFFFFFFFF  }
0xc2: {  	_ =	task.clear_ibuf [dreg:s7], $0x2FFFF;
	_ =	strace $0x9FFFFFFF  }
0xc3: {  	(tm) =	ssettm $0x7FFFFFFF  }
tec
execute0_lowered:
.L_overlay_start_1:
0x0: {  	(tag) =	ssettag $0x1  }
0x1: {  	s1 =	rddreg [dreg:$0x0]  }
0x2: {  	s0 =	rddreg [dreg:$0x1]  }
0x3: {  	s2 =	rddreg [dreg:$0x2]  }
0x4: {  	s3 =	srdreg.scid;
	s4 =	simm.s32 $0x0;
	s9 =	stileid.u32  }
0x5: {  	s11 =	simm.s32 $0x5;
	s28 =	simm.s32 $0x500;
	s6 =	smul.u32 $0x2800, s9  }
0x6: {  	s29 =	simm.s32 $0x200;
	s30 =	simm.s32 $0x580;
	s8 =	smul.u32 $0x50000, s9  }
0x7: {  	s31 =	simm.s32 $0x280;
	s3 =	sand.u32 $0x1, s3;
	s19 =	smul.u32 $0x500, s9  }
0x8: {  	[smem:$0x7FF] =	sst s4;
	s10 =	sadd.s32 $0x16E00, s0;
	s5 =	smul.u32 $0x5000, s3  }
0x9: {  	s18 =	sshll.u32 s9, $0x6;
	_ =	strace $0x8000004A;
	s7 =	smul.u32 $0x28000, s3  }
0xa: {  	s3 =	ssub.s32 $0x2, s3;
	[dreg:$0x5] =	wrdreg s10;
	s10 =	simm.s32 $0x0  }
0xb: {  	s15 =	sshrl.u32 s3, $0x1;
	s16 =	sshrl.u32 s8, $0x2;
	s8 =	simm.s32 $0x380  }
0xc: {  	s5 =	sadd.s32 s5, s0;
	s6 =	sadd.s32 s6, s7;
	s3 =	ssub.s32 s3, s15  }
0xd: {  	s17 =	sadd.s32 s16, s2;
	s16 =	simm.s32 $0x400;
	s7 =	simm.s32 $0x680  }
0xe: {  	s0 =	sadd.s32 s6, s0;
	s6 =	sor.u32 $0x1C05, s18;
	s20 =	sadd.s32 $0x4000, s17  }
0xf: {  	s12 =	sadd.s32 $0x8000, s17;
	s13 =	sadd.s32 $0xC000, s17;
	s21 =	smax.u32 s3, $0x1  }
0x10: {  	s14 =	sadd.s32 $0x10000, s17;
	s5 =	sadd.s32 s19, s5;
	[dreg:$0x8] =	wrdreg s21  }
0x11: {  	s15 =	sshrl.u32 s17, $0x3;
	s17 =	simm.s32 $0x80;
	[dreg:$0x6] =	wrdreg s6  }
0x12: {  	s18 =	simm.s32 $0x800;
	s0 =	sadd.s32 $0x3F600, s0;
	[dreg:$0x9] =	wrdreg s15  }
0x13: {  	s19 =	simm.s32 $0x4800;
	s22 =	sadd.s32 $0xCE00, s5;
	[dreg:$0x7] =	wrdreg s0  }
0x14: {  	s3 =	simm.s32 $0x300;
	s23 =	sshrl.u32 s20, $0x3;
	[dreg:$0x4] =	wrdreg s22  }
0x15: {  	s9 =	sadd.s32 $0x2E00, s5;
	s24 =	sshrl.u32 s12, $0x3;
	[dreg:$0xa] =	wrdreg s23  }
0x16: {  	s25 =	sshrl.u32 s13, $0x3;
	s26 =	sshrl.u32 s14, $0x3;
	[dreg:$0xb] =	wrdreg s24  }
0x17: {  	s20 =	simm.s32 $0x1;
	s21 =	simm.s32 $0x3;
	[dreg:$0xc] =	wrdreg s25  }
0x18: {  	s12 =	simm.s32 $0x700;
	s13 =	simm.s32 $0x780;
	[dreg:$0xd] =	wrdreg s26  }
0x19: {  	s22 =	simm.s32 $0x100;
	s23 =	simm.s32 $0x2;
	s24 =	simm.s32 $0x480  }
0x1a: {  	s25 =	simm.s32 $0x4;
	s26 =	simm.s32 $0x180;
	s0 =	simm.s32 $0x600  }
.LBB2_1:
0x1b: {  	[dreg:$0xe] =	wrdreg s10  }
0x1c: {  	s5 =	rddreg [dreg:$0x5]  }
0x1d: {  	[spmem:s15], [sflag:s6] =	dma.local [hbm:s5], $0x800  }
0x1e: {  	_ =	swait.ge [sflag:s11], $0x800  }
0x1f: {  	[sflag:s11] =	ssyncset.done $0x0  }
0x20: {  	s14 =	rddreg [dreg:$0xa];
	[sflag:s11] =	ssyncadd.s32 $0xFFFFF800  }
0x21: {  	[spmem:s14], [sflag:s6] =	dma.local [hbm:s5], $0x800  }
0x22: {  	_ =	swait.ge [sflag:s11], $0x800  }
0x23: {  	[sflag:s11] =	ssyncset.done $0x0  }
0x24: {  	s15 =	rddreg [dreg:$0xb];
	[sflag:s11] =	ssyncadd.s32 $0xFFFFF800  }
0x25: {  	[spmem:s15], [sflag:s6] =	dma.local [hbm:s5], $0x800  }
0x26: {  	_ =	swait.ge [sflag:s11], $0x800  }
0x27: {  	[sflag:s11] =	ssyncset.done $0x0  }
0x28: {  	s14 =	rddreg [dreg:$0xc];
	[sflag:s11] =	ssyncadd.s32 $0xFFFFF800  }
0x29: {  	[spmem:s14], [sflag:s6] =	dma.local [hbm:s5], $0x800  }
0x2a: {  	_ =	swait.ge [sflag:s11], $0x800  }
0x2b: {  	[sflag:s11] =	ssyncset.done $0x0  }
0x2c: {  	s15 =	rddreg [dreg:$0xd];
	[sflag:s11] =	ssyncadd.s32 $0xFFFFF800  }
0x2d: {  	[spmem:s15], [sflag:s6] =	dma.local [hbm:s5], $0x800  }
0x2e: {  	_ =	swait.ge [sflag:s11], $0x800  }
0x2f: {  	[sflag:s11] =	ssyncset.done $0x0  }
0x30: {  	[sflag:s11] =	ssyncadd.s32 $0xFFFFF800  }
0x31: {  	s14 =	sadd.s32 $0x0, s9;
	[bflag:$0x0] =	sbarrier.arrive $0xFFFF  }
0x32: {  	[tilespmem:s4], [sflag:$0x5] =	stream.linear.gather [hbm4b:s14+s4], $0x400, $0x38;
	[tilespmem:$0x1C800] =	vst v63  }
0x33: {  	_ =	swait.ge [sflag:s11], $0x400  }
0x34: {  	s15 =	rddreg [dreg:$0x4];
	[sflag:s11] =	ssyncset.done $0x0  }
0x35: {  	[sflag:s11] =	ssyncadd.s32 $0xFFFFFC00;
	s5 =	sadd.s32 $0x0, s15  }
0x36: {  	[tilespmem:s16], [sflag:$0x5] =	stream.linear.gather [hbm4b:s5+s4], $0x400, $0x38;
	[tilespmem:$0x1C800] =	vst v63  }
0x37: {  	_ =	swait.ge [sflag:s11], $0x400  }
0x38: {  	[sflag:s11] =	ssyncset.done $0x0  }
0x39: {  	[sflag:s11] =	ssyncadd.s32 $0xFFFFFC00  }
0x3a: {  	[tilespmem:s18], [sflag:$0x1] =	stream.indirect.gather [hbm4b:s1+s17], $0x80, s4, s17, $0xb8;
	[tilespmem:$0x1C800] =	vst v63  }
0x3b: {  	_ = 	snop  }
0x3c: {  	[tilespmem:s19], [sflag:$0x2] =	stream.indirect.gather [hbm4b:s1+s17], $0x80, s17, s17, $0xb8;
	[tilespmem:$0x1C800] =	vst v63  }
0x3d: {  	_ =	swait.ge [sflag:s20], $0x4000  }
0x3e: {  	[sflag:s20] =	ssyncset.done $0x0  }
0x3f: {  	[sflag:s20] =	ssyncadd.s32 $0xFFFFC000  }
0x40: {  	[spmem:s2] =	stream.indirect.scatter.add.f32 [tilespmem:s18], [sflag:$0x3], $0x80, s16, s17, $0xb8;
	[tilespmem:$0x1C800] =	vst v63  }
0x41: {  	_ =	swait.ge [sflag:s21], $0x4000  }
0x42: {  	[sflag:s21] =	ssyncset.done $0x0  }
0x43: {  	[sflag:s21] =	ssyncadd.s32 $0xFFFFC000  }
0x44: {  	[tilespmem:s18], [sflag:$0x1] =	stream.indirect.gather [hbm4b:s1+s17], $0x80, s22, s17, $0xb8;
	[tilespmem:$0x1C800] =	vst v63  }
0x45: {  	_ =	swait.ge [sflag:s23], $0x4000  }
0x46: {  	[sflag:s23] =	ssyncset.done $0x0  }
0x47: {  	[sflag:s23] =	ssyncadd.s32 $0xFFFFC000  }
0x48: {  	[spmem:s2] =	stream.indirect.scatter.add.f32 [tilespmem:s19], [sflag:$0x4], $0x80, s24, s17, $0xb8;
	[tilespmem:$0x1C800] =	vst v63  }
0x49: {  	_ =	swait.ge [sflag:s25], $0x4000  }
0x4a: {  	[sflag:s25] =	ssyncset.done $0x0  }
0x4b: {  	[sflag:s25] =	ssyncadd.s32 $0xFFFFC000  }
0x4c: {  	[tilespmem:s19], [sflag:$0x2] =	stream.indirect.gather [hbm4b:s1+s17], $0x80, s26, s17, $0xb8;
	[tilespmem:$0x1C800] =	vst v63  }
0x4d: {  	_ =	swait.ge [sflag:s20], $0x4000  }
0x4e: {  	[sflag:s20] =	ssyncset.done $0x0  }
0x4f: {  	[sflag:s20] =	ssyncadd.s32 $0xFFFFC000  }
0x50: {  	[spmem:s2] =	stream.indirect.scatter.add.f32 [tilespmem:s18], [sflag:$0x3], $0x80, s28, s17, $0xb8;
	[tilespmem:$0x1C800] =	vst v63  }
0x51: {  	_ =	swait.ge [sflag:s21], $0x4000  }
0x52: {  	[sflag:s21] =	ssyncset.done $0x0  }
0x53: {  	[sflag:s21] =	ssyncadd.s32 $0xFFFFC000  }
0x54: {  	[tilespmem:s18], [sflag:$0x1] =	stream.indirect.gather [hbm4b:s1+s17], $0x80, s29, s17, $0xb8;
	[tilespmem:$0x1C800] =	vst v63  }
0x55: {  	_ =	swait.ge [sflag:s23], $0x4000  }
0x56: {  	[sflag:s23] =	ssyncset.done $0x0  }
0x57: {  	[sflag:s23] =	ssyncadd.s32 $0xFFFFC000  }
0x58: {  	[spmem:s2] =	stream.indirect.scatter.add.f32 [tilespmem:s19], [sflag:$0x4], $0x80, s30, s17, $0xb8;
	[tilespmem:$0x1C800] =	vst v63  }
0x59: {  	_ =	swait.ge [sflag:s25], $0x4000  }
0x5a: {  	[sflag:s25] =	ssyncset.done $0x0  }
0x5b: {  	[sflag:s25] =	ssyncadd.s32 $0xFFFFC000  }
0x5c: {  	[tilespmem:s19], [sflag:$0x2] =	stream.indirect.gather [hbm4b:s1+s17], $0x80, s31, s17, $0xb8;
	[tilespmem:$0x1C800] =	vst v63  }
0x5d: {  	_ =	swait.ge [sflag:s20], $0x4000  }
0x5e: {  	[sflag:s20] =	ssyncset.done $0x0  }
0x5f: {  	[sflag:s20] =	ssyncadd.s32 $0xFFFFC000  }
0x60: {  	[spmem:s2] =	stream.indirect.scatter.add.f32 [tilespmem:s18], [sflag:$0x3], $0x80, s0, s17, $0xb8;
	[tilespmem:$0x1C800] =	vst v63  }
0x61: {  	_ =	swait.ge [sflag:s21], $0x4000  }
0x62: {  	[sflag:s21] =	ssyncset.done $0x0  }
0x63: {  	[sflag:s21] =	ssyncadd.s32 $0xFFFFC000  }
0x64: {  	[tilespmem:s18], [sflag:$0x1] =	stream.indirect.gather [hbm4b:s1+s17], $0x80, s3, s17, $0xb8;
	[tilespmem:$0x1C800] =	vst v63  }
0x65: {  	_ =	swait.ge [sflag:s23], $0x4000  }
0x66: {  	[sflag:s23] =	ssyncset.done $0x0  }
0x67: {  	[sflag:s23] =	ssyncadd.s32 $0xFFFFC000  }
0x68: {  	[spmem:s2] =	stream.indirect.scatter.add.f32 [tilespmem:s19], [sflag:$0x4], $0x80, s7, s17, $0xb8;
	[tilespmem:$0x1C800] =	vst v63  }
0x69: {  	_ =	swait.ge [sflag:s25], $0x4000  }
0x6a: {  	[sflag:s25] =	ssyncset.done $0x0  }
0x6b: {  	[sflag:s25] =	ssyncadd.s32 $0xFFFFC000  }
0x6c: {  	[tilespmem:s19], [sflag:$0x2] =	stream.indirect.gather [hbm4b:s1+s17], $0x80, s8, s17, $0xb8;
	[tilespmem:$0x1C800] =	vst v63  }
0x6d: {  	_ =	swait.ge [sflag:s20], $0x4000  }
0x6e: {  	[sflag:s20] =	ssyncset.done $0x0  }
0x6f: {  	[sflag:s20] =	ssyncadd.s32 $0xFFFFC000  }
0x70: {  	[spmem:s2] =	stream.indirect.scatter.add.f32 [tilespmem:s18], [sflag:$0x3], $0x80, s12, s17, $0xb8;
	[tilespmem:$0x1C800] =	vst v63  }
0x71: {  	_ =	swait.ge [sflag:s23], $0x4000  }
0x72: {  	[sflag:s23] =	ssyncset.done $0x0  }
0x73: {  	[sflag:s23] =	ssyncadd.s32 $0xFFFFC000  }
0x74: {  	[spmem:s2] =	stream.indirect.scatter.add.f32 [tilespmem:s19], [sflag:$0x4], $0x80, s13, s17, $0xb8;
	[tilespmem:$0x1C800] =	vst v63  }
0x75: {  	_ =	swait.ge [sflag:s21], $0x4000  }
0x76: {  	[sflag:s21] =	ssyncset.done $0x0  }
0x77: {  	[sflag:s21] =	ssyncadd.s32 $0xFFFFC000  }
0x78: {  	_ =	swait.ge [sflag:s25], $0x4000  }
0x79: {  	s10 =	simm.s32 $0x100;
	s15 =	simm.s32 $0x80;
	[sflag:s25] =	ssyncset.done $0x0  }
.LBB2_2:
0x7a: {  	s6 =	sadd.s32 s15, s9;
	[sflag:s25] =	ssyncadd.s32 $0xFFFFC000  }
0x7b: {  	[tilespmem:s4], [sflag:$0x5] =	stream.linear.gather [hbm4b:s6+s4], $0x400, $0x38;
	[tilespmem:$0x1C800] =	vst v63  }
0x7c: {  	s14 =	smov.u32 s10;
	s5 =	sadd.s32 $0x80, s10;
	_ =	swait.ge [sflag:s11], $0x400  }
0x7d: {  	p0 =	sne.s32 s10, $0x480;
	s10 =	rddreg [dreg:$0x4];
	[sflag:s11] =	ssyncset.done $0x0  }
0x7e: {  	[sflag:s11] =	ssyncadd.s32 $0xFFFFFC00;
	s6 =	sadd.s32 s15, s10  }
0x7f: {  	[tilespmem:s16], [sflag:$0x5] =	stream.linear.gather [hbm4b:s6+s4], $0x400, $0x38;
	[tilespmem:$0x1C800] =	vst v63  }
0x80: {  	_ =	swait.ge [sflag:s11], $0x400  }
0x81: {  	[sflag:s11] =	ssyncset.done $0x0  }
0x82: {  	[sflag:s11] =	ssyncadd.s32 $0xFFFFFC00  }
0x83: {  	[tilespmem:s18], [sflag:$0x1] =	stream.indirect.gather [hbm4b:s1+s17], $0x80, s4, s17, $0xb8;
	[tilespmem:$0x1C800] =	vst v63  }
0x84: {  	_ = 	snop  }
0x85: {  	[tilespmem:s19], [sflag:$0x2] =	stream.indirect.gather [hbm4b:s1+s17], $0x80, s17, s17, $0xb8;
	[tilespmem:$0x1C800] =	vst v63  }
0x86: {  	_ =	swait.ge [sflag:s20], $0x4000  }
0x87: {  	[sflag:s20] =	ssyncset.done $0x0  }
0x88: {  	[sflag:s20] =	ssyncadd.s32 $0xFFFFC000  }
0x89: {  	[spmem:s2] =	stream.indirect.scatter.add.f32 [tilespmem:s18], [sflag:$0x3], $0x80, s16, s17, $0xb8;
	[tilespmem:$0x1C800] =	vst v63  }
0x8a: {  	_ =	swait.ge [sflag:s21], $0x4000  }
0x8b: {  	[sflag:s21] =	ssyncset.done $0x0  }
0x8c: {  	[sflag:s21] =	ssyncadd.s32 $0xFFFFC000  }
0x8d: {  	[tilespmem:s18], [sflag:$0x1] =	stream.indirect.gather [hbm4b:s1+s17], $0x80, s22, s17, $0xb8;
	[tilespmem:$0x1C800] =	vst v63  }
0x8e: {  	_ =	swait.ge [sflag:s23], $0x4000  }
0x8f: {  	[sflag:s23] =	ssyncset.done $0x0  }
0x90: {  	[sflag:s23] =	ssyncadd.s32 $0xFFFFC000  }
0x91: {  	[spmem:s2] =	stream.indirect.scatter.add.f32 [tilespmem:s19], [sflag:$0x4], $0x80, s24, s17, $0xb8;
	[tilespmem:$0x1C800] =	vst v63  }
0x92: {  	_ =	swait.ge [sflag:s25], $0x4000  }
0x93: {  	[sflag:s25] =	ssyncset.done $0x0  }
0x94: {  	[sflag:s25] =	ssyncadd.s32 $0xFFFFC000  }
0x95: {  	[tilespmem:s19], [sflag:$0x2] =	stream.indirect.gather [hbm4b:s1+s17], $0x80, s26, s17, $0xb8;
	[tilespmem:$0x1C800] =	vst v63  }
0x96: {  	_ =	swait.ge [sflag:s20], $0x4000  }
0x97: {  	[sflag:s20] =	ssyncset.done $0x0  }
0x98: {  	[sflag:s20] =	ssyncadd.s32 $0xFFFFC000  }
0x99: {  	[spmem:s2] =	stream.indirect.scatter.add.f32 [tilespmem:s18], [sflag:$0x3], $0x80, s28, s17, $0xb8;
	[tilespmem:$0x1C800] =	vst v63  }
0x9a: {  	_ =	swait.ge [sflag:s21], $0x4000  }
0x9b: {  	[sflag:s21] =	ssyncset.done $0x0  }
0x9c: {  	[sflag:s21] =	ssyncadd.s32 $0xFFFFC000  }
0x9d: {  	[tilespmem:s18], [sflag:$0x1] =	stream.indirect.gather [hbm4b:s1+s17], $0x80, s29, s17, $0xb8;
	[tilespmem:$0x1C800] =	vst v63  }
0x9e: {  	_ =	swait.ge [sflag:s23], $0x4000  }
0x9f: {  	[sflag:s23] =	ssyncset.done $0x0  }
0xa0: {  	[sflag:s23] =	ssyncadd.s32 $0xFFFFC000  }
0xa1: {  	[spmem:s2] =	stream.indirect.scatter.add.f32 [tilespmem:s19], [sflag:$0x4], $0x80, s30, s17, $0xb8;
	[tilespmem:$0x1C800] =	vst v63  }
0xa2: {  	_ =	swait.ge [sflag:s25], $0x4000  }
0xa3: {  	[sflag:s25] =	ssyncset.done $0x0  }
0xa4: {  	[sflag:s25] =	ssyncadd.s32 $0xFFFFC000  }
0xa5: {  	[tilespmem:s19], [sflag:$0x2] =	stream.indirect.gather [hbm4b:s1+s17], $0x80, s31, s17, $0xb8;
	[tilespmem:$0x1C800] =	vst v63  }
0xa6: {  	_ =	swait.ge [sflag:s20], $0x4000  }
0xa7: {  	[sflag:s20] =	ssyncset.done $0x0  }
0xa8: {  	[sflag:s20] =	ssyncadd.s32 $0xFFFFC000  }
0xa9: {  	[spmem:s2] =	stream.indirect.scatter.add.f32 [tilespmem:s18], [sflag:$0x3], $0x80, s0, s17, $0xb8;
	[tilespmem:$0x1C800] =	vst v63  }
0xaa: {  	_ =	swait.ge [sflag:s21], $0x4000  }
0xab: {  	[sflag:s21] =	ssyncset.done $0x0  }
0xac: {  	[sflag:s21] =	ssyncadd.s32 $0xFFFFC000  }
0xad: {  	[tilespmem:s18], [sflag:$0x1] =	stream.indirect.gather [hbm4b:s1+s17], $0x80, s3, s17, $0xb8;
	[tilespmem:$0x1C800] =	vst v63  }
0xae: {  	_ =	swait.ge [sflag:s23], $0x4000  }
0xaf: {  	[sflag:s23] =	ssyncset.done $0x0  }
0xb0: {  	[sflag:s23] =	ssyncadd.s32 $0xFFFFC000  }
0xb1: {  	[spmem:s2] =	stream.indirect.scatter.add.f32 [tilespmem:s19], [sflag:$0x4], $0x80, s7, s17, $0xb8;
	[tilespmem:$0x1C800] =	vst v63  }
0xb2: {  	_ =	swait.ge [sflag:s25], $0x4000  }
0xb3: {  	[sflag:s25] =	ssyncset.done $0x0  }
0xb4: {  	[sflag:s25] =	ssyncadd.s32 $0xFFFFC000  }
0xb5: {  	[tilespmem:s19], [sflag:$0x2] =	stream.indirect.gather [hbm4b:s1+s17], $0x80, s8, s17, $0xb8;
	[tilespmem:$0x1C800] =	vst v63  }
0xb6: {  	_ =	swait.ge [sflag:s20], $0x4000  }
0xb7: {  	[sflag:s20] =	ssyncset.done $0x0  }
0xb8: {  	[sflag:s20] =	ssyncadd.s32 $0xFFFFC000  }
0xb9: {  	[spmem:s2] =	stream.indirect.scatter.add.f32 [tilespmem:s18], [sflag:$0x3], $0x80, s12, s17, $0xb8;
	[tilespmem:$0x1C800] =	vst v63  }
0xba: {  	_ =	swait.ge [sflag:s23], $0x4000  }
0xbb: {  	[sflag:s23] =	ssyncset.done $0x0  }
0xbc: {  	[sflag:s23] =	ssyncadd.s32 $0xFFFFC000  }
0xbd: {  	[spmem:s2] =	stream.indirect.scatter.add.f32 [tilespmem:s19], [sflag:$0x4], $0x80, s13, s17, $0xb8;
	[tilespmem:$0x1C800] =	vst v63  }
.Ltmp0:
0xbe: {  	_ =	swait.ge [sflag:s21], $0x4000;
	(pc) =	sbr.rel @p0 .LBB2_2-.Ltmp0, $4  }
0xbf: {  	[sflag:s21] =	ssyncset.done $0x0  }
0xc0: {  	[sflag:s21] =	ssyncadd.s32 $0xFFFFC000  }
0xc1: {  	_ =	swait.ge [sflag:s25], $0x4000  }
0xc2: {  	s15 =	smov.u32 s14;
	s10 =	smov.u32 s5;
	[sflag:s25] =	ssyncset.done $0x0  }
0xc3: {  	s5 =	sadd.s32 s15, s9;
	[sflag:s25] =	ssyncadd.s32 $0xFFFFC000  }
0xc4: {  	[tilespmem:s4], [sflag:$0x5] =	stream.linear.gather [hbm4b:s5+s4], $0x400, $0x38;
	[tilespmem:$0x1C800] =	vst v63  }
0xc5: {  	_ =	swait.ge [sflag:s11], $0x400  }
0xc6: {  	s6 =	rddreg [dreg:$0x4];
	[sflag:s11] =	ssyncset.done $0x0  }
0xc7: {  	s5 =	sadd.s32 s15, s6;
	[sflag:s11] =	ssyncadd.s32 $0xFFFFFC00  }
0xc8: {  	[tilespmem:s16], [sflag:$0x5] =	stream.linear.gather [hbm4b:s5+s4], $0x400, $0x38;
	[tilespmem:$0x1C800] =	vst v63  }
0xc9: {  	_ =	swait.ge [sflag:s11], $0x400  }
0xca: {  	[sflag:s11] =	ssyncset.done $0x0  }
0xcb: {  	[sflag:s11] =	ssyncadd.s32 $0xFFFFFC00  }
0xcc: {  	[tilespmem:s18], [sflag:$0x1] =	stream.indirect.gather [hbm4b:s1+s17], $0x80, s4, s17, $0xb8;
	[tilespmem:$0x1C800] =	vst v63  }
0xcd: {  	_ = 	snop  }
0xce: {  	[tilespmem:s19], [sflag:$0x2] =	stream.indirect.gather [hbm4b:s1+s17], $0x80, s17, s17, $0xb8;
	[tilespmem:$0x1C800] =	vst v63  }
0xcf: {  	_ =	swait.ge [sflag:s20], $0x4000  }
0xd0: {  	[sflag:s20] =	ssyncset.done $0x0  }
0xd1: {  	[sflag:s20] =	ssyncadd.s32 $0xFFFFC000  }
0xd2: {  	[spmem:s2] =	stream.indirect.scatter.add.f32 [tilespmem:s18], [sflag:$0x3], $0x80, s16, s17, $0xb8;
	[tilespmem:$0x1C800] =	vst v63  }
0xd3: {  	_ =	swait.ge [sflag:s21], $0x4000  }
0xd4: {  	[sflag:s21] =	ssyncset.done $0x0  }
0xd5: {  	[sflag:s21] =	ssyncadd.s32 $0xFFFFC000  }
0xd6: {  	[tilespmem:s18], [sflag:$0x1] =	stream.indirect.gather [hbm4b:s1+s17], $0x80, s22, s17, $0xb8;
	[tilespmem:$0x1C800] =	vst v63  }
0xd7: {  	_ =	swait.ge [sflag:s23], $0x4000  }
0xd8: {  	[sflag:s23] =	ssyncset.done $0x0  }
0xd9: {  	[sflag:s23] =	ssyncadd.s32 $0xFFFFC000  }
0xda: {  	[spmem:s2] =	stream.indirect.scatter.add.f32 [tilespmem:s19], [sflag:$0x4], $0x80, s24, s17, $0xb8;
	[tilespmem:$0x1C800] =	vst v63  }
0xdb: {  	_ =	swait.ge [sflag:s25], $0x4000  }
0xdc: {  	[sflag:s25] =	ssyncset.done $0x0  }
0xdd: {  	[sflag:s25] =	ssyncadd.s32 $0xFFFFC000  }
0xde: {  	[tilespmem:s19], [sflag:$0x2] =	stream.indirect.gather [hbm4b:s1+s17], $0x80, s26, s17, $0xb8;
	[tilespmem:$0x1C800] =	vst v63  }
0xdf: {  	_ =	swait.ge [sflag:s20], $0x4000  }
0xe0: {  	[sflag:s20] =	ssyncset.done $0x0  }
0xe1: {  	[sflag:s20] =	ssyncadd.s32 $0xFFFFC000  }
0xe2: {  	[spmem:s2] =	stream.indirect.scatter.add.f32 [tilespmem:s18], [sflag:$0x3], $0x80, s28, s17, $0xb8;
	[tilespmem:$0x1C800] =	vst v63  }
0xe3: {  	_ =	swait.ge [sflag:s21], $0x4000  }
0xe4: {  	[sflag:s21] =	ssyncset.done $0x0  }
0xe5: {  	[sflag:s21] =	ssyncadd.s32 $0xFFFFC000  }
0xe6: {  	[tilespmem:s18], [sflag:$0x1] =	stream.indirect.gather [hbm4b:s1+s17], $0x80, s29, s17, $0xb8;
	[tilespmem:$0x1C800] =	vst v63  }
0xe7: {  	_ =	swait.ge [sflag:s23], $0x4000  }
0xe8: {  	[sflag:s23] =	ssyncset.done $0x0  }
0xe9: {  	[sflag:s23] =	ssyncadd.s32 $0xFFFFC000  }
0xea: {  	[spmem:s2] =	stream.indirect.scatter.add.f32 [tilespmem:s19], [sflag:$0x4], $0x80, s30, s17, $0xb8;
	[tilespmem:$0x1C800] =	vst v63  }
0xeb: {  	_ =	swait.ge [sflag:s25], $0x4000  }
0xec: {  	[sflag:s25] =	ssyncset.done $0x0  }
0xed: {  	[sflag:s25] =	ssyncadd.s32 $0xFFFFC000  }
0xee: {  	[tilespmem:s19], [sflag:$0x2] =	stream.indirect.gather [hbm4b:s1+s17], $0x80, s31, s17, $0xb8;
	[tilespmem:$0x1C800] =	vst v63  }
0xef: {  	_ =	swait.ge [sflag:s20], $0x4000  }
0xf0: {  	[sflag:s20] =	ssyncset.done $0x0  }
0xf1: {  	[sflag:s20] =	ssyncadd.s32 $0xFFFFC000  }
0xf2: {  	[spmem:s2] =	stream.indirect.scatter.add.f32 [tilespmem:s18], [sflag:$0x3], $0x80, s0, s17, $0xb8;
	[tilespmem:$0x1C800] =	vst v63  }
0xf3: {  	_ =	swait.ge [sflag:s21], $0x4000  }
0xf4: {  	[sflag:s21] =	ssyncset.done $0x0  }
0xf5: {  	[sflag:s21] =	ssyncadd.s32 $0xFFFFC000  }
0xf6: {  	[tilespmem:s18], [sflag:$0x1] =	stream.indirect.gather [hbm4b:s1+s17], $0x80, s3, s17, $0xb8;
	[tilespmem:$0x1C800] =	vst v63  }
0xf7: {  	_ =	swait.ge [sflag:s23], $0x4000  }
0xf8: {  	[sflag:s23] =	ssyncset.done $0x0  }
0xf9: {  	[sflag:s23] =	ssyncadd.s32 $0xFFFFC000  }
0xfa: {  	[spmem:s2] =	stream.indirect.scatter.add.f32 [tilespmem:s19], [sflag:$0x4], $0x80, s7, s17, $0xb8;
	[tilespmem:$0x1C800] =	vst v63  }
0xfb: {  	_ =	swait.ge [sflag:s25], $0x4000  }
0xfc: {  	[sflag:s25] =	ssyncset.done $0x0  }
0xfd: {  	[sflag:s25] =	ssyncadd.s32 $0xFFFFC000  }
0xfe: {  	[tilespmem:s19], [sflag:$0x2] =	stream.indirect.gather [hbm4b:s1+s17], $0x80, s8, s17, $0xb8;
	[tilespmem:$0x1C800] =	vst v63  }
0xff: {  	_ =	swait.ge [sflag:s20], $0x4000  }
0x100: {  	[sflag:s20] =	ssyncset.done $0x0  }
0x101: {  	[sflag:s20] =	ssyncadd.s32 $0xFFFFC000  }
0x102: {  	[spmem:s2] =	stream.indirect.scatter.add.f32 [tilespmem:s18], [sflag:$0x3], $0x80, s12, s17, $0xb8;
	[tilespmem:$0x1C800] =	vst v63  }
0x103: {  	_ =	swait.ge [sflag:s23], $0x4000  }
0x104: {  	[sflag:s23] =	ssyncset.done $0x0  }
0x105: {  	[sflag:s23] =	ssyncadd.s32 $0xFFFFC000  }
0x106: {  	[spmem:s2] =	stream.indirect.scatter.add.f32 [tilespmem:s19], [sflag:$0x4], $0x80, s13, s17, $0xb8;
	[tilespmem:$0x1C800] =	vst v63  }
0x107: {  	_ =	swait.ge [sflag:s21], $0x4000  }
0x108: {  	[sflag:s21] =	ssyncset.done $0x0  }
0x109: {  	[sflag:s21] =	ssyncadd.s32 $0xFFFFC000  }
0x10a: {  	_ =	swait.ge [sflag:s25], $0x4000  }
0x10b: {  	[sflag:s25] =	ssyncset.done $0x0  }
0x10c: {  	[sflag:s25] =	ssyncadd.s32 $0xFFFFC000  }
0x10d: {  	[bflag:$0x0] =	sbarrier.arrive $0xFFFF  }
0x10e: {  	s6 =	rddreg [dreg:$0x6]  }
0x10f: {  	s10 =	rddreg [dreg:$0x7]  }
0x110: {  	s15 =	rddreg [dreg:$0x9]  }
0x111: {  	[hbm:s10], [sflag:s6] =	dma.local [spmem:s15], $0x2800  }
0x112: {  	_ =	swait.ge [sflag:s11], $0x2800  }
0x113: {  	s10 =	rddreg [dreg:$0xe]  }
0x114: {  	s14 =	rddreg [dreg:$0x8];
	s10 =	sadd.s32 $0x1, s10  }
0x115: {  	p0 =	sne.s32 s10, s14  }
.Ltmp1:
0x116: {  	_ = 	snop;
	(pc) =	sbr.rel @p0 .LBB2_1-.Ltmp1, $3  }
0x117: {  	_ =	sdelay $0x1  }
0x118: {  	[sflag:s11] =	ssyncset.done $0x0  }
0x119: {  	[sflag:s11] =	ssyncadd.s32 $0xFFFFD800  }
0x11a: {  	_ =	sfence.sel $0x180000  }
0x11b: {  	[bflag:$0x0] =	sbarrier.arrive $0xFFFF  }
0x11c: {  	_ =	strace $0x9000004A  }
0x11d: {  	s0 =	stileid.u32;
	[bflag:$0x2] =	sbarrier.arrive $0xFFFF  }
0x11e: {  	p0 =	sne.s32 s0, $0x0;
	s0 =	rddreg [dreg:$0x3]  }
0x11f: {  	s0 =	sadd.s32 @!p0 $0x100000, s0  }
0x120: {  	[sflag:s0] =	ssyncadd.tile.s32 @!p0 $0x1;
	_ =	shalt  }
.Lfunc_end2:
_tile_overlayer_lowered:
.L_overlay_start_2:
0x121: {  	(tag) =	ssettag $0x2  }
0x122: {  	s0 =	rddreg [dreg:$0x0];
	s2 =	stileid.u32  }
0x123: {  	s1 =	rddreg [dreg:$0x1];
	p0 =	sne.s32 s2, $0x0  }
0x124: {  	s3 =	rddreg [dreg:$0x2];
	[bflag:$0x3] =	sbarrier.arrive $0xFFFF;
	s2 =	simm.s32 @!p0 $0x1C05  }
0x125: {  	[timem:s3], [sflag:s2] =	dma.local @!p0 [hbm:s0], s1  }
0x126: {  	s0 =	simm.s32 @!p0 $0x5  }
0x127: {  	_ =	swait.ge @!p0 [sflag:s0], s1  }
0x128: {  	s1 =	ssub.s32 @!p0 $0x0, s1;
	[sflag:s0] =	ssyncset.done @!p0 $0x0  }
0x129: {  	[sflag:s0] =	ssyncadd.s32 @!p0 s1  }
0x12a: {  	[bflag:$0x3] =	sbarrier.arrive $0xFFFF  }
0x12b: {  	_ =	shalt  }

// kernel: kernel.14.cloned.1.call-start
scs
__scs_entry_jumppad:
0x0: {  	(pc) =	sbr.rel $0x88, $3  }
0x1: {  	(tag) =	ssettag $0x0;
	lr =	simm.s32 $0x1  }
0x2: {  	[smem:$0x3F9B] =	sst lr;
	_ =	strace $0xD0000000  }
0x3: {  	_ = 	snop  }
0x4: {  	_ = 	snop  }
0x5: {  	_ = 	snop  }
0x6: {  	_ = 	snop  }
0x7: {  	_ = 	snop  }
__scs_overlays_trampoline_lowered:
0x8: {  	[smem:$0x3FAA] =	sst s0  }
0x9: {  	[smem:$0x3FAB] =	sst s1  }
0xa: {  	[smem:$0x3FAC] =	sst s2  }
0xb: {  	[smem:$0x3FAD] =	sst s3  }
0xc: {  	[smem:$0x3FAE] =	sst s4  }
0xd: {  	[smem:$0x3FAF] =	sst s5  }
0xe: {  	[smem:$0x3FB0] =	sst s6  }
0xf: {  	[smem:$0x3FB1] =	sst s7  }
0x10: {  	[smem:$0x3FB2] =	sst s8  }
0x11: {  	[smem:$0x3FB3] =	sst s9;
	s0 =	simm.s32 @!p0 $0x0  }
0x12: {  	s1 =	sld [smem:$0x3F99];
	s0 =	simm.s32 @p0 $0x1  }
0x13: {  	[smem:$0x3FB4] =	sst s0;
	s0 =	simm.s32 @!p1 $0x0  }
0x14: {  	s2 =	sld [smem:$0x3F98];
	s0 =	simm.s32 @p1 $0x1  }
0x15: {  	[smem:$0x3FB5] =	sst s0;
	s0 =	simm.s32 @!p2 $0x0  }
0x16: {  	s3 =	sld [smem:$0x3FDB];
	s0 =	simm.s32 @p2 $0x1  }
0x17: {  	s4 =	simm.s32 $0x1BF5;
	[smem:$0x3FB7] =	sst s0  }
0x18: {  	s0 =	sld [smem:$0x3F9A];
	_ =	swait.ge [sflag:s4], $0x0  }
0x19: {  	s7 =	sld [smem:$0x3F9B]  }
0x1a: {  	s8 =	sadd.s32 $0xFFFFE003, lr  }
0x1b: {  	s9 =	sadd.s32 $0xFFFFFEF7, lr;
	s5 =	simm.s32 $0xFFFFFFFF;
	p2 =	slt.u32 s8, $0xFFFFF086  }
0x1c: {  	p1 =	slt.u32 s9, $0xF7A;
	s5 =	simm.s32 @!p2 $0x0  }
0x1d: {  	s5 =	simm.s32 @p1 $0x1;
	p0 =	seq.s32 s7, s2  }
0x1e: {  	s7 =	smul.u32 @!p0 $0xF7A, s2;
	p2 =	seq.s32 @!p0 s5, $0x0  }
0x1f: {  	s9 =	smul.u32 $0xF7A, s1;
	s8 =	simm.s32 @!p0 $0x1BF5;
	p2 =	por !p2, p0  }
0x20: {  	[sflag:s8] =	ssyncset.s32 @!p0 $0xFFFFF086;
	s6 =	sadd.s32 @!p0 s3, s7;
	s7 =	simm.s32 @!p0 $0x108  }
0x21: {  	s3 =	sadd.s32 s3, s9;
	s6 =	sadd.s32 @!p0 $0x88, s6;
	s7 =	simm.s32 @p2 $0x1082  }
0x22: {  	[simem:s7], [sflag:s8] =	dma.local @!p0 [hbm:s6], $0xF7A  }
0x23: {  	s9 =	sor.u32 $0xD0000000, s2;
	s6 =	simm.s32 $0x108;
	_ =	swait.ge @!p0 [sflag:s8], $0x0  }
0x24: {  	s3 =	sadd.s32 $0x88, s3;
	s6 =	simm.s32 @!p1 $0x1082;
	[sflag:s4] =	ssyncset.s32 $0xFFFFF086  }
0x25: {  	[simem:s6], [sflag:s4] =	dma.local [hbm:s3], $0xF7A  }
0x26: {  	[smem:$0x3F9B] =	sst s1;
	(tag) =	ssettag s2;
	_ =	strace s9  }
0x27: {  	s1 =	sld [smem:$0x3FAB]  }
0x28: {  	s2 =	sld [smem:$0x3FAC]  }
0x29: {  	s4 =	sld [smem:$0x3FAE]  }
0x2a: {  	p0 =	seq.s32 s5, $0x0;
	s5 =	sld [smem:$0x3FAF]  }
0x2b: {  	s6 =	sld [smem:$0x3FB0]  }
0x2c: {  	s7 =	sld [smem:$0x3FB1]  }
0x2d: {  	s3 =	simm.s32 $0x108;
	s8 =	sld [smem:$0x3FB2]  }
0x2e: {  	s3 =	simm.s32 @!p0 $0x1082;
	s9 =	sld [smem:$0x3FB3]  }
0x2f: {  	lr =	sadd.s32 s0, s3;
	s0 =	sld [smem:$0x3FAA]  }
0x30: {  	s3 =	sld [smem:$0x3FAD]  }
0x31: {  	[smem:$0x3FB6] =	sst s10  }
0x32: {  	s10 =	sld [smem:$0x3FB4];
	_ =	sdelay $0x3  }
0x33: {  	p0 =	seq.s32 s10, $0x1;
	s10 =	sld [smem:$0x3FB6];
	_ =	sdelay $0x3  }
0x34: {  	[smem:$0x3FB6] =	sst s10  }
0x35: {  	s10 =	sld [smem:$0x3FB5];
	_ =	sdelay $0x3  }
0x36: {  	p1 =	seq.s32 s10, $0x1;
	s10 =	sld [smem:$0x3FB6];
	_ =	sdelay $0x3  }
0x37: {  	[smem:$0x3FB6] =	sst s10  }
0x38: {  	s10 =	sld [smem:$0x3FB7]  }
0x39: {  	_ = 	snop;
	(pc) =	sbr.ind lr, $3  }
0x3a: {  	_ = 	snop  }
0x3b: {  	_ = 	snop  }
0x3c: {  	p2 =	seq.s32 s10, $0x1;
	s10 =	sld [smem:$0x3FB6]  }
0x3d: {  	_ =	shalt  }
0x3e: {  	_ =	shalt  }
0x3f: {  	_ =	shalt  }
0x40: {  	_ =	shalt  }
0x41: {  	_ =	shalt  }
0x42: {  	_ =	shalt  }
0x43: {  	_ =	shalt  }
0x44: {  	_ =	shalt  }
0x45: {  	_ =	shalt  }
0x46: {  	_ =	shalt  }
0x47: {  	_ =	shalt  }
0x48: {  	_ =	shalt  }
0x49: {  	_ =	shalt  }
0x4a: {  	_ =	shalt  }
0x4b: {  	_ =	shalt  }
0x4c: {  	_ =	shalt  }
0x4d: {  	_ =	shalt  }
0x4e: {  	_ =	shalt  }
0x4f: {  	_ =	shalt  }
0x50: {  	_ =	shalt  }
0x51: {  	_ =	shalt  }
0x52: {  	_ =	shalt  }
0x53: {  	_ =	shalt  }
0x54: {  	_ =	shalt  }
0x55: {  	_ =	shalt  }
0x56: {  	_ =	shalt  }
0x57: {  	_ =	shalt  }
0x58: {  	_ =	shalt  }
0x59: {  	_ =	shalt  }
0x5a: {  	_ =	shalt  }
0x5b: {  	_ =	shalt  }
0x5c: {  	_ =	shalt  }
0x5d: {  	_ =	shalt  }
0x5e: {  	_ =	shalt  }
0x5f: {  	_ =	shalt  }
0x60: {  	_ =	shalt  }
0x61: {  	_ =	shalt  }
0x62: {  	_ =	shalt  }
0x63: {  	_ =	shalt  }
0x64: {  	_ =	shalt  }
0x65: {  	_ =	shalt  }
0x66: {  	_ =	shalt  }
0x67: {  	_ =	shalt  }
0x68: {  	_ =	shalt  }
0x69: {  	_ =	shalt  }
0x6a: {  	_ =	shalt  }
0x6b: {  	_ =	shalt  }
0x6c: {  	_ =	shalt  }
0x6d: {  	_ =	shalt  }
0x6e: {  	_ =	shalt  }
0x6f: {  	_ =	shalt  }
0x70: {  	_ =	shalt  }
0x71: {  	_ =	shalt  }
0x72: {  	_ =	shalt  }
0x73: {  	_ =	shalt  }
0x74: {  	_ =	shalt  }
0x75: {  	_ =	shalt  }
0x76: {  	_ =	shalt  }
0x77: {  	_ =	shalt  }
0x78: {  	_ =	shalt  }
0x79: {  	_ =	shalt  }
0x7a: {  	_ =	shalt  }
0x7b: {  	_ =	shalt  }
0x7c: {  	_ =	shalt  }
0x7d: {  	_ =	shalt  }
0x7e: {  	_ =	shalt  }
0x7f: {  	_ =	shalt  }
0x80: {  	_ =	shalt  }
0x81: {  	_ =	shalt  }
0x82: {  	_ =	shalt  }
0x83: {  	_ =	shalt  }
0x84: {  	_ =	shalt  }
0x85: {  	_ =	shalt  }
0x86: {  	_ =	shalt  }
0x87: {  	_ =	shalt  }
.Lfunc_end0:
.L_simem_size_0:
called_computation.2_lowered:
.L_overlay_start_0:
0x88: {  	s2 =	sld [smem:$0x3FD9]  }
0x89: {  	s3 =	sld [smem:$0x3FFE];
	_ =	sdelay $0x1  }
0x8a: {  	s1 =	srdreg.scid  }
0x8b: {  	s0 =	sand.u32 $0x1, s1  }
0x8c: {  	s17 =	sshll.u32 s0, $0xA;
	s2 =	sadd.s32 s3, s2  }
0x8d: {  	s2 =	sadd.s32 s2, s17  }
0x8e: {  	[smem:$0x3FC2] =	sst s2  }
0x8f: {  	_ = 	snop  }
0x90: {  	s2 =	sld [smem:$0x3FD0];
	(tm) =	ssettm $0x1  }
0x91: {  	s18 =	sld [smem:$0x3FFB];
	_ =	sdelay $0x3  }
0x92: {  	_ =	strace s18  }
0x93: {  	s3 =	sld [smem:$0x3FFC];
	_ =	sdelay $0x3  }
0x94: {  	_ =	strace s3  }
0x95: {  	s3 =	sld [smem:$0x3FFD];
	_ =	sdelay $0x3  }
0x96: {  	_ =	strace s3  }
0x97: {  	_ =	strace $0x8FFFFFFF  }
0x98: {  	s19 =	sld [smem:$0x3FDB];
	_ =	sdelay $0x1  }
0x99: {  	s4 =	simm.s32 $_scs_section_size  }
0x9a: {  	s5 =	simm.s32 $_size__tile_overlayer_lowered;
	s6 =	simm.s32 $_tile_overlayer_lowered  }
0x9b: {  	s22 =	simm.s32 $0x1BFF;
	s21 =	sshll.u32 s6, $0x1;
	s3 =	sadd.s32 s4, s19  }
0x9c: {  	s7 =	simm.s32 $0x0;
	s20 =	sshll.u32 s5, $0x1;
	s5 =	sadd.s32 s21, s3  }
0x9d: {  	[timem:s7], [sflag:s22] =	dma.local [hbm:s5], s20  }
0x9e: {  	_ =	swait.ge [sflag:s22], s20  }
0x9f: {  	s4 =	ssub.s32 $0x0, s20;
	[sflag:s22] =	ssyncset.done $0x0  }
0xa0: {  	[sflag:s22] =	ssyncadd.s32 s4;
	_ =	sdelay $0x1  }
0xa1: {  	s23 =	simm.s32 $0x1B8B  }
0xa2: {  	_ =	swait.ge [sflag:s23], $0x1  }
0xa3: {  	[sflag:s23] =	ssyncset.done $0x0  }
0xa4: {  	s25 =	simm.s32 $0x1B8E;
	s24 =	sld [smem:$0x3FFE];
	[sflag:s23] =	ssyncadd.s32 $0xFFFFFFFF  }
0xa5: {  	s26 =	simm.s32 $execute0_lowered;
	[smem:$0x3FD2] =	sst s25  }
0xa6: {  	s5 =	sshll.u32 s26, $0x1;
	_ =	strace $0x8000004C;
	[dreg:$0x1] =	wrdreg $0xFFFFFFFF  }
0xa7: {  	s28 =	simm.s32 $_size_execute0_lowered;
	s3 =	sadd.s32 s3, s5;
	[dreg:$0x0] =	wrdreg $0x0  }
0xa8: {  	s5 =	sshll.u32 s28, $0x1;
	[dreg:$0x2] =	wrdreg s3  }
0xa9: {  	[dreg:$0x3] =	wrdreg s5  }
0xaa: {  	[dreg:$0x4] =	wrdreg $0xC0  }
0xab: {  	_ =	task [dreg:s7], $0x5FFFF  }
0xac: {  	[dreg:$0x1] =	wrdreg $0xFFFFFFFF  }
0xad: {  	[dreg:$0x0] =	wrdreg $0x60  }
0xae: {  	[dreg:$0x2] =	wrdreg s2  }
0xaf: {  	[dreg:$0x3] =	wrdreg s24  }
0xb0: {  	[dreg:$0x4] =	wrdreg $0x88000  }
0xb1: {  	[dreg:$0x5] =	wrdreg $0x9  }
0xb2: {  	_ =	task.clear_ibuf [dreg:s7], $0x6FFFF;
	_ =	strace $0x9000004C  }
0xb3: {  	s29 =	simm.s32 $0x9;
	_ =	strace $0x8000004E  }
0xb4: {  	_ =	swait.ge [sflag:s29], $0x1  }
0xb5: {  	[sflag:s29] =	ssyncadd.s32 $0xFFFFFFFF  }
0xb6: {  	_ =	strace $0x9000004E  }
0xb7: {  	_ =	sfence  }
0xb8: {  	s30 =	sld [smem:$0x0];
	_ =	sdelay $0x2  }
0xb9: {  	s31 =	sshll.u32 s1, $0xD;
	s1 =	sshrl.u32 s1, $0x2  }
0xba: {  	s3 =	sand.u32 $0x4000, s31;
	s1 =	sadd.s32 s1, s30  }
0xbb: {  	s0 =	sor.u32 s3, s0;
	s1 =	sshll.u32 s1, $0x11  }
0xbc: {  	s0 =	sor.u32 s1, s0  }
0xbd: {  	s0 =	sadd.s32 $0x8F2B, s0  }
0xbe: {  	[sflag:s0] =	ssyncadd.remote.s32 $0x1  }
0xbf: {  	_ =	sfence.sel $0xFFFF  }
0xc0: {  	[dreg:$0x0] =	wrdreg $0xFFFFFFFF;
	(pc) =	sbr.abs _section_cstart, $3  }
0xc1: {  	[dreg:$0x1] =	wrdreg $0xFFFFFFFF  }
0xc2: {  	_ =	task.clear_ibuf [dreg:s7], $0x2FFFF;
	_ =	strace $0x9FFFFFFF  }
0xc3: {  	(tm) =	ssettm $0x7FFFFFFF  }
tec
execute0_lowered:
.L_overlay_start_1:
0x0: {  	(tag) =	ssettag $0x1  }
0x1: {  	s1 =	rddreg [dreg:$0x0]  }
0x2: {  	s0 =	rddreg [dreg:$0x1]  }
0x3: {  	s2 =	rddreg [dreg:$0x2]  }
0x4: {  	s3 =	srdreg.scid;
	s4 =	simm.s32 $0x0;
	s9 =	stileid.u32  }
0x5: {  	s11 =	simm.s32 $0x5;
	s28 =	simm.s32 $0x500;
	s6 =	smul.u32 $0x2800, s9  }
0x6: {  	s29 =	simm.s32 $0x200;
	s30 =	simm.s32 $0x580;
	s8 =	smul.u32 $0x50000, s9  }
0x7: {  	s31 =	simm.s32 $0x280;
	s3 =	sand.u32 $0x1, s3;
	s19 =	smul.u32 $0x500, s9  }
0x8: {  	[smem:$0x7FF] =	sst s4;
	s10 =	sadd.s32 $0x16E00, s0;
	s5 =	smul.u32 $0x5000, s3  }
0x9: {  	s18 =	sshll.u32 s9, $0x6;
	_ =	strace $0x8000004D;
	s7 =	smul.u32 $0x28000, s3  }
0xa: {  	s3 =	ssub.s32 $0x2, s3;
	[dreg:$0x5] =	wrdreg s10;
	s10 =	simm.s32 $0x0  }
0xb: {  	s15 =	sshrl.u32 s3, $0x1;
	s16 =	sshrl.u32 s8, $0x2;
	s8 =	simm.s32 $0x380  }
0xc: {  	s5 =	sadd.s32 s5, s0;
	s6 =	sadd.s32 s6, s7;
	s3 =	ssub.s32 s3, s15  }
0xd: {  	s17 =	sadd.s32 s16, s2;
	s16 =	simm.s32 $0x400;
	s7 =	simm.s32 $0x680  }
0xe: {  	s0 =	sadd.s32 s6, s0;
	s6 =	sor.u32 $0x1C05, s18;
	s20 =	sadd.s32 $0x4000, s17  }
0xf: {  	s12 =	sadd.s32 $0x8000, s17;
	s13 =	sadd.s32 $0xC000, s17;
	s21 =	smax.u32 s3, $0x1  }
0x10: {  	s14 =	sadd.s32 $0x10000, s17;
	s5 =	sadd.s32 s19, s5;
	[dreg:$0x8] =	wrdreg s21  }
0x11: {  	s15 =	sshrl.u32 s17, $0x3;
	s17 =	simm.s32 $0x80;
	[dreg:$0x6] =	wrdreg s6  }
0x12: {  	s18 =	simm.s32 $0x800;
	s0 =	sadd.s32 $0x3F600, s0;
	[dreg:$0x9] =	wrdreg s15  }
0x13: {  	s19 =	simm.s32 $0x4800;
	s22 =	sadd.s32 $0xCE00, s5;
	[dreg:$0x7] =	wrdreg s0  }
0x14: {  	s3 =	simm.s32 $0x300;
	s23 =	sshrl.u32 s20, $0x3;
	[dreg:$0x4] =	wrdreg s22  }
0x15: {  	s9 =	sadd.s32 $0x2E00, s5;
	s24 =	sshrl.u32 s12, $0x3;
	[dreg:$0xa] =	wrdreg s23  }
0x16: {  	s25 =	sshrl.u32 s13, $0x3;
	s26 =	sshrl.u32 s14, $0x3;
	[dreg:$0xb] =	wrdreg s24  }
0x17: {  	s20 =	simm.s32 $0x1;
	s21 =	simm.s32 $0x3;
	[dreg:$0xc] =	wrdreg s25  }
0x18: {  	s12 =	simm.s32 $0x700;
	s13 =	simm.s32 $0x780;
	[dreg:$0xd] =	wrdreg s26  }
0x19: {  	s22 =	simm.s32 $0x100;
	s23 =	simm.s32 $0x2;
	s24 =	simm.s32 $0x480  }
0x1a: {  	s25 =	simm.s32 $0x4;
	s26 =	simm.s32 $0x180;
	s0 =	simm.s32 $0x600  }
.LBB2_1:
0x1b: {  	[dreg:$0xe] =	wrdreg s10  }
0x1c: {  	s5 =	rddreg [dreg:$0x5]  }
0x1d: {  	[spmem:s15], [sflag:s6] =	dma.local [hbm:s5], $0x800  }
0x1e: {  	_ =	swait.ge [sflag:s11], $0x800  }
0x1f: {  	[sflag:s11] =	ssyncset.done $0x0  }
0x20: {  	s14 =	rddreg [dreg:$0xa];
	[sflag:s11] =	ssyncadd.s32 $0xFFFFF800  }
0x21: {  	[spmem:s14], [sflag:s6] =	dma.local [hbm:s5], $0x800  }
0x22: {  	_ =	swait.ge [sflag:s11], $0x800  }
0x23: {  	[sflag:s11] =	ssyncset.done $0x0  }
0x24: {  	s15 =	rddreg [dreg:$0xb];
	[sflag:s11] =	ssyncadd.s32 $0xFFFFF800  }
0x25: {  	[spmem:s15], [sflag:s6] =	dma.local [hbm:s5], $0x800  }
0x26: {  	_ =	swait.ge [sflag:s11], $0x800  }
0x27: {  	[sflag:s11] =	ssyncset.done $0x0  }
0x28: {  	s14 =	rddreg [dreg:$0xc];
	[sflag:s11] =	ssyncadd.s32 $0xFFFFF800  }
0x29: {  	[spmem:s14], [sflag:s6] =	dma.local [hbm:s5], $0x800  }
0x2a: {  	_ =	swait.ge [sflag:s11], $0x800  }
0x2b: {  	[sflag:s11] =	ssyncset.done $0x0  }
0x2c: {  	s15 =	rddreg [dreg:$0xd];
	[sflag:s11] =	ssyncadd.s32 $0xFFFFF800  }
0x2d: {  	[spmem:s15], [sflag:s6] =	dma.local [hbm:s5], $0x800  }
0x2e: {  	_ =	swait.ge [sflag:s11], $0x800  }
0x2f: {  	[sflag:s11] =	ssyncset.done $0x0  }
0x30: {  	[sflag:s11] =	ssyncadd.s32 $0xFFFFF800  }
0x31: {  	s14 =	sadd.s32 $0x0, s9;
	[bflag:$0x0] =	sbarrier.arrive $0xFFFF  }
0x32: {  	[tilespmem:s4], [sflag:$0x5] =	stream.linear.gather [hbm4b:s14+s4], $0x400, $0x38;
	[tilespmem:$0x1C800] =	vst v63  }
0x33: {  	_ =	swait.ge [sflag:s11], $0x400  }
0x34: {  	s15 =	rddreg [dreg:$0x4];
	[sflag:s11] =	ssyncset.done $0x0  }
0x35: {  	[sflag:s11] =	ssyncadd.s32 $0xFFFFFC00;
	s5 =	sadd.s32 $0x0, s15  }
0x36: {  	[tilespmem:s16], [sflag:$0x5] =	stream.linear.gather [hbm4b:s5+s4], $0x400, $0x38;
	[tilespmem:$0x1C800] =	vst v63  }
0x37: {  	_ =	swait.ge [sflag:s11], $0x400  }
0x38: {  	[sflag:s11] =	ssyncset.done $0x0  }
0x39: {  	[sflag:s11] =	ssyncadd.s32 $0xFFFFFC00  }
0x3a: {  	[tilespmem:s18], [sflag:$0x1] =	stream.indirect.gather [hbm4b:s1+s17], $0x80, s4, s17, $0xb8;
	[tilespmem:$0x1C800] =	vst v63  }
0x3b: {  	_ = 	snop  }
0x3c: {  	[tilespmem:s19], [sflag:$0x2] =	stream.indirect.gather [hbm4b:s1+s17], $0x80, s17, s17, $0xb8;
	[tilespmem:$0x1C800] =	vst v63  }
0x3d: {  	_ =	swait.ge [sflag:s20], $0x4000  }
0x3e: {  	[sflag:s20] =	ssyncset.done $0x0  }
0x3f: {  	[sflag:s20] =	ssyncadd.s32 $0xFFFFC000  }
0x40: {  	[spmem:s2] =	stream.indirect.scatter.add.f32 [tilespmem:s18], [sflag:$0x3], $0x80, s16, s17, $0xb8;
	[tilespmem:$0x1C800] =	vst v63  }
0x41: {  	_ =	swait.ge [sflag:s21], $0x4000  }
0x42: {  	[sflag:s21] =	ssyncset.done $0x0  }
0x43: {  	[sflag:s21] =	ssyncadd.s32 $0xFFFFC000  }
0x44: {  	[tilespmem:s18], [sflag:$0x1] =	stream.indirect.gather [hbm4b:s1+s17], $0x80, s22, s17, $0xb8;
	[tilespmem:$0x1C800] =	vst v63  }
0x45: {  	_ =	swait.ge [sflag:s23], $0x4000  }
0x46: {  	[sflag:s23] =	ssyncset.done $0x0  }
0x47: {  	[sflag:s23] =	ssyncadd.s32 $0xFFFFC000  }
0x48: {  	[spmem:s2] =	stream.indirect.scatter.add.f32 [tilespmem:s19], [sflag:$0x4], $0x80, s24, s17, $0xb8;
	[tilespmem:$0x1C800] =	vst v63  }
0x49: {  	_ =	swait.ge [sflag:s25], $0x4000  }
0x4a: {  	[sflag:s25] =	ssyncset.done $0x0  }
0x4b: {  	[sflag:s25] =	ssyncadd.s32 $0xFFFFC000  }
0x4c: {  	[tilespmem:s19], [sflag:$0x2] =	stream.indirect.gather [hbm4b:s1+s17], $0x80, s26, s17, $0xb8;
	[tilespmem:$0x1C800] =	vst v63  }
0x4d: {  	_ =	swait.ge [sflag:s20], $0x4000  }
0x4e: {  	[sflag:s20] =	ssyncset.done $0x0  }
0x4f: {  	[sflag:s20] =	ssyncadd.s32 $0xFFFFC000  }
0x50: {  	[spmem:s2] =	stream.indirect.scatter.add.f32 [tilespmem:s18], [sflag:$0x3], $0x80, s28, s17, $0xb8;
	[tilespmem:$0x1C800] =	vst v63  }
0x51: {  	_ =	swait.ge [sflag:s21], $0x4000  }
0x52: {  	[sflag:s21] =	ssyncset.done $0x0  }
0x53: {  	[sflag:s21] =	ssyncadd.s32 $0xFFFFC000  }
0x54: {  	[tilespmem:s18], [sflag:$0x1] =	stream.indirect.gather [hbm4b:s1+s17], $0x80, s29, s17, $0xb8;
	[tilespmem:$0x1C800] =	vst v63  }
0x55: {  	_ =	swait.ge [sflag:s23], $0x4000  }
0x56: {  	[sflag:s23] =	ssyncset.done $0x0  }
0x57: {  	[sflag:s23] =	ssyncadd.s32 $0xFFFFC000  }
0x58: {  	[spmem:s2] =	stream.indirect.scatter.add.f32 [tilespmem:s19], [sflag:$0x4], $0x80, s30, s17, $0xb8;
	[tilespmem:$0x1C800] =	vst v63  }
0x59: {  	_ =	swait.ge [sflag:s25], $0x4000  }
0x5a: {  	[sflag:s25] =	ssyncset.done $0x0  }
0x5b: {  	[sflag:s25] =	ssyncadd.s32 $0xFFFFC000  }
0x5c: {  	[tilespmem:s19], [sflag:$0x2] =	stream.indirect.gather [hbm4b:s1+s17], $0x80, s31, s17, $0xb8;
	[tilespmem:$0x1C800] =	vst v63  }
0x5d: {  	_ =	swait.ge [sflag:s20], $0x4000  }
0x5e: {  	[sflag:s20] =	ssyncset.done $0x0  }
0x5f: {  	[sflag:s20] =	ssyncadd.s32 $0xFFFFC000  }
0x60: {  	[spmem:s2] =	stream.indirect.scatter.add.f32 [tilespmem:s18], [sflag:$0x3], $0x80, s0, s17, $0xb8;
	[tilespmem:$0x1C800] =	vst v63  }
0x61: {  	_ =	swait.ge [sflag:s21], $0x4000  }
0x62: {  	[sflag:s21] =	ssyncset.done $0x0  }
0x63: {  	[sflag:s21] =	ssyncadd.s32 $0xFFFFC000  }
0x64: {  	[tilespmem:s18], [sflag:$0x1] =	stream.indirect.gather [hbm4b:s1+s17], $0x80, s3, s17, $0xb8;
	[tilespmem:$0x1C800] =	vst v63  }
0x65: {  	_ =	swait.ge [sflag:s23], $0x4000  }
0x66: {  	[sflag:s23] =	ssyncset.done $0x0  }
0x67: {  	[sflag:s23] =	ssyncadd.s32 $0xFFFFC000  }
0x68: {  	[spmem:s2] =	stream.indirect.scatter.add.f32 [tilespmem:s19], [sflag:$0x4], $0x80, s7, s17, $0xb8;
	[tilespmem:$0x1C800] =	vst v63  }
0x69: {  	_ =	swait.ge [sflag:s25], $0x4000  }
0x6a: {  	[sflag:s25] =	ssyncset.done $0x0  }
0x6b: {  	[sflag:s25] =	ssyncadd.s32 $0xFFFFC000  }
0x6c: {  	[tilespmem:s19], [sflag:$0x2] =	stream.indirect.gather [hbm4b:s1+s17], $0x80, s8, s17, $0xb8;
	[tilespmem:$0x1C800] =	vst v63  }
0x6d: {  	_ =	swait.ge [sflag:s20], $0x4000  }
0x6e: {  	[sflag:s20] =	ssyncset.done $0x0  }
0x6f: {  	[sflag:s20] =	ssyncadd.s32 $0xFFFFC000  }
0x70: {  	[spmem:s2] =	stream.indirect.scatter.add.f32 [tilespmem:s18], [sflag:$0x3], $0x80, s12, s17, $0xb8;
	[tilespmem:$0x1C800] =	vst v63  }
0x71: {  	_ =	swait.ge [sflag:s23], $0x4000  }
0x72: {  	[sflag:s23] =	ssyncset.done $0x0  }
0x73: {  	[sflag:s23] =	ssyncadd.s32 $0xFFFFC000  }
0x74: {  	[spmem:s2] =	stream.indirect.scatter.add.f32 [tilespmem:s19], [sflag:$0x4], $0x80, s13, s17, $0xb8;
	[tilespmem:$0x1C800] =	vst v63  }
0x75: {  	_ =	swait.ge [sflag:s21], $0x4000  }
0x76: {  	[sflag:s21] =	ssyncset.done $0x0  }
0x77: {  	[sflag:s21] =	ssyncadd.s32 $0xFFFFC000  }
0x78: {  	_ =	swait.ge [sflag:s25], $0x4000  }
0x79: {  	s10 =	simm.s32 $0x100;
	s15 =	simm.s32 $0x80;
	[sflag:s25] =	ssyncset.done $0x0  }
.LBB2_2:
0x7a: {  	s6 =	sadd.s32 s15, s9;
	[sflag:s25] =	ssyncadd.s32 $0xFFFFC000  }
0x7b: {  	[tilespmem:s4], [sflag:$0x5] =	stream.linear.gather [hbm4b:s6+s4], $0x400, $0x38;
	[tilespmem:$0x1C800] =	vst v63  }
0x7c: {  	s14 =	smov.u32 s10;
	s5 =	sadd.s32 $0x80, s10;
	_ =	swait.ge [sflag:s11], $0x400  }
0x7d: {  	p0 =	sne.s32 s10, $0x480;
	s10 =	rddreg [dreg:$0x4];
	[sflag:s11] =	ssyncset.done $0x0  }
0x7e: {  	[sflag:s11] =	ssyncadd.s32 $0xFFFFFC00;
	s6 =	sadd.s32 s15, s10  }
0x7f: {  	[tilespmem:s16], [sflag:$0x5] =	stream.linear.gather [hbm4b:s6+s4], $0x400, $0x38;
	[tilespmem:$0x1C800] =	vst v63  }
0x80: {  	_ =	swait.ge [sflag:s11], $0x400  }
0x81: {  	[sflag:s11] =	ssyncset.done $0x0  }
0x82: {  	[sflag:s11] =	ssyncadd.s32 $0xFFFFFC00  }
0x83: {  	[tilespmem:s18], [sflag:$0x1] =	stream.indirect.gather [hbm4b:s1+s17], $0x80, s4, s17, $0xb8;
	[tilespmem:$0x1C800] =	vst v63  }
0x84: {  	_ = 	snop  }
0x85: {  	[tilespmem:s19], [sflag:$0x2] =	stream.indirect.gather [hbm4b:s1+s17], $0x80, s17, s17, $0xb8;
	[tilespmem:$0x1C800] =	vst v63  }
0x86: {  	_ =	swait.ge [sflag:s20], $0x4000  }
0x87: {  	[sflag:s20] =	ssyncset.done $0x0  }
0x88: {  	[sflag:s20] =	ssyncadd.s32 $0xFFFFC000  }
0x89: {  	[spmem:s2] =	stream.indirect.scatter.add.f32 [tilespmem:s18], [sflag:$0x3], $0x80, s16, s17, $0xb8;
	[tilespmem:$0x1C800] =	vst v63  }
0x8a: {  	_ =	swait.ge [sflag:s21], $0x4000  }
0x8b: {  	[sflag:s21] =	ssyncset.done $0x0  }
0x8c: {  	[sflag:s21] =	ssyncadd.s32 $0xFFFFC000  }
0x8d: {  	[tilespmem:s18], [sflag:$0x1] =	stream.indirect.gather [hbm4b:s1+s17], $0x80, s22, s17, $0xb8;
	[tilespmem:$0x1C800] =	vst v63  }
0x8e: {  	_ =	swait.ge [sflag:s23], $0x4000  }
0x8f: {  	[sflag:s23] =	ssyncset.done $0x0  }
0x90: {  	[sflag:s23] =	ssyncadd.s32 $0xFFFFC000  }
0x91: {  	[spmem:s2] =	stream.indirect.scatter.add.f32 [tilespmem:s19], [sflag:$0x4], $0x80, s24, s17, $0xb8;
	[tilespmem:$0x1C800] =	vst v63  }
0x92: {  	_ =	swait.ge [sflag:s25], $0x4000  }
0x93: {  	[sflag:s25] =	ssyncset.done $0x0  }
0x94: {  	[sflag:s25] =	ssyncadd.s32 $0xFFFFC000  }
0x95: {  	[tilespmem:s19], [sflag:$0x2] =	stream.indirect.gather [hbm4b:s1+s17], $0x80, s26, s17, $0xb8;
	[tilespmem:$0x1C800] =	vst v63  }
0x96: {  	_ =	swait.ge [sflag:s20], $0x4000  }
0x97: {  	[sflag:s20] =	ssyncset.done $0x0  }
0x98: {  	[sflag:s20] =	ssyncadd.s32 $0xFFFFC000  }
0x99: {  	[spmem:s2] =	stream.indirect.scatter.add.f32 [tilespmem:s18], [sflag:$0x3], $0x80, s28, s17, $0xb8;
	[tilespmem:$0x1C800] =	vst v63  }
0x9a: {  	_ =	swait.ge [sflag:s21], $0x4000  }
0x9b: {  	[sflag:s21] =	ssyncset.done $0x0  }
0x9c: {  	[sflag:s21] =	ssyncadd.s32 $0xFFFFC000  }
0x9d: {  	[tilespmem:s18], [sflag:$0x1] =	stream.indirect.gather [hbm4b:s1+s17], $0x80, s29, s17, $0xb8;
	[tilespmem:$0x1C800] =	vst v63  }
0x9e: {  	_ =	swait.ge [sflag:s23], $0x4000  }
0x9f: {  	[sflag:s23] =	ssyncset.done $0x0  }
0xa0: {  	[sflag:s23] =	ssyncadd.s32 $0xFFFFC000  }
0xa1: {  	[spmem:s2] =	stream.indirect.scatter.add.f32 [tilespmem:s19], [sflag:$0x4], $0x80, s30, s17, $0xb8;
	[tilespmem:$0x1C800] =	vst v63  }
0xa2: {  	_ =	swait.ge [sflag:s25], $0x4000  }
0xa3: {  	[sflag:s25] =	ssyncset.done $0x0  }
0xa4: {  	[sflag:s25] =	ssyncadd.s32 $0xFFFFC000  }
0xa5: {  	[tilespmem:s19], [sflag:$0x2] =	stream.indirect.gather [hbm4b:s1+s17], $0x80, s31, s17, $0xb8;
	[tilespmem:$0x1C800] =	vst v63  }
0xa6: {  	_ =	swait.ge [sflag:s20], $0x4000  }
0xa7: {  	[sflag:s20] =	ssyncset.done $0x0  }
0xa8: {  	[sflag:s20] =	ssyncadd.s32 $0xFFFFC000  }
0xa9: {  	[spmem:s2] =	stream.indirect.scatter.add.f32 [tilespmem:s18], [sflag:$0x3], $0x80, s0, s17, $0xb8;
	[tilespmem:$0x1C800] =	vst v63  }
0xaa: {  	_ =	swait.ge [sflag:s21], $0x4000  }
0xab: {  	[sflag:s21] =	ssyncset.done $0x0  }
0xac: {  	[sflag:s21] =	ssyncadd.s32 $0xFFFFC000  }
0xad: {  	[tilespmem:s18], [sflag:$0x1] =	stream.indirect.gather [hbm4b:s1+s17], $0x80, s3, s17, $0xb8;
	[tilespmem:$0x1C800] =	vst v63  }
0xae: {  	_ =	swait.ge [sflag:s23], $0x4000  }
0xaf: {  	[sflag:s23] =	ssyncset.done $0x0  }
0xb0: {  	[sflag:s23] =	ssyncadd.s32 $0xFFFFC000  }
0xb1: {  	[spmem:s2] =	stream.indirect.scatter.add.f32 [tilespmem:s19], [sflag:$0x4], $0x80, s7, s17, $0xb8;
	[tilespmem:$0x1C800] =	vst v63  }
0xb2: {  	_ =	swait.ge [sflag:s25], $0x4000  }
0xb3: {  	[sflag:s25] =	ssyncset.done $0x0  }
0xb4: {  	[sflag:s25] =	ssyncadd.s32 $0xFFFFC000  }
0xb5: {  	[tilespmem:s19], [sflag:$0x2] =	stream.indirect.gather [hbm4b:s1+s17], $0x80, s8, s17, $0xb8;
	[tilespmem:$0x1C800] =	vst v63  }
0xb6: {  	_ =	swait.ge [sflag:s20], $0x4000  }
0xb7: {  	[sflag:s20] =	ssyncset.done $0x0  }
0xb8: {  	[sflag:s20] =	ssyncadd.s32 $0xFFFFC000  }
0xb9: {  	[spmem:s2] =	stream.indirect.scatter.add.f32 [tilespmem:s18], [sflag:$0x3], $0x80, s12, s17, $0xb8;
	[tilespmem:$0x1C800] =	vst v63  }
0xba: {  	_ =	swait.ge [sflag:s23], $0x4000  }
0xbb: {  	[sflag:s23] =	ssyncset.done $0x0  }
0xbc: {  	[sflag:s23] =	ssyncadd.s32 $0xFFFFC000  }
0xbd: {  	[spmem:s2] =	stream.indirect.scatter.add.f32 [tilespmem:s19], [sflag:$0x4], $0x80, s13, s17, $0xb8;
	[tilespmem:$0x1C800] =	vst v63  }
.Ltmp0:
0xbe: {  	_ =	swait.ge [sflag:s21], $0x4000;
	(pc) =	sbr.rel @p0 .LBB2_2-.Ltmp0, $4  }
0xbf: {  	[sflag:s21] =	ssyncset.done $0x0  }
0xc0: {  	[sflag:s21] =	ssyncadd.s32 $0xFFFFC000  }
0xc1: {  	_ =	swait.ge [sflag:s25], $0x4000  }
0xc2: {  	s15 =	smov.u32 s14;
	s10 =	smov.u32 s5;
	[sflag:s25] =	ssyncset.done $0x0  }
0xc3: {  	s5 =	sadd.s32 s15, s9;
	[sflag:s25] =	ssyncadd.s32 $0xFFFFC000  }
0xc4: {  	[tilespmem:s4], [sflag:$0x5] =	stream.linear.gather [hbm4b:s5+s4], $0x400, $0x38;
	[tilespmem:$0x1C800] =	vst v63  }
0xc5: {  	_ =	swait.ge [sflag:s11], $0x400  }
0xc6: {  	s6 =	rddreg [dreg:$0x4];
	[sflag:s11] =	ssyncset.done $0x0  }
0xc7: {  	s5 =	sadd.s32 s15, s6;
	[sflag:s11] =	ssyncadd.s32 $0xFFFFFC00  }
0xc8: {  	[tilespmem:s16], [sflag:$0x5] =	stream.linear.gather [hbm4b:s5+s4], $0x400, $0x38;
	[tilespmem:$0x1C800] =	vst v63  }
0xc9: {  	_ =	swait.ge [sflag:s11], $0x400  }
0xca: {  	[sflag:s11] =	ssyncset.done $0x0  }
0xcb: {  	[sflag:s11] =	ssyncadd.s32 $0xFFFFFC00  }
0xcc: {  	[tilespmem:s18], [sflag:$0x1] =	stream.indirect.gather [hbm4b:s1+s17], $0x80, s4, s17, $0xb8;
	[tilespmem:$0x1C800] =	vst v63  }
0xcd: {  	_ = 	snop  }
0xce: {  	[tilespmem:s19], [sflag:$0x2] =	stream.indirect.gather [hbm4b:s1+s17], $0x80, s17, s17, $0xb8;
	[tilespmem:$0x1C800] =	vst v63  }
0xcf: {  	_ =	swait.ge [sflag:s20], $0x4000  }
0xd0: {  	[sflag:s20] =	ssyncset.done $0x0  }
0xd1: {  	[sflag:s20] =	ssyncadd.s32 $0xFFFFC000  }
0xd2: {  	[spmem:s2] =	stream.indirect.scatter.add.f32 [tilespmem:s18], [sflag:$0x3], $0x80, s16, s17, $0xb8;
	[tilespmem:$0x1C800] =	vst v63  }
0xd3: {  	_ =	swait.ge [sflag:s21], $0x4000  }
0xd4: {  	[sflag:s21] =	ssyncset.done $0x0  }
0xd5: {  	[sflag:s21] =	ssyncadd.s32 $0xFFFFC000  }
0xd6: {  	[tilespmem:s18], [sflag:$0x1] =	stream.indirect.gather [hbm4b:s1+s17], $0x80, s22, s17, $0xb8;
	[tilespmem:$0x1C800] =	vst v63  }
0xd7: {  	_ =	swait.ge [sflag:s23], $0x4000  }
0xd8: {  	[sflag:s23] =	ssyncset.done $0x0  }
0xd9: {  	[sflag:s23] =	ssyncadd.s32 $0xFFFFC000  }
0xda: {  	[spmem:s2] =	stream.indirect.scatter.add.f32 [tilespmem:s19], [sflag:$0x4], $0x80, s24, s17, $0xb8;
	[tilespmem:$0x1C800] =	vst v63  }
0xdb: {  	_ =	swait.ge [sflag:s25], $0x4000  }
0xdc: {  	[sflag:s25] =	ssyncset.done $0x0  }
0xdd: {  	[sflag:s25] =	ssyncadd.s32 $0xFFFFC000  }
0xde: {  	[tilespmem:s19], [sflag:$0x2] =	stream.indirect.gather [hbm4b:s1+s17], $0x80, s26, s17, $0xb8;
	[tilespmem:$0x1C800] =	vst v63  }
0xdf: {  	_ =	swait.ge [sflag:s20], $0x4000  }
0xe0: {  	[sflag:s20] =	ssyncset.done $0x0  }
0xe1: {  	[sflag:s20] =	ssyncadd.s32 $0xFFFFC000  }
0xe2: {  	[spmem:s2] =	stream.indirect.scatter.add.f32 [tilespmem:s18], [sflag:$0x3], $0x80, s28, s17, $0xb8;
	[tilespmem:$0x1C800] =	vst v63  }
0xe3: {  	_ =	swait.ge [sflag:s21], $0x4000  }
0xe4: {  	[sflag:s21] =	ssyncset.done $0x0  }
0xe5: {  	[sflag:s21] =	ssyncadd.s32 $0xFFFFC000  }
0xe6: {  	[tilespmem:s18], [sflag:$0x1] =	stream.indirect.gather [hbm4b:s1+s17], $0x80, s29, s17, $0xb8;
	[tilespmem:$0x1C800] =	vst v63  }
0xe7: {  	_ =	swait.ge [sflag:s23], $0x4000  }
0xe8: {  	[sflag:s23] =	ssyncset.done $0x0  }
0xe9: {  	[sflag:s23] =	ssyncadd.s32 $0xFFFFC000  }
0xea: {  	[spmem:s2] =	stream.indirect.scatter.add.f32 [tilespmem:s19], [sflag:$0x4], $0x80, s30, s17, $0xb8;
	[tilespmem:$0x1C800] =	vst v63  }
0xeb: {  	_ =	swait.ge [sflag:s25], $0x4000  }
0xec: {  	[sflag:s25] =	ssyncset.done $0x0  }
0xed: {  	[sflag:s25] =	ssyncadd.s32 $0xFFFFC000  }
0xee: {  	[tilespmem:s19], [sflag:$0x2] =	stream.indirect.gather [hbm4b:s1+s17], $0x80, s31, s17, $0xb8;
	[tilespmem:$0x1C800] =	vst v63  }
0xef: {  	_ =	swait.ge [sflag:s20], $0x4000  }
0xf0: {  	[sflag:s20] =	ssyncset.done $0x0  }
0xf1: {  	[sflag:s20] =	ssyncadd.s32 $0xFFFFC000  }
0xf2: {  	[spmem:s2] =	stream.indirect.scatter.add.f32 [tilespmem:s18], [sflag:$0x3], $0x80, s0, s17, $0xb8;
	[tilespmem:$0x1C800] =	vst v63  }
0xf3: {  	_ =	swait.ge [sflag:s21], $0x4000  }
0xf4: {  	[sflag:s21] =	ssyncset.done $0x0  }
0xf5: {  	[sflag:s21] =	ssyncadd.s32 $0xFFFFC000  }
0xf6: {  	[tilespmem:s18], [sflag:$0x1] =	stream.indirect.gather [hbm4b:s1+s17], $0x80, s3, s17, $0xb8;
	[tilespmem:$0x1C800] =	vst v63  }
0xf7: {  	_ =	swait.ge [sflag:s23], $0x4000  }
0xf8: {  	[sflag:s23] =	ssyncset.done $0x0  }
0xf9: {  	[sflag:s23] =	ssyncadd.s32 $0xFFFFC000  }
0xfa: {  	[spmem:s2] =	stream.indirect.scatter.add.f32 [tilespmem:s19], [sflag:$0x4], $0x80, s7, s17, $0xb8;
	[tilespmem:$0x1C800] =	vst v63  }
0xfb: {  	_ =	swait.ge [sflag:s25], $0x4000  }
0xfc: {  	[sflag:s25] =	ssyncset.done $0x0  }
0xfd: {  	[sflag:s25] =	ssyncadd.s32 $0xFFFFC000  }
0xfe: {  	[tilespmem:s19], [sflag:$0x2] =	stream.indirect.gather [hbm4b:s1+s17], $0x80, s8, s17, $0xb8;
	[tilespmem:$0x1C800] =	vst v63  }
0xff: {  	_ =	swait.ge [sflag:s20], $0x4000  }
0x100: {  	[sflag:s20] =	ssyncset.done $0x0  }
0x101: {  	[sflag:s20] =	ssyncadd.s32 $0xFFFFC000  }
0x102: {  	[spmem:s2] =	stream.indirect.scatter.add.f32 [tilespmem:s18], [sflag:$0x3], $0x80, s12, s17, $0xb8;
	[tilespmem:$0x1C800] =	vst v63  }
0x103: {  	_ =	swait.ge [sflag:s23], $0x4000  }
0x104: {  	[sflag:s23] =	ssyncset.done $0x0  }
0x105: {  	[sflag:s23] =	ssyncadd.s32 $0xFFFFC000  }
0x106: {  	[spmem:s2] =	stream.indirect.scatter.add.f32 [tilespmem:s19], [sflag:$0x4], $0x80, s13, s17, $0xb8;
	[tilespmem:$0x1C800] =	vst v63  }
0x107: {  	_ =	swait.ge [sflag:s21], $0x4000  }
0x108: {  	[sflag:s21] =	ssyncset.done $0x0  }
0x109: {  	[sflag:s21] =	ssyncadd.s32 $0xFFFFC000  }
0x10a: {  	_ =	swait.ge [sflag:s25], $0x4000  }
0x10b: {  	[sflag:s25] =	ssyncset.done $0x0  }
0x10c: {  	[sflag:s25] =	ssyncadd.s32 $0xFFFFC000  }
0x10d: {  	[bflag:$0x0] =	sbarrier.arrive $0xFFFF  }
0x10e: {  	s6 =	rddreg [dreg:$0x6]  }
0x10f: {  	s10 =	rddreg [dreg:$0x7]  }
0x110: {  	s15 =	rddreg [dreg:$0x9]  }
0x111: {  	[hbm:s10], [sflag:s6] =	dma.local [spmem:s15], $0x2800  }
0x112: {  	_ =	swait.ge [sflag:s11], $0x2800  }
0x113: {  	s10 =	rddreg [dreg:$0xe]  }
0x114: {  	s14 =	rddreg [dreg:$0x8];
	s10 =	sadd.s32 $0x1, s10  }
0x115: {  	p0 =	sne.s32 s10, s14  }
.Ltmp1:
0x116: {  	_ = 	snop;
	(pc) =	sbr.rel @p0 .LBB2_1-.Ltmp1, $3  }
0x117: {  	_ =	sdelay $0x1  }
0x118: {  	[sflag:s11] =	ssyncset.done $0x0  }
0x119: {  	[sflag:s11] =	ssyncadd.s32 $0xFFFFD800  }
0x11a: {  	_ =	sfence.sel $0x180000  }
0x11b: {  	[bflag:$0x0] =	sbarrier.arrive $0xFFFF  }
0x11c: {  	_ =	strace $0x9000004D  }
0x11d: {  	s0 =	stileid.u32;
	[bflag:$0x2] =	sbarrier.arrive $0xFFFF  }
0x11e: {  	p0 =	sne.s32 s0, $0x0;
	s0 =	rddreg [dreg:$0x3]  }
0x11f: {  	s0 =	sadd.s32 @!p0 $0x100000, s0  }
0x120: {  	[sflag:s0] =	ssyncadd.tile.s32 @!p0 $0x1;
	_ =	shalt  }
.Lfunc_end2:
_tile_overlayer_lowered:
.L_overlay_start_2:
0x121: {  	(tag) =	ssettag $0x2  }
0x122: {  	s0 =	rddreg [dreg:$0x0];
	s2 =	stileid.u32  }
0x123: {  	s1 =	rddreg [dreg:$0x1];
	p0 =	sne.s32 s2, $0x0  }
0x124: {  	s3 =	rddreg [dreg:$0x2];
	[bflag:$0x3] =	sbarrier.arrive $0xFFFF;
	s2 =	simm.s32 @!p0 $0x1C05  }
0x125: {  	[timem:s3], [sflag:s2] =	dma.local @!p0 [hbm:s0], s1  }
0x126: {  	s0 =	simm.s32 @!p0 $0x5  }
0x127: {  	_ =	swait.ge @!p0 [sflag:s0], s1  }
0x128: {  	s1 =	ssub.s32 @!p0 $0x0, s1;
	[sflag:s0] =	ssyncset.done @!p0 $0x0  }
0x129: {  	[sflag:s0] =	ssyncadd.s32 @!p0 s1  }
0x12a: {  	[bflag:$0x3] =	sbarrier.arrive $0xFFFF  }
0x12b: {  	_ =	shalt  }

// kernel: kernel.8.cloned.1.call-start
scs
__scs_entry_jumppad:
0x0: {  	(pc) =	sbr.rel $0x88, $3  }
0x1: {  	(tag) =	ssettag $0x0;
	lr =	simm.s32 $0x1  }
0x2: {  	[smem:$0x3F9B] =	sst lr;
	_ =	strace $0xD0000000  }
0x3: {  	_ = 	snop  }
0x4: {  	_ = 	snop  }
0x5: {  	_ = 	snop  }
0x6: {  	_ = 	snop  }
0x7: {  	_ = 	snop  }
__scs_overlays_trampoline_lowered:
0x8: {  	[smem:$0x3FAA] =	sst s0  }
0x9: {  	[smem:$0x3FAB] =	sst s1  }
0xa: {  	[smem:$0x3FAC] =	sst s2  }
0xb: {  	[smem:$0x3FAD] =	sst s3  }
0xc: {  	[smem:$0x3FAE] =	sst s4  }
0xd: {  	[smem:$0x3FAF] =	sst s5  }
0xe: {  	[smem:$0x3FB0] =	sst s6  }
0xf: {  	[smem:$0x3FB1] =	sst s7  }
0x10: {  	[smem:$0x3FB2] =	sst s8  }
0x11: {  	[smem:$0x3FB3] =	sst s9;
	s0 =	simm.s32 @!p0 $0x0  }
0x12: {  	s1 =	sld [smem:$0x3F99];
	s0 =	simm.s32 @p0 $0x1  }
0x13: {  	[smem:$0x3FB4] =	sst s0;
	s0 =	simm.s32 @!p1 $0x0  }
0x14: {  	s2 =	sld [smem:$0x3F98];
	s0 =	simm.s32 @p1 $0x1  }
0x15: {  	[smem:$0x3FB5] =	sst s0;
	s0 =	simm.s32 @!p2 $0x0  }
0x16: {  	s3 =	sld [smem:$0x3FDB];
	s0 =	simm.s32 @p2 $0x1  }
0x17: {  	s4 =	simm.s32 $0x1BF5;
	[smem:$0x3FB7] =	sst s0  }
0x18: {  	s0 =	sld [smem:$0x3F9A];
	_ =	swait.ge [sflag:s4], $0x0  }
0x19: {  	s7 =	sld [smem:$0x3F9B]  }
0x1a: {  	s8 =	sadd.s32 $0xFFFFE003, lr  }
0x1b: {  	s9 =	sadd.s32 $0xFFFFFEF7, lr;
	s5 =	simm.s32 $0xFFFFFFFF;
	p2 =	slt.u32 s8, $0xFFFFF086  }
0x1c: {  	p1 =	slt.u32 s9, $0xF7A;
	s5 =	simm.s32 @!p2 $0x0  }
0x1d: {  	s5 =	simm.s32 @p1 $0x1;
	p0 =	seq.s32 s7, s2  }
0x1e: {  	s7 =	smul.u32 @!p0 $0xF7A, s2;
	p2 =	seq.s32 @!p0 s5, $0x0  }
0x1f: {  	s9 =	smul.u32 $0xF7A, s1;
	s8 =	simm.s32 @!p0 $0x1BF5;
	p2 =	por !p2, p0  }
0x20: {  	[sflag:s8] =	ssyncset.s32 @!p0 $0xFFFFF086;
	s6 =	sadd.s32 @!p0 s3, s7;
	s7 =	simm.s32 @!p0 $0x108  }
0x21: {  	s3 =	sadd.s32 s3, s9;
	s6 =	sadd.s32 @!p0 $0x88, s6;
	s7 =	simm.s32 @p2 $0x1082  }
0x22: {  	[simem:s7], [sflag:s8] =	dma.local @!p0 [hbm:s6], $0xF7A  }
0x23: {  	s9 =	sor.u32 $0xD0000000, s2;
	s6 =	simm.s32 $0x108;
	_ =	swait.ge @!p0 [sflag:s8], $0x0  }
0x24: {  	s3 =	sadd.s32 $0x88, s3;
	s6 =	simm.s32 @!p1 $0x1082;
	[sflag:s4] =	ssyncset.s32 $0xFFFFF086  }
0x25: {  	[simem:s6], [sflag:s4] =	dma.local [hbm:s3], $0xF7A  }
0x26: {  	[smem:$0x3F9B] =	sst s1;
	(tag) =	ssettag s2;
	_ =	strace s9  }
0x27: {  	s1 =	sld [smem:$0x3FAB]  }
0x28: {  	s2 =	sld [smem:$0x3FAC]  }
0x29: {  	s4 =	sld [smem:$0x3FAE]  }
0x2a: {  	p0 =	seq.s32 s5, $0x0;
	s5 =	sld [smem:$0x3FAF]  }
0x2b: {  	s6 =	sld [smem:$0x3FB0]  }
0x2c: {  	s7 =	sld [smem:$0x3FB1]  }
0x2d: {  	s3 =	simm.s32 $0x108;
	s8 =	sld [smem:$0x3FB2]  }
0x2e: {  	s3 =	simm.s32 @!p0 $0x1082;
	s9 =	sld [smem:$0x3FB3]  }
0x2f: {  	lr =	sadd.s32 s0, s3;
	s0 =	sld [smem:$0x3FAA]  }
0x30: {  	s3 =	sld [smem:$0x3FAD]  }
0x31: {  	[smem:$0x3FB6] =	sst s10  }
0x32: {  	s10 =	sld [smem:$0x3FB4];
	_ =	sdelay $0x3  }
0x33: {  	p0 =	seq.s32 s10, $0x1;
	s10 =	sld [smem:$0x3FB6];
	_ =	sdelay $0x3  }
0x34: {  	[smem:$0x3FB6] =	sst s10  }
0x35: {  	s10 =	sld [smem:$0x3FB5];
	_ =	sdelay $0x3  }
0x36: {  	p1 =	seq.s32 s10, $0x1;
	s10 =	sld [smem:$0x3FB6];
	_ =	sdelay $0x3  }
0x37: {  	[smem:$0x3FB6] =	sst s10  }
0x38: {  	s10 =	sld [smem:$0x3FB7]  }
0x39: {  	_ = 	snop;
	(pc) =	sbr.ind lr, $3  }
0x3a: {  	_ = 	snop  }
0x3b: {  	_ = 	snop  }
0x3c: {  	p2 =	seq.s32 s10, $0x1;
	s10 =	sld [smem:$0x3FB6]  }
0x3d: {  	_ =	shalt  }
0x3e: {  	_ =	shalt  }
0x3f: {  	_ =	shalt  }
0x40: {  	_ =	shalt  }
0x41: {  	_ =	shalt  }
0x42: {  	_ =	shalt  }
0x43: {  	_ =	shalt  }
0x44: {  	_ =	shalt  }
0x45: {  	_ =	shalt  }
0x46: {  	_ =	shalt  }
0x47: {  	_ =	shalt  }
0x48: {  	_ =	shalt  }
0x49: {  	_ =	shalt  }
0x4a: {  	_ =	shalt  }
0x4b: {  	_ =	shalt  }
0x4c: {  	_ =	shalt  }
0x4d: {  	_ =	shalt  }
0x4e: {  	_ =	shalt  }
0x4f: {  	_ =	shalt  }
0x50: {  	_ =	shalt  }
0x51: {  	_ =	shalt  }
0x52: {  	_ =	shalt  }
0x53: {  	_ =	shalt  }
0x54: {  	_ =	shalt  }
0x55: {  	_ =	shalt  }
0x56: {  	_ =	shalt  }
0x57: {  	_ =	shalt  }
0x58: {  	_ =	shalt  }
0x59: {  	_ =	shalt  }
0x5a: {  	_ =	shalt  }
0x5b: {  	_ =	shalt  }
0x5c: {  	_ =	shalt  }
0x5d: {  	_ =	shalt  }
0x5e: {  	_ =	shalt  }
0x5f: {  	_ =	shalt  }
0x60: {  	_ =	shalt  }
0x61: {  	_ =	shalt  }
0x62: {  	_ =	shalt  }
0x63: {  	_ =	shalt  }
0x64: {  	_ =	shalt  }
0x65: {  	_ =	shalt  }
0x66: {  	_ =	shalt  }
0x67: {  	_ =	shalt  }
0x68: {  	_ =	shalt  }
0x69: {  	_ =	shalt  }
0x6a: {  	_ =	shalt  }
0x6b: {  	_ =	shalt  }
0x6c: {  	_ =	shalt  }
0x6d: {  	_ =	shalt  }
0x6e: {  	_ =	shalt  }
0x6f: {  	_ =	shalt  }
0x70: {  	_ =	shalt  }
0x71: {  	_ =	shalt  }
0x72: {  	_ =	shalt  }
0x73: {  	_ =	shalt  }
0x74: {  	_ =	shalt  }
0x75: {  	_ =	shalt  }
0x76: {  	_ =	shalt  }
0x77: {  	_ =	shalt  }
0x78: {  	_ =	shalt  }
0x79: {  	_ =	shalt  }
0x7a: {  	_ =	shalt  }
0x7b: {  	_ =	shalt  }
0x7c: {  	_ =	shalt  }
0x7d: {  	_ =	shalt  }
0x7e: {  	_ =	shalt  }
0x7f: {  	_ =	shalt  }
0x80: {  	_ =	shalt  }
0x81: {  	_ =	shalt  }
0x82: {  	_ =	shalt  }
0x83: {  	_ =	shalt  }
0x84: {  	_ =	shalt  }
0x85: {  	_ =	shalt  }
0x86: {  	_ =	shalt  }
0x87: {  	_ =	shalt  }
.Lfunc_end0:
.L_simem_size_0:
called_computation_lowered:
.L_overlay_start_0:
0x88: {  	s2 =	sld [smem:$0x3FD9]  }
0x89: {  	s3 =	sld [smem:$0x3FFE];
	_ =	sdelay $0x1  }
0x8a: {  	s1 =	srdreg.scid  }
0x8b: {  	s0 =	sand.u32 $0x1, s1  }
0x8c: {  	s17 =	sshll.u32 s0, $0xA;
	s2 =	sadd.s32 s3, s2  }
0x8d: {  	s2 =	sadd.s32 s2, s17  }
0x8e: {  	[smem:$0x3FC2] =	sst s2  }
0x8f: {  	_ = 	snop  }
0x90: {  	s2 =	sld [smem:$0x3FD0];
	(tm) =	ssettm $0x1  }
0x91: {  	s18 =	sld [smem:$0x3FFB];
	_ =	sdelay $0x3  }
0x92: {  	_ =	strace s18  }
0x93: {  	s3 =	sld [smem:$0x3FFC];
	_ =	sdelay $0x3  }
0x94: {  	_ =	strace s3  }
0x95: {  	s3 =	sld [smem:$0x3FFD];
	_ =	sdelay $0x3  }
0x96: {  	_ =	strace s3  }
0x97: {  	_ =	strace $0x8FFFFFFF  }
0x98: {  	s19 =	sld [smem:$0x3FDB];
	_ =	sdelay $0x1  }
0x99: {  	s4 =	simm.s32 $_scs_section_size  }
0x9a: {  	s5 =	simm.s32 $_size__tile_overlayer_lowered;
	s6 =	simm.s32 $_tile_overlayer_lowered  }
0x9b: {  	s22 =	simm.s32 $0x1BFF;
	s21 =	sshll.u32 s6, $0x1;
	s3 =	sadd.s32 s4, s19  }
0x9c: {  	s7 =	simm.s32 $0x0;
	s20 =	sshll.u32 s5, $0x1;
	s5 =	sadd.s32 s21, s3  }
0x9d: {  	[timem:s7], [sflag:s22] =	dma.local [hbm:s5], s20  }
0x9e: {  	_ =	swait.ge [sflag:s22], s20  }
0x9f: {  	s4 =	ssub.s32 $0x0, s20;
	[sflag:s22] =	ssyncset.done $0x0  }
0xa0: {  	[sflag:s22] =	ssyncadd.s32 s4;
	_ =	sdelay $0x1  }
0xa1: {  	s23 =	simm.s32 $0x1B8B  }
0xa2: {  	_ =	swait.ge [sflag:s23], $0x1  }
0xa3: {  	[sflag:s23] =	ssyncset.done $0x0  }
0xa4: {  	s25 =	simm.s32 $0x1B8E;
	s24 =	sld [smem:$0x3FFE];
	[sflag:s23] =	ssyncadd.s32 $0xFFFFFFFF  }
0xa5: {  	s26 =	simm.s32 $execute0_lowered;
	[smem:$0x3FD2] =	sst s25  }
0xa6: {  	s5 =	sshll.u32 s26, $0x1;
	_ =	strace $0x80000046;
	[dreg:$0x1] =	wrdreg $0xFFFFFFFF  }
0xa7: {  	s28 =	simm.s32 $_size_execute0_lowered;
	s3 =	sadd.s32 s3, s5;
	[dreg:$0x0] =	wrdreg $0x0  }
0xa8: {  	s5 =	sshll.u32 s28, $0x1;
	[dreg:$0x2] =	wrdreg s3  }
0xa9: {  	[dreg:$0x3] =	wrdreg s5  }
0xaa: {  	[dreg:$0x4] =	wrdreg $0xC0  }
0xab: {  	_ =	task [dreg:s7], $0x5FFFF  }
0xac: {  	[dreg:$0x1] =	wrdreg $0xFFFFFFFF  }
0xad: {  	[dreg:$0x0] =	wrdreg $0x60  }
0xae: {  	[dreg:$0x2] =	wrdreg s24  }
0xaf: {  	[dreg:$0x3] =	wrdreg s2  }
0xb0: {  	[dreg:$0x4] =	wrdreg $0x44000  }
0xb1: {  	[dreg:$0x5] =	wrdreg $0x9  }
0xb2: {  	_ =	task.clear_ibuf [dreg:s7], $0x6FFFF;
	_ =	strace $0x90000046  }
0xb3: {  	s29 =	simm.s32 $0x9;
	_ =	strace $0x80000048  }
0xb4: {  	_ =	swait.ge [sflag:s29], $0x1  }
0xb5: {  	[sflag:s29] =	ssyncadd.s32 $0xFFFFFFFF  }
0xb6: {  	_ =	strace $0x90000048  }
0xb7: {  	_ =	sfence  }
0xb8: {  	s30 =	sld [smem:$0x0];
	_ =	sdelay $0x2  }
0xb9: {  	s31 =	sshll.u32 s1, $0xD;
	s1 =	sshrl.u32 s1, $0x2  }
0xba: {  	s3 =	sand.u32 $0x4000, s31;
	s1 =	sadd.s32 s1, s30  }
0xbb: {  	s0 =	sor.u32 s3, s0;
	s1 =	sshll.u32 s1, $0x11  }
0xbc: {  	s0 =	sor.u32 s1, s0  }
0xbd: {  	s0 =	sadd.s32 $0x8F2B, s0  }
0xbe: {  	[sflag:s0] =	ssyncadd.remote.s32 $0x1  }
0xbf: {  	_ =	sfence.sel $0xFFFF  }
0xc0: {  	[dreg:$0x0] =	wrdreg $0xFFFFFFFF;
	(pc) =	sbr.abs _section_cstart, $3  }
0xc1: {  	[dreg:$0x1] =	wrdreg $0xFFFFFFFF  }
0xc2: {  	_ =	task.clear_ibuf [dreg:s7], $0x2FFFF;
	_ =	strace $0x9FFFFFFF  }
0xc3: {  	(tm) =	ssettm $0x7FFFFFFF  }
tec
execute0_lowered:
.L_overlay_start_1:
0x0: {  	(tag) =	ssettag $0x1  }
0x1: {  	s6 =	rddreg [dreg:$0x0]  }
0x2: {  	s2 =	rddreg [dreg:$0x1]  }
0x3: {  	s0 =	srdreg.scid;
	s3 =	rddreg [dreg:$0x2]  }
0x4: {  	s1 =	rddreg [dreg:$0x3];
	s4 =	simm.s32 $0x0;
	s17 =	simm.s32 $0x80  }
0x5: {  	s18 =	simm.s32 $0x100;
	s19 =	simm.s32 $0x180;
	s7 =	sand.u32 $0x1, s0  }
0x6: {  	s20 =	simm.s32 $0x200;
	s0 =	stileid.u32;
	s5 =	smul.u32 $0x5000, s7  }
0x7: {  	s21 =	simm.s32 $0x280;
	s22 =	simm.s32 $0x300;
	s8 =	smul.u32 $0x2800, s0  }
0x8: {  	s23 =	simm.s32 $0x380;
	[smem:$0x7FF] =	sst s4;
	s9 =	smul.u32 $0x28000, s7  }
0x9: {  	s24 =	simm.s32 $0x0;
	s10 =	smul.u32 $0x50000, s0;
	_ =	strace $0x80000047  }
0xa: {  	s7 =	ssub.s32 $0x2, s7;
	s30 =	smul.u32 $0x500, s0;
	s31 =	sshll.u32 s0, $0x6  }
0xb: {  	s29 =	sshrl.u32 s7, $0x1;
	s11 =	sadd.s32 s5, s6;
	s5 =	sadd.s32 $0x16E00, s6  }
0xc: {  	s8 =	sadd.s32 s8, s9;
	s28 =	sshrl.u32 s10, $0x2;
	s7 =	ssub.s32 s7, s29  }
0xd: {  	s9 =	simm.s32 $0x400;
	s10 =	simm.s32 $0x1;
	s6 =	sadd.s32 s8, s6  }
0xe: {  	s12 =	sadd.s32 s28, s3;
	s7 =	smax.u32 s7, $0x1;
	s8 =	sadd.s32 s30, s11  }
0xf: {  	s11 =	sor.u32 $0x1C01, s31;
	s13 =	sadd.s32 $0x4000, s12;
	s14 =	sadd.s32 $0x8000, s12  }
0x10: {  	s15 =	sadd.s32 $0xC000, s12;
	s16 =	sadd.s32 $0x10000, s12;
	s6 =	sadd.s32 $0x17600, s6  }
0x11: {  	s8 =	sadd.s32 $0xCE00, s8;
	s12 =	sshrl.u32 s12, $0x3;
	s13 =	sshrl.u32 s13, $0x3  }
0x12: {  	s14 =	sshrl.u32 s14, $0x3;
	s15 =	sshrl.u32 s15, $0x3;
	s16 =	sshrl.u32 s16, $0x3  }
.LBB2_1:
0x13: {  	[tilespmem:s9], [sflag:$0x1] =	stream.linear.gather [hbm4b:s2+s4], $0x4000, $0x38;
	[tilespmem:$0x18400] =	vst v63  }
0x14: {  	_ =	swait.ge [sflag:s10], $0x4000  }
0x15: {  	[sflag:s10] =	ssyncset.done $0x0  }
0x16: {  	[sflag:s10] =	ssyncadd.s32 $0xFFFFC000  }
0x17: {  	[spmem:s12], [sflag:s11] =	dma.local [hbm:s5], $0x800  }
0x18: {  	_ =	swait.ge [sflag:s10], $0x800  }
0x19: {  	[sflag:s10] =	ssyncset.done $0x0  }
0x1a: {  	[sflag:s10] =	ssyncadd.s32 $0xFFFFF800  }
0x1b: {  	[spmem:s13], [sflag:s11] =	dma.local [hbm:s5], $0x800  }
0x1c: {  	_ =	swait.ge [sflag:s10], $0x800  }
0x1d: {  	[sflag:s10] =	ssyncset.done $0x0  }
0x1e: {  	[sflag:s10] =	ssyncadd.s32 $0xFFFFF800  }
0x1f: {  	[spmem:s14], [sflag:s11] =	dma.local [hbm:s5], $0x800  }
0x20: {  	_ =	swait.ge [sflag:s10], $0x800  }
0x21: {  	[sflag:s10] =	ssyncset.done $0x0  }
0x22: {  	[sflag:s10] =	ssyncadd.s32 $0xFFFFF800  }
0x23: {  	[spmem:s15], [sflag:s11] =	dma.local [hbm:s5], $0x800  }
0x24: {  	_ =	swait.ge [sflag:s10], $0x800  }
0x25: {  	[sflag:s10] =	ssyncset.done $0x0  }
0x26: {  	[sflag:s10] =	ssyncadd.s32 $0xFFFFF800  }
0x27: {  	[spmem:s16], [sflag:s11] =	dma.local [hbm:s5], $0x800  }
0x28: {  	_ =	swait.ge [sflag:s10], $0x800  }
0x29: {  	[sflag:s10] =	ssyncset.done $0x0  }
0x2a: {  	[sflag:s10] =	ssyncadd.s32 $0xFFFFF800  }
0x2b: {  	s25 =	sadd.s32 $0x0, s8;
	[bflag:$0x0] =	sbarrier.arrive $0xFFFF  }
0x2c: {  	[tilespmem:s4], [sflag:$0x1] =	stream.linear.gather [hbm4b:s25+s4], $0x400, $0x38;
	[tilespmem:$0x18400] =	vst v63  }
0x2d: {  	_ =	swait.ge [sflag:s10], $0x400  }
0x2e: {  	[sflag:s10] =	ssyncset.done $0x0  }
0x2f: {  	[sflag:s10] =	ssyncadd.s32 $0xFFFFFC00  }
0x30: {  	[spmem:s3] =	stream.indirect.scatter.add.f32 [tilespmem:s9], [sflag:$0x1], $0x80, s4, s17, $0xb8;
	[tilespmem:$0x18400] =	vst v63  }
0x31: {  	_ =	swait.ge [sflag:s10], $0x4000  }
0x32: {  	[sflag:s10] =	ssyncset.done $0x0  }
0x33: {  	[sflag:s10] =	ssyncadd.s32 $0xFFFFC000  }
0x34: {  	[spmem:s3] =	stream.indirect.scatter.add.f32 [tilespmem:s9], [sflag:$0x1], $0x80, s17, s17, $0xb8;
	[tilespmem:$0x18400] =	vst v63  }
0x35: {  	_ =	swait.ge [sflag:s10], $0x4000  }
0x36: {  	[sflag:s10] =	ssyncset.done $0x0  }
0x37: {  	[sflag:s10] =	ssyncadd.s32 $0xFFFFC000  }
0x38: {  	[spmem:s3] =	stream.indirect.scatter.add.f32 [tilespmem:s9], [sflag:$0x1], $0x80, s18, s17, $0xb8;
	[tilespmem:$0x18400] =	vst v63  }
0x39: {  	_ =	swait.ge [sflag:s10], $0x4000  }
0x3a: {  	[sflag:s10] =	ssyncset.done $0x0  }
0x3b: {  	[sflag:s10] =	ssyncadd.s32 $0xFFFFC000  }
0x3c: {  	[spmem:s3] =	stream.indirect.scatter.add.f32 [tilespmem:s9], [sflag:$0x1], $0x80, s19, s17, $0xb8;
	[tilespmem:$0x18400] =	vst v63  }
0x3d: {  	_ =	swait.ge [sflag:s10], $0x4000  }
0x3e: {  	[sflag:s10] =	ssyncset.done $0x0  }
0x3f: {  	[sflag:s10] =	ssyncadd.s32 $0xFFFFC000  }
0x40: {  	[spmem:s3] =	stream.indirect.scatter.add.f32 [tilespmem:s9], [sflag:$0x1], $0x80, s20, s17, $0xb8;
	[tilespmem:$0x18400] =	vst v63  }
0x41: {  	_ =	swait.ge [sflag:s10], $0x4000  }
0x42: {  	[sflag:s10] =	ssyncset.done $0x0  }
0x43: {  	[sflag:s10] =	ssyncadd.s32 $0xFFFFC000  }
0x44: {  	[spmem:s3] =	stream.indirect.scatter.add.f32 [tilespmem:s9], [sflag:$0x1], $0x80, s21, s17, $0xb8;
	[tilespmem:$0x18400] =	vst v63  }
0x45: {  	_ =	swait.ge [sflag:s10], $0x4000  }
0x46: {  	[sflag:s10] =	ssyncset.done $0x0  }
0x47: {  	[sflag:s10] =	ssyncadd.s32 $0xFFFFC000  }
0x48: {  	[spmem:s3] =	stream.indirect.scatter.add.f32 [tilespmem:s9], [sflag:$0x1], $0x80, s22, s17, $0xb8;
	[tilespmem:$0x18400] =	vst v63  }
0x49: {  	_ =	swait.ge [sflag:s10], $0x4000  }
0x4a: {  	[sflag:s10] =	ssyncset.done $0x0  }
0x4b: {  	[sflag:s10] =	ssyncadd.s32 $0xFFFFC000  }
0x4c: {  	[spmem:s3] =	stream.indirect.scatter.add.f32 [tilespmem:s9], [sflag:$0x1], $0x80, s23, s17, $0xb8;
	[tilespmem:$0x18400] =	vst v63  }
0x4d: {  	_ =	swait.ge [sflag:s10], $0x4000  }
0x4e: {  	s28 =	simm.s32 $0x100;
	s25 =	simm.s32 $0x80;
	[sflag:s10] =	ssyncset.done $0x0  }
.LBB2_2:
0x4f: {  	s29 =	sadd.s32 s25, s8  }
0x50: {  	[sflag:s10] =	ssyncadd.s32 $0xFFFFC000;
	s25 =	smov.u32 s28;
	s26 =	sadd.s32 $0x80, s28  }
0x51: {  	[tilespmem:s4], [sflag:$0x1] =	stream.linear.gather [hbm4b:s29+s4], $0x400, $0x38;
	[tilespmem:$0x18400] =	vst v63  }
0x52: {  	p0 =	sne.s32 s28, $0x480;
	_ =	swait.ge [sflag:s10], $0x400  }
0x53: {  	[sflag:s10] =	ssyncset.done $0x0  }
0x54: {  	[sflag:s10] =	ssyncadd.s32 $0xFFFFFC00  }
0x55: {  	[spmem:s3] =	stream.indirect.scatter.add.f32 [tilespmem:s9], [sflag:$0x1], $0x80, s4, s17, $0xb8;
	[tilespmem:$0x18400] =	vst v63  }
0x56: {  	_ =	swait.ge [sflag:s10], $0x4000  }
0x57: {  	[sflag:s10] =	ssyncset.done $0x0  }
0x58: {  	[sflag:s10] =	ssyncadd.s32 $0xFFFFC000  }
0x59: {  	[spmem:s3] =	stream.indirect.scatter.add.f32 [tilespmem:s9], [sflag:$0x1], $0x80, s17, s17, $0xb8;
	[tilespmem:$0x18400] =	vst v63  }
0x5a: {  	_ =	swait.ge [sflag:s10], $0x4000  }
0x5b: {  	[sflag:s10] =	ssyncset.done $0x0  }
0x5c: {  	[sflag:s10] =	ssyncadd.s32 $0xFFFFC000  }
0x5d: {  	[spmem:s3] =	stream.indirect.scatter.add.f32 [tilespmem:s9], [sflag:$0x1], $0x80, s18, s17, $0xb8;
	[tilespmem:$0x18400] =	vst v63  }
0x5e: {  	_ =	swait.ge [sflag:s10], $0x4000  }
0x5f: {  	[sflag:s10] =	ssyncset.done $0x0  }
0x60: {  	[sflag:s10] =	ssyncadd.s32 $0xFFFFC000  }
0x61: {  	[spmem:s3] =	stream.indirect.scatter.add.f32 [tilespmem:s9], [sflag:$0x1], $0x80, s19, s17, $0xb8;
	[tilespmem:$0x18400] =	vst v63  }
0x62: {  	_ =	swait.ge [sflag:s10], $0x4000  }
0x63: {  	[sflag:s10] =	ssyncset.done $0x0  }
0x64: {  	[sflag:s10] =	ssyncadd.s32 $0xFFFFC000  }
0x65: {  	[spmem:s3] =	stream.indirect.scatter.add.f32 [tilespmem:s9], [sflag:$0x1], $0x80, s20, s17, $0xb8;
	[tilespmem:$0x18400] =	vst v63  }
0x66: {  	_ =	swait.ge [sflag:s10], $0x4000  }
0x67: {  	[sflag:s10] =	ssyncset.done $0x0  }
0x68: {  	[sflag:s10] =	ssyncadd.s32 $0xFFFFC000  }
0x69: {  	[spmem:s3] =	stream.indirect.scatter.add.f32 [tilespmem:s9], [sflag:$0x1], $0x80, s21, s17, $0xb8;
	[tilespmem:$0x18400] =	vst v63  }
0x6a: {  	_ =	swait.ge [sflag:s10], $0x4000  }
0x6b: {  	[sflag:s10] =	ssyncset.done $0x0  }
0x6c: {  	[sflag:s10] =	ssyncadd.s32 $0xFFFFC000  }
0x6d: {  	[spmem:s3] =	stream.indirect.scatter.add.f32 [tilespmem:s9], [sflag:$0x1], $0x80, s22, s17, $0xb8;
	[tilespmem:$0x18400] =	vst v63  }
0x6e: {  	_ =	swait.ge [sflag:s10], $0x4000  }
.Ltmp0:
0x6f: {  	[sflag:s10] =	ssyncset.done $0x0;
	(pc) =	sbr.rel @p0 .LBB2_2-.Ltmp0, $4  }
0x70: {  	[sflag:s10] =	ssyncadd.s32 $0xFFFFC000  }
0x71: {  	[spmem:s3] =	stream.indirect.scatter.add.f32 [tilespmem:s9], [sflag:$0x1], $0x80, s23, s17, $0xb8;
	[tilespmem:$0x18400] =	vst v63  }
0x72: {  	_ =	swait.ge [sflag:s10], $0x4000  }
0x73: {  	s28 =	smov.u32 s26;
	[sflag:s10] =	ssyncset.done $0x0  }
0x74: {  	s25 =	sadd.s32 s25, s8;
	[sflag:s10] =	ssyncadd.s32 $0xFFFFC000  }
0x75: {  	[tilespmem:s4], [sflag:$0x1] =	stream.linear.gather [hbm4b:s25+s4], $0x400, $0x38;
	[tilespmem:$0x18400] =	vst v63  }
0x76: {  	_ =	swait.ge [sflag:s10], $0x400  }
0x77: {  	[sflag:s10] =	ssyncset.done $0x0  }
0x78: {  	[sflag:s10] =	ssyncadd.s32 $0xFFFFFC00  }
0x79: {  	[spmem:s3] =	stream.indirect.scatter.add.f32 [tilespmem:s9], [sflag:$0x1], $0x80, s4, s17, $0xb8;
	[tilespmem:$0x18400] =	vst v63  }
0x7a: {  	_ =	swait.ge [sflag:s10], $0x4000  }
0x7b: {  	[sflag:s10] =	ssyncset.done $0x0  }
0x7c: {  	[sflag:s10] =	ssyncadd.s32 $0xFFFFC000  }
0x7d: {  	[spmem:s3] =	stream.indirect.scatter.add.f32 [tilespmem:s9], [sflag:$0x1], $0x80, s17, s17, $0xb8;
	[tilespmem:$0x18400] =	vst v63  }
0x7e: {  	_ =	swait.ge [sflag:s10], $0x4000  }
0x7f: {  	[sflag:s10] =	ssyncset.done $0x0  }
0x80: {  	[sflag:s10] =	ssyncadd.s32 $0xFFFFC000  }
0x81: {  	[spmem:s3] =	stream.indirect.scatter.add.f32 [tilespmem:s9], [sflag:$0x1], $0x80, s18, s17, $0xb8;
	[tilespmem:$0x18400] =	vst v63  }
0x82: {  	_ =	swait.ge [sflag:s10], $0x4000  }
0x83: {  	[sflag:s10] =	ssyncset.done $0x0  }
0x84: {  	[sflag:s10] =	ssyncadd.s32 $0xFFFFC000  }
0x85: {  	[spmem:s3] =	stream.indirect.scatter.add.f32 [tilespmem:s9], [sflag:$0x1], $0x80, s19, s17, $0xb8;
	[tilespmem:$0x18400] =	vst v63  }
0x86: {  	_ =	swait.ge [sflag:s10], $0x4000  }
0x87: {  	[sflag:s10] =	ssyncset.done $0x0  }
0x88: {  	[sflag:s10] =	ssyncadd.s32 $0xFFFFC000  }
0x89: {  	[spmem:s3] =	stream.indirect.scatter.add.f32 [tilespmem:s9], [sflag:$0x1], $0x80, s20, s17, $0xb8;
	[tilespmem:$0x18400] =	vst v63  }
0x8a: {  	_ =	swait.ge [sflag:s10], $0x4000  }
0x8b: {  	[sflag:s10] =	ssyncset.done $0x0  }
0x8c: {  	[sflag:s10] =	ssyncadd.s32 $0xFFFFC000  }
0x8d: {  	[spmem:s3] =	stream.indirect.scatter.add.f32 [tilespmem:s9], [sflag:$0x1], $0x80, s21, s17, $0xb8;
	[tilespmem:$0x18400] =	vst v63  }
0x8e: {  	_ =	swait.ge [sflag:s10], $0x4000  }
0x8f: {  	[sflag:s10] =	ssyncset.done $0x0  }
0x90: {  	[sflag:s10] =	ssyncadd.s32 $0xFFFFC000  }
0x91: {  	[spmem:s3] =	stream.indirect.scatter.add.f32 [tilespmem:s9], [sflag:$0x1], $0x80, s22, s17, $0xb8;
	[tilespmem:$0x18400] =	vst v63  }
0x92: {  	_ =	swait.ge [sflag:s10], $0x4000  }
0x93: {  	[sflag:s10] =	ssyncset.done $0x0  }
0x94: {  	[sflag:s10] =	ssyncadd.s32 $0xFFFFC000  }
0x95: {  	[spmem:s3] =	stream.indirect.scatter.add.f32 [tilespmem:s9], [sflag:$0x1], $0x80, s23, s17, $0xb8;
	[tilespmem:$0x18400] =	vst v63  }
0x96: {  	_ =	swait.ge [sflag:s10], $0x4000  }
0x97: {  	s24 =	sadd.s32 $0x1, s24;
	[sflag:s10] =	ssyncset.done $0x0  }
0x98: {  	p0 =	sne.s32 s24, s7;
	[sflag:s10] =	ssyncadd.s32 $0xFFFFC000  }
.Ltmp1:
0x99: {  	[bflag:$0x0] =	sbarrier.arrive $0xFFFF;
	(pc) =	sbr.rel @p0 .LBB2_1-.Ltmp1, $4  }
0x9a: {  	[hbm:s6], [sflag:s11] =	dma.local [spmem:s12], $0x2800  }
0x9b: {  	_ =	swait.ge [sflag:s10], $0x2800  }
0x9c: {  	[sflag:s10] =	ssyncset.done $0x0  }
0x9d: {  	[sflag:s10] =	ssyncadd.s32 $0xFFFFD800  }
0x9e: {  	_ =	sfence.sel $0x180000  }
0x9f: {  	[bflag:$0x0] =	sbarrier.arrive $0xFFFF  }
0xa0: {  	p0 =	sne.s32 s0, $0x0;
	_ =	strace $0x90000047  }
0xa1: {  	s0 =	sadd.s32 @!p0 $0x100000, s1;
	[bflag:$0x2] =	sbarrier.arrive $0xFFFF  }
0xa2: {  	[sflag:s0] =	ssyncadd.tile.s32 @!p0 $0x1;
	_ =	shalt  }
.Lfunc_end2:
_tile_overlayer_lowered:
.L_overlay_start_2:
0xa3: {  	(tag) =	ssettag $0x2  }
0xa4: {  	s0 =	rddreg [dreg:$0x0];
	s2 =	stileid.u32  }
0xa5: {  	s1 =	rddreg [dreg:$0x1];
	p0 =	sne.s32 s2, $0x0  }
0xa6: {  	s3 =	rddreg [dreg:$0x2];
	[bflag:$0x3] =	sbarrier.arrive $0xFFFF;
	s2 =	simm.s32 @!p0 $0x1C01  }
0xa7: {  	[timem:s3], [sflag:s2] =	dma.local @!p0 [hbm:s0], s1  }
0xa8: {  	s0 =	simm.s32 @!p0 $0x1  }
0xa9: {  	_ =	swait.ge @!p0 [sflag:s0], s1  }
0xaa: {  	s1 =	ssub.s32 @!p0 $0x0, s1;
	[sflag:s0] =	ssyncset.done @!p0 $0x0  }
0xab: {  	[sflag:s0] =	ssyncadd.s32 @!p0 s1  }
0xac: {  	[bflag:$0x3] =	sbarrier.arrive $0xFFFF  }
0xad: {  	_ =	shalt  }

</sc_bundles>
